<compile_context>
chip_gen: v7x
topology: tpu7x:2x2x1
jax: 0.10.2.dev20260603
libtpu: 0.0.44.dev20260713+nightly
codegen_flags: <defaults>
</compile_context>

<pallas_src>
import functools

import jax
import jax.numpy as jnp
from jax import lax
from jax.experimental import pallas as pl
from jax.experimental.pallas import tpu as pltpu
from jax.experimental.pallas import tpu_sc as plsc

BATCH = 4096
SEQ = 200
D = 64
HID = 128
CLS = 128

NC = 2
NS = 16
NW = NC * NS
LANES = 16

C = 2
G_SPLIT = ((0, 104), (104, 96))
ROWS_PER_W = BATCH // NW
CHUNKS_PER_W = ROWS_PER_W // C
NCOL = D // LANES


NBUF = 6


def _pool_body(x_hbm, emb, out, idx_all, *rest):
    bufs = rest[:NBUF]
    out_stage = rest[NBUF]
    sems = rest[NBUF + 1:]
    wid = lax.axis_index("s") * NC + lax.axis_index("c")
    base_row = wid * ROWS_PER_W

    pltpu.sync_copy(x_hbm.at[pl.ds(base_row, ROWS_PER_W)], idx_all)

    def fire(g, buf, sem):
        for off, size in G_SPLIT:
            pltpu.async_copy(
                emb.at[idx_all.at[g, pl.ds(off, size)]],
                buf.at[pl.ds(off, size)], sem)

    def wait_all(buf, sem):
        pltpu.make_async_copy(emb.at[pl.ds(0, SEQ)], buf, sem).wait()

    def accumulate(g, buf):
        def red_body(r8, accs):
            accs = list(accs)
            for rr in range(8):
                r = r8 * 8 + rr
                s = (rr & 1) * NCOL
                for c in range(NCOL):
                    accs[s + c] = accs[s + c] + buf[
                        r, pl.ds(c * LANES, LANES)]
            return tuple(accs)

        accs = lax.fori_loop(
            0, SEQ // 8, red_body,
            tuple(jnp.zeros((LANES,), jnp.float32)
                  for _ in range(2 * NCOL)))
        for c in range(NCOL):
            out_stage[g, pl.ds(c * LANES, LANES)] = (
                (accs[c] + accs[NCOL + c]) * (1.0 / SEQ))

    for k in range(NBUF):
        fire(k, bufs[k], sems[k])

    def outer(h, carry):
        for k in range(NBUF):
            g = NBUF * h + k
            wait_all(bufs[k], sems[k])
            accumulate(g, bufs[k])

            @pl.when(g + NBUF < ROWS_PER_W)
            def _():
                fire(g + NBUF, bufs[k], sems[k])
        return carry

    MAIN = (ROWS_PER_W // NBUF) * NBUF
    lax.fori_loop(0, MAIN // NBUF, outer, 0)
    for g in range(MAIN, ROWS_PER_W):
        k = g % NBUF
        wait_all(bufs[k], sems[k])
        accumulate(g, bufs[k])
    pltpu.sync_copy(out_stage, out.at[pl.ds(base_row, ROWS_PER_W)])


@jax.jit
def _pool(x, emb):
    mesh = plsc.VectorSubcoreMesh(core_axis_name="c", subcore_axis_name="s")
    return pl.kernel(
        _pool_body,
        out_type=jax.ShapeDtypeStruct((BATCH, D), jnp.float32),
        mesh=mesh,
        compiler_params=pltpu.CompilerParams(use_tc_tiling_on_sc=False),
        scratch_types=(
            [pltpu.VMEM((ROWS_PER_W, SEQ), jnp.int32)]
            + [pltpu.VMEM((SEQ, D), jnp.float32) for _ in range(NBUF)]
            + [pltpu.VMEM((ROWS_PER_W, D), jnp.float32)]
            + [pltpu.SemaphoreType.DMA for _ in range(NBUF)]
        ),
    )(x, emb)


def _mlp_body(p_ref, w1t_ref, b1_ref, w2t_ref, b2_ref, o_ref):
    h = jnp.dot(p_ref[...], w1t_ref[...],
                preferred_element_type=jnp.float32) + b1_ref[...]
    o_ref[...] = jnp.dot(h, w2t_ref[...],
                         preferred_element_type=jnp.float32) + b2_ref[...]


@jax.jit
def _mlp(pooled, W1t, b1, W2t, b2):
    return pl.pallas_call(
        _mlp_body,
        out_shape=jax.ShapeDtypeStruct((BATCH, CLS), jnp.float32),
    )(pooled, W1t, b1, W2t, b2)


def kernel(x, emb, W1, b1, W2, b2):
    pooled = _pool(x, emb)
    return _mlp(pooled, W1.T, b1[None, :], W2.T, b2[None, :])

# --- scband reference (transcript-rebuilt; emitter-appended) ---
"""Pipeline reference for scband-fast-text-model-43550968382229 (READ-ONLY COPY).

The authoritative reference and input builder live on the scoring server;
editing this copy changes nothing except your own understanding.
"""

import jax, jax.numpy as jnp
import numpy as np

VOCAB = 1000000
EMBED_DIM = 64
HIDDEN_DIM = 128
NUM_CLASSES = 128
BATCH = 4096
SEQ = 200


def setup_inputs(seed: int = 0) -> dict:
    key = jax.random.key(seed)
    k_idx, k_emb, k_w1, k_b1, k_w2, k_b2 = jax.random.split(key, 6)
    x = jax.random.randint(k_idx, (BATCH, SEQ), 0, VOCAB, dtype=jnp.int64 if jax.config.jax_enable_x64 else jnp.int32).astype(jnp.int32)
    emb = jax.random.normal(k_emb, (VOCAB, EMBED_DIM), dtype=jnp.float32) * 0.02
    W1 = jax.random.normal(k_w1, (HIDDEN_DIM, EMBED_DIM), dtype=jnp.float32) * (1.0 / np.sqrt(EMBED_DIM))
    b1 = jax.random.normal(k_b1, (HIDDEN_DIM,), dtype=jnp.float32) * 0.01
    W2 = jax.random.normal(k_w2, (NUM_CLASSES, HIDDEN_DIM), dtype=jnp.float32) * (1.0 / np.sqrt(HIDDEN_DIM))
    b2 = jax.random.normal(k_b2, (NUM_CLASSES,), dtype=jnp.float32) * 0.01
    return {"x": x, "emb": emb, "W1": W1, "b1": b1, "W2": W2, "b2": b2}


def reference(x, emb, W1, b1, W2, b2):
    # embedding lookup (gather) -> dropout is identity in eval mode -> mean over seq dim
    embedded = jnp.take(emb, x, axis=0)            # [B, L, D]
    pooled = embedded.mean(axis=1)                  # [B, D]
    h = pooled @ W1.T + b1                          # [B, H]
    out = h @ W2.T + b2                             # [B, C]
    return out

if __name__ == "__main__":
    import jax
    _d = setup_inputs()
    print(jax.jit(kernel)(*tuple(_d.values())))

</pallas_src>

<mosaic_0001>
#map = affine_map<(d0, d1) -> (0, 0)>
module attributes {stable_mosaic.version = 14 : i64} {
  func.func @_pool_body(%arg0: i32, %arg1: i32, %arg2: memref<4096x200xi32, #tpu.memory_space<hbm>>, %arg3: memref<1000000x64xf32, #tpu.memory_space<hbm>>, %arg4: memref<4096x64xf32, #tpu.memory_space<hbm>>, %arg5: memref<128x200xi32, #tpu.memory_space<vmem>>, %arg6: memref<200x64xf32, #tpu.memory_space<vmem>>, %arg7: memref<200x64xf32, #tpu.memory_space<vmem>>, %arg8: memref<200x64xf32, #tpu.memory_space<vmem>>, %arg9: memref<200x64xf32, #tpu.memory_space<vmem>>, %arg10: memref<200x64xf32, #tpu.memory_space<vmem>>, %arg11: memref<200x64xf32, #tpu.memory_space<vmem>>, %arg12: memref<128x64xf32, #tpu.memory_space<vmem>>, %arg13: memref<!tpu.dma_semaphore, #tpu.memory_space<semaphore_mem>>, %arg14: memref<!tpu.dma_semaphore, #tpu.memory_space<semaphore_mem>>, %arg15: memref<!tpu.dma_semaphore, #tpu.memory_space<semaphore_mem>>, %arg16: memref<!tpu.dma_semaphore, #tpu.memory_space<semaphore_mem>>, %arg17: memref<!tpu.dma_semaphore, #tpu.memory_space<semaphore_mem>>, %arg18: memref<!tpu.dma_semaphore, #tpu.memory_space<semaphore_mem>>) attributes {dimension_semantics = [#tpu.dimension_semantics<core_parallel>, #tpu.dimension_semantics<subcore_parallel>], iteration_bounds = array<i64: 2, 16>, scalar_prefetch = 0 : i64, scratch_operands = 14 : i64, tpu.core_type = #tpu.core_type<sc_vector_subcore>, window_params = [{transform_indices = #map}, {transform_indices = #map}, {transform_indices = #map}]} {
    %mul3A = arith.constant 2 : i32
    %mul3A_0 = arith.muli %arg1, %mul3A : i32
    %add3A = arith.addi %mul3A_0, %arg0 : i32
    %mul3A_1 = arith.constant 128 : i32
    %mul3A_2 = arith.muli %add3A, %mul3A_1 : i32
    "tpu.region"() ({
      %run_scoped3A = tpu.sem_alloc : memref<!tpu.dma_semaphore, #tpu.memory_space<semaphore_mem>>
      %dma_start3A_260 = arith.constant 0 : i32
      %dma_start3A_261 = tpu.memref_slice %arg2[%mul3A_2, %dma_start3A_260] : memref<4096x200xi32, #tpu.memory_space<hbm>> -> memref<128x200xi32, #tpu.memory_space<hbm>>
      %dma_start3A_262 = arith.constant 0 : i32
      %dma_start3A_263 = tpu.memref_slice %arg2[%mul3A_2, %dma_start3A_262] : memref<4096x200xi32, #tpu.memory_space<hbm>> -> memref<128x200xi32, #tpu.memory_space<hbm>>
      tpu.enqueue_dma source(%dma_start3A_263 : memref<128x200xi32, #tpu.memory_space<hbm>>) target(%arg5 : memref<128x200xi32, #tpu.memory_space<vmem>>) target_semaphore(%run_scoped3A : memref<!tpu.dma_semaphore, #tpu.memory_space<semaphore_mem>>)
      %dma_wait3A_264 = arith.constant 0 : i32
      %dma_wait3A_265 = tpu.memref_slice %arg2[%mul3A_2, %dma_wait3A_264] : memref<4096x200xi32, #tpu.memory_space<hbm>> -> memref<128x200xi32, #tpu.memory_space<hbm>>
      %dma_wait3A_266 = arith.constant 0 : i32
      %dma_wait3A_267 = tpu.memref_slice %arg2[%mul3A_2, %dma_wait3A_266] : memref<4096x200xi32, #tpu.memory_space<hbm>> -> memref<128x200xi32, #tpu.memory_space<hbm>>
      tpu.wait_dma2 semaphore(%run_scoped3A : memref<!tpu.dma_semaphore, #tpu.memory_space<semaphore_mem>>) src(%dma_wait3A_267 : memref<128x200xi32, #tpu.memory_space<hbm>>) dst(%arg5 : memref<128x200xi32, #tpu.memory_space<vmem>>)
      tpu.yield
    }) : () -> ()
    %dma_start3A = arith.constant 0 : i32
    %dma_start3A_3 = arith.constant 0 : i32
    %dma_start3A_4 = arith.constant 0 : i32
    %dma_start3A_5 = tpu.memref_slice %arg6[%dma_start3A_3, %dma_start3A_4] : memref<200x64xf32, #tpu.memory_space<vmem>> -> memref<104x64xf32, #tpu.memory_space<vmem>>
    %dma_start3A_6 = arith.constant 0 : i32
    %dma_start3A_7 = tpu.memref_slice %arg5[%dma_start3A, %dma_start3A_6] : memref<128x200xi32, #tpu.memory_space<vmem>> -> memref<1x104xi32, #tpu.memory_space<vmem>>
    %dma_start3A_8 = tpu.memref_squeeze %dma_start3A_7 : memref<1x104xi32, #tpu.memory_space<vmem>> -> memref<104xi32, #tpu.memory_space<vmem>>
    %dma_start3A_9 = arith.constant 0 : i32
    %dma_start3A_10 = arith.constant 0 : i32
    %dma_start3A_11 = tpu.memref_slice %arg3[%dma_start3A_9, %dma_start3A_10] : memref<1000000x64xf32, #tpu.memory_space<hbm>> -> memref<1000000x64xf32, #tpu.memory_space<hbm>>
    tpu.enqueue_indirect_dma source(%dma_start3A_11 : memref<1000000x64xf32, #tpu.memory_space<hbm>>) target(%dma_start3A_5 : memref<104x64xf32, #tpu.memory_space<vmem>>) offsets(%dma_start3A_8 : memref<104xi32, #tpu.memory_space<vmem>>) semaphore(%arg13 : memref<!tpu.dma_semaphore, #tpu.memory_space<semaphore_mem>>)
    %dma_start3A_12 = arith.constant 0 : i32
    %dma_start3A_13 = arith.constant 104 : i32
    %dma_start3A_14 = arith.constant 0 : i32
    %dma_start3A_15 = tpu.memref_slice %arg6[%dma_start3A_13, %dma_start3A_14] : memref<200x64xf32, #tpu.memory_space<vmem>> -> memref<96x64xf32, #tpu.memory_space<vmem>>
    %dma_start3A_16 = arith.constant 104 : i32
    %dma_start3A_17 = tpu.memref_slice %arg5[%dma_start3A_12, %dma_start3A_16] : memref<128x200xi32, #tpu.memory_space<vmem>> -> memref<1x96xi32, #tpu.memory_space<vmem>>
    %dma_start3A_18 = tpu.memref_squeeze %dma_start3A_17 : memref<1x96xi32, #tpu.memory_space<vmem>> -> memref<96xi32, #tpu.memory_space<vmem>>
    %dma_start3A_19 = arith.constant 0 : i32
    %dma_start3A_20 = arith.constant 0 : i32
    %dma_start3A_21 = tpu.memref_slice %arg3[%dma_start3A_19, %dma_start3A_20] : memref<1000000x64xf32, #tpu.memory_space<hbm>> -> memref<1000000x64xf32, #tpu.memory_space<hbm>>
    tpu.enqueue_indirect_dma source(%dma_start3A_21 : memref<1000000x64xf32, #tpu.memory_space<hbm>>) target(%dma_start3A_15 : memref<96x64xf32, #tpu.memory_space<vmem>>) offsets(%dma_start3A_18 : memref<96xi32, #tpu.memory_space<vmem>>) semaphore(%arg13 : memref<!tpu.dma_semaphore, #tpu.memory_space<semaphore_mem>>)
    %dma_start3A_22 = arith.constant 1 : i32
    %dma_start3A_23 = arith.constant 0 : i32
    %dma_start3A_24 = arith.constant 0 : i32
    %dma_start3A_25 = tpu.memref_slice %arg7[%dma_start3A_23, %dma_start3A_24] : memref<200x64xf32, #tpu.memory_space<vmem>> -> memref<104x64xf32, #tpu.memory_space<vmem>>
    %dma_start3A_26 = arith.constant 0 : i32
    %dma_start3A_27 = tpu.memref_slice %arg5[%dma_start3A_22, %dma_start3A_26] : memref<128x200xi32, #tpu.memory_space<vmem>> -> memref<1x104xi32, #tpu.memory_space<vmem>>
    %dma_start3A_28 = tpu.memref_squeeze %dma_start3A_27 : memref<1x104xi32, #tpu.memory_space<vmem>> -> memref<104xi32, #tpu.memory_space<vmem>>
    %dma_start3A_29 = arith.constant 0 : i32
    %dma_start3A_30 = arith.constant 0 : i32
    %dma_start3A_31 = tpu.memref_slice %arg3[%dma_start3A_29, %dma_start3A_30] : memref<1000000x64xf32, #tpu.memory_space<hbm>> -> memref<1000000x64xf32, #tpu.memory_space<hbm>>
    tpu.enqueue_indirect_dma source(%dma_start3A_31 : memref<1000000x64xf32, #tpu.memory_space<hbm>>) target(%dma_start3A_25 : memref<104x64xf32, #tpu.memory_space<vmem>>) offsets(%dma_start3A_28 : memref<104xi32, #tpu.memory_space<vmem>>) semaphore(%arg14 : memref<!tpu.dma_semaphore, #tpu.memory_space<semaphore_mem>>)
    %dma_start3A_32 = arith.constant 1 : i32
    %dma_start3A_33 = arith.constant 104 : i32
    %dma_start3A_34 = arith.constant 0 : i32
    %dma_start3A_35 = tpu.memref_slice %arg7[%dma_start3A_33, %dma_start3A_34] : memref<200x64xf32, #tpu.memory_space<vmem>> -> memref<96x64xf32, #tpu.memory_space<vmem>>
    %dma_start3A_36 = arith.constant 104 : i32
    %dma_start3A_37 = tpu.memref_slice %arg5[%dma_start3A_32, %dma_start3A_36] : memref<128x200xi32, #tpu.memory_space<vmem>> -> memref<1x96xi32, #tpu.memory_space<vmem>>
    %dma_start3A_38 = tpu.memref_squeeze %dma_start3A_37 : memref<1x96xi32, #tpu.memory_space<vmem>> -> memref<96xi32, #tpu.memory_space<vmem>>
    %dma_start3A_39 = arith.constant 0 : i32
    %dma_start3A_40 = arith.constant 0 : i32
    %dma_start3A_41 = tpu.memref_slice %arg3[%dma_start3A_39, %dma_start3A_40] : memref<1000000x64xf32, #tpu.memory_space<hbm>> -> memref<1000000x64xf32, #tpu.memory_space<hbm>>
    tpu.enqueue_indirect_dma source(%dma_start3A_41 : memref<1000000x64xf32, #tpu.memory_space<hbm>>) target(%dma_start3A_35 : memref<96x64xf32, #tpu.memory_space<vmem>>) offsets(%dma_start3A_38 : memref<96xi32, #tpu.memory_space<vmem>>) semaphore(%arg14 : memref<!tpu.dma_semaphore, #tpu.memory_space<semaphore_mem>>)
    %dma_start3A_42 = arith.constant 2 : i32
    %dma_start3A_43 = arith.constant 0 : i32
    %dma_start3A_44 = arith.constant 0 : i32
    %dma_start3A_45 = tpu.memref_slice %arg8[%dma_start3A_43, %dma_start3A_44] : memref<200x64xf32, #tpu.memory_space<vmem>> -> memref<104x64xf32, #tpu.memory_space<vmem>>
    %dma_start3A_46 = arith.constant 0 : i32
    %dma_start3A_47 = tpu.memref_slice %arg5[%dma_start3A_42, %dma_start3A_46] : memref<128x200xi32, #tpu.memory_space<vmem>> -> memref<1x104xi32, #tpu.memory_space<vmem>>
    %dma_start3A_48 = tpu.memref_squeeze %dma_start3A_47 : memref<1x104xi32, #tpu.memory_space<vmem>> -> memref<104xi32, #tpu.memory_space<vmem>>
    %dma_start3A_49 = arith.constant 0 : i32
    %dma_start3A_50 = arith.constant 0 : i32
    %dma_start3A_51 = tpu.memref_slice %arg3[%dma_start3A_49, %dma_start3A_50] : memref<1000000x64xf32, #tpu.memory_space<hbm>> -> memref<1000000x64xf32, #tpu.memory_space<hbm>>
    tpu.enqueue_indirect_dma source(%dma_start3A_51 : memref<1000000x64xf32, #tpu.memory_space<hbm>>) target(%dma_start3A_45 : memref<104x64xf32, #tpu.memory_space<vmem>>) offsets(%dma_start3A_48 : memref<104xi32, #tpu.memory_space<vmem>>) semaphore(%arg15 : memref<!tpu.dma_semaphore, #tpu.memory_space<semaphore_mem>>)
    %dma_start3A_52 = arith.constant 2 : i32
    %dma_start3A_53 = arith.constant 104 : i32
    %dma_start3A_54 = arith.constant 0 : i32
    %dma_start3A_55 = tpu.memref_slice %arg8[%dma_start3A_53, %dma_start3A_54] : memref<200x64xf32, #tpu.memory_space<vmem>> -> memref<96x64xf32, #tpu.memory_space<vmem>>
    %dma_start3A_56 = arith.constant 104 : i32
    %dma_start3A_57 = tpu.memref_slice %arg5[%dma_start3A_52, %dma_start3A_56] : memref<128x200xi32, #tpu.memory_space<vmem>> -> memref<1x96xi32, #tpu.memory_space<vmem>>
    %dma_start3A_58 = tpu.memref_squeeze %dma_start3A_57 : memref<1x96xi32, #tpu.memory_space<vmem>> -> memref<96xi32, #tpu.memory_space<vmem>>
    %dma_start3A_59 = arith.constant 0 : i32
    %dma_start3A_60 = arith.constant 0 : i32
    %dma_start3A_61 = tpu.memref_slice %arg3[%dma_start3A_59, %dma_start3A_60] : memref<1000000x64xf32, #tpu.memory_space<hbm>> -> memref<1000000x64xf32, #tpu.memory_space<hbm>>
    tpu.enqueue_indirect_dma source(%dma_start3A_61 : memref<1000000x64xf32, #tpu.memory_space<hbm>>) target(%dma_start3A_55 : memref<96x64xf32, #tpu.memory_space<vmem>>) offsets(%dma_start3A_58 : memref<96xi32, #tpu.memory_space<vmem>>) semaphore(%arg15 : memref<!tpu.dma_semaphore, #tpu.memory_space<semaphore_mem>>)
    %dma_start3A_62 = arith.constant 3 : i32
    %dma_start3A_63 = arith.constant 0 : i32
    %dma_start3A_64 = arith.constant 0 : i32
    %dma_start3A_65 = tpu.memref_slice %arg9[%dma_start3A_63, %dma_start3A_64] : memref<200x64xf32, #tpu.memory_space<vmem>> -> memref<104x64xf32, #tpu.memory_space<vmem>>
    %dma_start3A_66 = arith.constant 0 : i32
    %dma_start3A_67 = tpu.memref_slice %arg5[%dma_start3A_62, %dma_start3A_66] : memref<128x200xi32, #tpu.memory_space<vmem>> -> memref<1x104xi32, #tpu.memory_space<vmem>>
    %dma_start3A_68 = tpu.memref_squeeze %dma_start3A_67 : memref<1x104xi32, #tpu.memory_space<vmem>> -> memref<104xi32, #tpu.memory_space<vmem>>
    %dma_start3A_69 = arith.constant 0 : i32
    %dma_start3A_70 = arith.constant 0 : i32
    %dma_start3A_71 = tpu.memref_slice %arg3[%dma_start3A_69, %dma_start3A_70] : memref<1000000x64xf32, #tpu.memory_space<hbm>> -> memref<1000000x64xf32, #tpu.memory_space<hbm>>
    tpu.enqueue_indirect_dma source(%dma_start3A_71 : memref<1000000x64xf32, #tpu.memory_space<hbm>>) target(%dma_start3A_65 : memref<104x64xf32, #tpu.memory_space<vmem>>) offsets(%dma_start3A_68 : memref<104xi32, #tpu.memory_space<vmem>>) semaphore(%arg16 : memref<!tpu.dma_semaphore, #tpu.memory_space<semaphore_mem>>)
    %dma_start3A_72 = arith.constant 3 : i32
    %dma_start3A_73 = arith.constant 104 : i32
    %dma_start3A_74 = arith.constant 0 : i32
    %dma_start3A_75 = tpu.memref_slice %arg9[%dma_start3A_73, %dma_start3A_74] : memref<200x64xf32, #tpu.memory_space<vmem>> -> memref<96x64xf32, #tpu.memory_space<vmem>>
    %dma_start3A_76 = arith.constant 104 : i32
    %dma_start3A_77 = tpu.memref_slice %arg5[%dma_start3A_72, %dma_start3A_76] : memref<128x200xi32, #tpu.memory_space<vmem>> -> memref<1x96xi32, #tpu.memory_space<vmem>>
    %dma_start3A_78 = tpu.memref_squeeze %dma_start3A_77 : memref<1x96xi32, #tpu.memory_space<vmem>> -> memref<96xi32, #tpu.memory_space<vmem>>
    %dma_start3A_79 = arith.constant 0 : i32
    %dma_start3A_80 = arith.constant 0 : i32
    %dma_start3A_81 = tpu.memref_slice %arg3[%dma_start3A_79, %dma_start3A_80] : memref<1000000x64xf32, #tpu.memory_space<hbm>> -> memref<1000000x64xf32, #tpu.memory_space<hbm>>
    tpu.enqueue_indirect_dma source(%dma_start3A_81 : memref<1000000x64xf32, #tpu.memory_space<hbm>>) target(%dma_start3A_75 : memref<96x64xf32, #tpu.memory_space<vmem>>) offsets(%dma_start3A_78 : memref<96xi32, #tpu.memory_space<vmem>>) semaphore(%arg16 : memref<!tpu.dma_semaphore, #tpu.memory_space<semaphore_mem>>)
    %dma_start3A_82 = arith.constant 4 : i32
    %dma_start3A_83 = arith.constant 0 : i32
    %dma_start3A_84 = arith.constant 0 : i32
    %dma_start3A_85 = tpu.memref_slice %arg10[%dma_start3A_83, %dma_start3A_84] : memref<200x64xf32, #tpu.memory_space<vmem>> -> memref<104x64xf32, #tpu.memory_space<vmem>>
    %dma_start3A_86 = arith.constant 0 : i32
    %dma_start3A_87 = tpu.memref_slice %arg5[%dma_start3A_82, %dma_start3A_86] : memref<128x200xi32, #tpu.memory_space<vmem>> -> memref<1x104xi32, #tpu.memory_space<vmem>>
    %dma_start3A_88 = tpu.memref_squeeze %dma_start3A_87 : memref<1x104xi32, #tpu.memory_space<vmem>> -> memref<104xi32, #tpu.memory_space<vmem>>
    %dma_start3A_89 = arith.constant 0 : i32
    %dma_start3A_90 = arith.constant 0 : i32
    %dma_start3A_91 = tpu.memref_slice %arg3[%dma_start3A_89, %dma_start3A_90] : memref<1000000x64xf32, #tpu.memory_space<hbm>> -> memref<1000000x64xf32, #tpu.memory_space<hbm>>
    tpu.enqueue_indirect_dma source(%dma_start3A_91 : memref<1000000x64xf32, #tpu.memory_space<hbm>>) target(%dma_start3A_85 : memref<104x64xf32, #tpu.memory_space<vmem>>) offsets(%dma_start3A_88 : memref<104xi32, #tpu.memory_space<vmem>>) semaphore(%arg17 : memref<!tpu.dma_semaphore, #tpu.memory_space<semaphore_mem>>)
    %dma_start3A_92 = arith.constant 4 : i32
    %dma_start3A_93 = arith.constant 104 : i32
    %dma_start3A_94 = arith.constant 0 : i32
    %dma_start3A_95 = tpu.memref_slice %arg10[%dma_start3A_93, %dma_start3A_94] : memref<200x64xf32, #tpu.memory_space<vmem>> -> memref<96x64xf32, #tpu.memory_space<vmem>>
    %dma_start3A_96 = arith.constant 104 : i32
    %dma_start3A_97 = tpu.memref_slice %arg5[%dma_start3A_92, %dma_start3A_96] : memref<128x200xi32, #tpu.memory_space<vmem>> -> memref<1x96xi32, #tpu.memory_space<vmem>>
    %dma_start3A_98 = tpu.memref_squeeze %dma_start3A_97 : memref<1x96xi32, #tpu.memory_space<vmem>> -> memref<96xi32, #tpu.memory_space<vmem>>
    %dma_start3A_99 = arith.constant 0 : i32
    %dma_start3A_100 = arith.constant 0 : i32
    %dma_start3A_101 = tpu.memref_slice %arg3[%dma_start3A_99, %dma_start3A_100] : memref<1000000x64xf32, #tpu.memory_space<hbm>> -> memref<1000000x64xf32, #tpu.memory_space<hbm>>
    tpu.enqueue_indirect_dma source(%dma_start3A_101 : memref<1000000x64xf32, #tpu.memory_space<hbm>>) target(%dma_start3A_95 : memref<96x64xf32, #tpu.memory_space<vmem>>) offsets(%dma_start3A_98 : memref<96xi32, #tpu.memory_space<vmem>>) semaphore(%arg17 : memref<!tpu.dma_semaphore, #tpu.memory_space<semaphore_mem>>)
    %dma_start3A_102 = arith.constant 5 : i32
    %dma_start3A_103 = arith.constant 0 : i32
    %dma_start3A_104 = arith.constant 0 : i32
    %dma_start3A_105 = tpu.memref_slice %arg11[%dma_start3A_103, %dma_start3A_104] : memref<200x64xf32, #tpu.memory_space<vmem>> -> memref<104x64xf32, #tpu.memory_space<vmem>>
    %dma_start3A_106 = arith.constant 0 : i32
    %dma_start3A_107 = tpu.memref_slice %arg5[%dma_start3A_102, %dma_start3A_106] : memref<128x200xi32, #tpu.memory_space<vmem>> -> memref<1x104xi32, #tpu.memory_space<vmem>>
    %dma_start3A_108 = tpu.memref_squeeze %dma_start3A_107 : memref<1x104xi32, #tpu.memory_space<vmem>> -> memref<104xi32, #tpu.memory_space<vmem>>
    %dma_start3A_109 = arith.constant 0 : i32
    %dma_start3A_110 = arith.constant 0 : i32
    %dma_start3A_111 = tpu.memref_slice %arg3[%dma_start3A_109, %dma_start3A_110] : memref<1000000x64xf32, #tpu.memory_space<hbm>> -> memref<1000000x64xf32, #tpu.memory_space<hbm>>
    tpu.enqueue_indirect_dma source(%dma_start3A_111 : memref<1000000x64xf32, #tpu.memory_space<hbm>>) target(%dma_start3A_105 : memref<104x64xf32, #tpu.memory_space<vmem>>) offsets(%dma_start3A_108 : memref<104xi32, #tpu.memory_space<vmem>>) semaphore(%arg18 : memref<!tpu.dma_semaphore, #tpu.memory_space<semaphore_mem>>)
    %dma_start3A_112 = arith.constant 5 : i32
    %dma_start3A_113 = arith.constant 104 : i32
    %dma_start3A_114 = arith.constant 0 : i32
    %dma_start3A_115 = tpu.memref_slice %arg11[%dma_start3A_113, %dma_start3A_114] : memref<200x64xf32, #tpu.memory_space<vmem>> -> memref<96x64xf32, #tpu.memory_space<vmem>>
    %dma_start3A_116 = arith.constant 104 : i32
    %dma_start3A_117 = tpu.memref_slice %arg5[%dma_start3A_112, %dma_start3A_116] : memref<128x200xi32, #tpu.memory_space<vmem>> -> memref<1x96xi32, #tpu.memory_space<vmem>>
    %dma_start3A_118 = tpu.memref_squeeze %dma_start3A_117 : memref<1x96xi32, #tpu.memory_space<vmem>> -> memref<96xi32, #tpu.memory_space<vmem>>
    %dma_start3A_119 = arith.constant 0 : i32
    %dma_start3A_120 = arith.constant 0 : i32
    %dma_start3A_121 = tpu.memref_slice %arg3[%dma_start3A_119, %dma_start3A_120] : memref<1000000x64xf32, #tpu.memory_space<hbm>> -> memref<1000000x64xf32, #tpu.memory_space<hbm>>
    tpu.enqueue_indirect_dma source(%dma_start3A_121 : memref<1000000x64xf32, #tpu.memory_space<hbm>>) target(%dma_start3A_115 : memref<96x64xf32, #tpu.memory_space<vmem>>) offsets(%dma_start3A_118 : memref<96xi32, #tpu.memory_space<vmem>>) semaphore(%arg18 : memref<!tpu.dma_semaphore, #tpu.memory_space<semaphore_mem>>)
    %scan3A = arith.constant 0 : i32
    %scan3A_122 = arith.constant 0 : i32
    %scan3A_123 = arith.constant 21 : i32
    %scan3A_124 = arith.addi %scan3A_122, %scan3A_123 : i32
    %scan3A_125 = arith.constant 1 : i32
    scf.for %scan3A_260 = %scan3A_122 to %scan3A_124 step %scan3A_125  : i32 {
      %mul3A_261 = arith.constant 6 : i32
      %mul3A_262 = arith.muli %mul3A_261, %scan3A_260 : i32
      %add3A_263 = arith.constant 0 : i32
      %add3A_264 = arith.addi %mul3A_262, %add3A_263 : i32
      %dma_wait3A_265 = arith.constant 0 : i32
      %dma_wait3A_266 = arith.constant 0 : i32
      %dma_wait3A_267 = tpu.memref_slice %arg3[%dma_wait3A_265, %dma_wait3A_266] : memref<1000000x64xf32, #tpu.memory_space<hbm>> -> memref<200x64xf32, #tpu.memory_space<hbm>>
      %dma_wait3A_268 = arith.constant 0 : i32
      %dma_wait3A_269 = arith.constant 0 : i32
      %dma_wait3A_270 = tpu.memref_slice %arg3[%dma_wait3A_268, %dma_wait3A_269] : memref<1000000x64xf32, #tpu.memory_space<hbm>> -> memref<200x64xf32, #tpu.memory_space<hbm>>
      tpu.wait_dma2 semaphore(%arg13 : memref<!tpu.dma_semaphore, #tpu.memory_space<semaphore_mem>>) src(%dma_wait3A_270 : memref<200x64xf32, #tpu.memory_space<hbm>>) dst(%arg6 : memref<200x64xf32, #tpu.memory_space<vmem>>)
      %broadcast_in_dim3A_271 = arith.constant 0.000000e+00 : f32
      %broadcast_in_dim3A_272 = vector.broadcast %broadcast_in_dim3A_271 : f32 to vector<16xf32>
      %broadcast_in_dim3A_273 = arith.constant 0.000000e+00 : f32
      %broadcast_in_dim3A_274 = vector.broadcast %broadcast_in_dim3A_273 : f32 to vector<16xf32>
      %broadcast_in_dim3A_275 = arith.constant 0.000000e+00 : f32
      %broadcast_in_dim3A_276 = vector.broadcast %broadcast_in_dim3A_275 : f32 to vector<16xf32>
      %broadcast_in_dim3A_277 = arith.constant 0.000000e+00 : f32
      %broadcast_in_dim3A_278 = vector.broadcast %broadcast_in_dim3A_277 : f32 to vector<16xf32>
      %broadcast_in_dim3A_279 = arith.constant 0.000000e+00 : f32
      %broadcast_in_dim3A_280 = vector.broadcast %broadcast_in_dim3A_279 : f32 to vector<16xf32>
      %broadcast_in_dim3A_281 = arith.constant 0.000000e+00 : f32
      %broadcast_in_dim3A_282 = vector.broadcast %broadcast_in_dim3A_281 : f32 to vector<16xf32>
      %broadcast_in_dim3A_283 = arith.constant 0.000000e+00 : f32
      %broadcast_in_dim3A_284 = vector.broadcast %broadcast_in_dim3A_283 : f32 to vector<16xf32>
      %broadcast_in_dim3A_285 = arith.constant 0.000000e+00 : f32
      %broadcast_in_dim3A_286 = vector.broadcast %broadcast_in_dim3A_285 : f32 to vector<16xf32>
      %scan3A_287 = arith.constant 0 : i32
      %scan3A_288 = arith.constant 25 : i32
      %scan3A_289 = arith.addi %scan3A_287, %scan3A_288 : i32
      %scan3A_290 = arith.constant 1 : i32
      %scan3A_291:8 = scf.for %scan3A_708 = %scan3A_287 to %scan3A_289 step %scan3A_290 iter_args(%scan3A_709 = %broadcast_in_dim3A_272, %scan3A_710 = %broadcast_in_dim3A_274, %scan3A_711 = %broadcast_in_dim3A_276, %scan3A_712 = %broadcast_in_dim3A_278, %scan3A_713 = %broadcast_in_dim3A_280, %scan3A_714 = %broadcast_in_dim3A_282, %scan3A_715 = %broadcast_in_dim3A_284, %scan3A_716 = %broadcast_in_dim3A_286) -> (vector<16xf32>, vector<16xf32>, vector<16xf32>, vector<16xf32>, vector<16xf32>, vector<16xf32>, vector<16xf32>, vector<16xf32>)  : i32 {
        %mul3A_717 = arith.constant 8 : i32
        %mul3A_718 = arith.muli %scan3A_708, %mul3A_717 : i32
        %add3A_719 = arith.constant 0 : i32
        %add3A_720 = arith.addi %mul3A_718, %add3A_719 : i32
        %get3A = arith.index_cast %add3A_720 : i32 to index
        %get3A_721 = arith.constant 0 : index
        %get3A_722 = tpu.vector_load %arg6[%get3A, %get3A_721] {strides = array<i32>} : memref<200x64xf32, #tpu.memory_space<vmem>>, vector<1x16xf32>,
        %get3A_723 = vector.shape_cast %get3A_722 : vector<1x16xf32> to vector<16xf32>
        %add3A_724 = arith.addf %scan3A_709, %get3A_723 : vector<16xf32>
        %get3A_725 = arith.index_cast %add3A_720 : i32 to index
        %get3A_726 = arith.constant 16 : index
        %get3A_727 = tpu.vector_load %arg6[%get3A_725, %get3A_726] {strides = array<i32>} : memref<200x64xf32, #tpu.memory_space<vmem>>, vector<1x16xf32>,
        %get3A_728 = vector.shape_cast %get3A_727 : vector<1x16xf32> to vector<16xf32>
        %add3A_729 = arith.addf %scan3A_710, %get3A_728 : vector<16xf32>
        %get3A_730 = arith.index_cast %add3A_720 : i32 to index
        %get3A_731 = arith.constant 32 : index
        %get3A_732 = tpu.vector_load %arg6[%get3A_730, %get3A_731] {strides = array<i32>} : memref<200x64xf32, #tpu.memory_space<vmem>>, vector<1x16xf32>,
        %get3A_733 = vector.shape_cast %get3A_732 : vector<1x16xf32> to vector<16xf32>
        %add3A_734 = arith.addf %scan3A_711, %get3A_733 : vector<16xf32>
        %get3A_735 = arith.index_cast %add3A_720 : i32 to index
        %get3A_736 = arith.constant 48 : index
        %get3A_737 = tpu.vector_load %arg6[%get3A_735, %get3A_736] {strides = array<i32>} : memref<200x64xf32, #tpu.memory_space<vmem>>, vector<1x16xf32>,
        %get3A_738 = vector.shape_cast %get3A_737 : vector<1x16xf32> to vector<16xf32>
        %add3A_739 = arith.addf %scan3A_712, %get3A_738 : vector<16xf32>
        %mul3A_740 = arith.constant 8 : i32
        %mul3A_741 = arith.muli %scan3A_708, %mul3A_740 : i32
        %add3A_742 = arith.constant 1 : i32
        %add3A_743 = arith.addi %mul3A_741, %add3A_742 : i32
        %get3A_744 = arith.index_cast %add3A_743 : i32 to index
        %get3A_745 = arith.constant 0 : index
        %get3A_746 = tpu.vector_load %arg6[%get3A_744, %get3A_745] {strides = array<i32>} : memref<200x64xf32, #tpu.memory_space<vmem>>, vector<1x16xf32>,
        %get3A_747 = vector.shape_cast %get3A_746 : vector<1x16xf32> to vector<16xf32>
        %add3A_748 = arith.addf %scan3A_713, %get3A_747 : vector<16xf32>
        %get3A_749 = arith.index_cast %add3A_743 : i32 to index
        %get3A_750 = arith.constant 16 : index
        %get3A_751 = tpu.vector_load %arg6[%get3A_749, %get3A_750] {strides = array<i32>} : memref<200x64xf32, #tpu.memory_space<vmem>>, vector<1x16xf32>,
        %get3A_752 = vector.shape_cast %get3A_751 : vector<1x16xf32> to vector<16xf32>
        %add3A_753 = arith.addf %scan3A_714, %get3A_752 : vector<16xf32>
        %get3A_754 = arith.index_cast %add3A_743 : i32 to index
        %get3A_755 = arith.constant 32 : index
        %get3A_756 = tpu.vector_load %arg6[%get3A_754, %get3A_755] {strides = array<i32>} : memref<200x64xf32, #tpu.memory_space<vmem>>, vector<1x16xf32>,
        %get3A_757 = vector.shape_cast %get3A_756 : vector<1x16xf32> to vector<16xf32>
        %add3A_758 = arith.addf %scan3A_715, %get3A_757 : vector<16xf32>
        %get3A_759 = arith.index_cast %add3A_743 : i32 to index
        %get3A_760 = arith.constant 48 : index
        %get3A_761 = tpu.vector_load %arg6[%get3A_759, %get3A_760] {strides = array<i32>} : memref<200x64xf32, #tpu.memory_space<vmem>>, vector<1x16xf32>,
        %get3A_762 = vector.shape_cast %get3A_761 : vector<1x16xf32> to vector<16xf32>
        %add3A_763 = arith.addf %scan3A_716, %get3A_762 : vector<16xf32>
        %mul3A_764 = arith.constant 8 : i32
        %mul3A_765 = arith.muli %scan3A_708, %mul3A_764 : i32
        %add3A_766 = arith.constant 2 : i32
        %add3A_767 = arith.addi %mul3A_765, %add3A_766 : i32
        %get3A_768 = arith.index_cast %add3A_767 : i32 to index
        %get3A_769 = arith.constant 0 : index
        %get3A_770 = tpu.vector_load %arg6[%get3A_768, %get3A_769] {strides = array<i32>} : memref<200x64xf32, #tpu.memory_space<vmem>>, vector<1x16xf32>,
        %get3A_771 = vector.shape_cast %get3A_770 : vector<1x16xf32> to vector<16xf32>
        %add3A_772 = arith.addf %add3A_724, %get3A_771 : vector<16xf32>
        %get3A_773 = arith.index_cast %add3A_767 : i32 to index
        %get3A_774 = arith.constant 16 : index
        %get3A_775 = tpu.vector_load %arg6[%get3A_773, %get3A_774] {strides = array<i32>} : memref<200x64xf32, #tpu.memory_space<vmem>>, vector<1x16xf32>,
        %get3A_776 = vector.shape_cast %get3A_775 : vector<1x16xf32> to vector<16xf32>
        %add3A_777 = arith.addf %add3A_729, %get3A_776 : vector<16xf32>
        %get3A_778 = arith.index_cast %add3A_767 : i32 to index
        %get3A_779 = arith.constant 32 : index
        %get3A_780 = tpu.vector_load %arg6[%get3A_778, %get3A_779] {strides = array<i32>} : memref<200x64xf32, #tpu.memory_space<vmem>>, vector<1x16xf32>,
        %get3A_781 = vector.shape_cast %get3A_780 : vector<1x16xf32> to vector<16xf32>
        %add3A_782 = arith.addf %add3A_734, %get3A_781 : vector<16xf32>
        %get3A_783 = arith.index_cast %add3A_767 : i32 to index
        %get3A_784 = arith.constant 48 : index
        %get3A_785 = tpu.vector_load %arg6[%get3A_783, %get3A_784] {strides = array<i32>} : memref<200x64xf32, #tpu.memory_space<vmem>>, vector<1x16xf32>,
        %get3A_786 = vector.shape_cast %get3A_785 : vector<1x16xf32> to vector<16xf32>
        %add3A_787 = arith.addf %add3A_739, %get3A_786 : vector<16xf32>
        %mul3A_788 = arith.constant 8 : i32
        %mul3A_789 = arith.muli %scan3A_708, %mul3A_788 : i32
        %add3A_790 = arith.constant 3 : i32
        %add3A_791 = arith.addi %mul3A_789, %add3A_790 : i32
        %get3A_792 = arith.index_cast %add3A_791 : i32 to index
        %get3A_793 = arith.constant 0 : index
        %get3A_794 = tpu.vector_load %arg6[%get3A_792, %get3A_793] {strides = array<i32>} : memref<200x64xf32, #tpu.memory_space<vmem>>, vector<1x16xf32>,
        %get3A_795 = vector.shape_cast %get3A_794 : vector<1x16xf32> to vector<16xf32>
        %add3A_796 = arith.addf %add3A_748, %get3A_795 : vector<16xf32>
        %get3A_797 = arith.index_cast %add3A_791 : i32 to index
        %get3A_798 = arith.constant 16 : index
        %get3A_799 = tpu.vector_load %arg6[%get3A_797, %get3A_798] {strides = array<i32>} : memref<200x64xf32, #tpu.memory_space<vmem>>, vector<1x16xf32>,
        %get3A_800 = vector.shape_cast %get3A_799 : vector<1x16xf32> to vector<16xf32>
        %add3A_801 = arith.addf %add3A_753, %get3A_800 : vector<16xf32>
        %get3A_802 = arith.index_cast %add3A_791 : i32 to index
        %get3A_803 = arith.constant 32 : index
        %get3A_804 = tpu.vector_load %arg6[%get3A_802, %get3A_803] {strides = array<i32>} : memref<200x64xf32, #tpu.memory_space<vmem>>, vector<1x16xf32>,
        %get3A_805 = vector.shape_cast %get3A_804 : vector<1x16xf32> to vector<16xf32>
        %add3A_806 = arith.addf %add3A_758, %get3A_805 : vector<16xf32>
        %get3A_807 = arith.index_cast %add3A_791 : i32 to index
        %get3A_808 = arith.constant 48 : index
        %get3A_809 = tpu.vector_load %arg6[%get3A_807, %get3A_808] {strides = array<i32>} : memref<200x64xf32, #tpu.memory_space<vmem>>, vector<1x16xf32>,
        %get3A_810 = vector.shape_cast %get3A_809 : vector<1x16xf32> to vector<16xf32>
        %add3A_811 = arith.addf %add3A_763, %get3A_810 : vector<16xf32>
        %mul3A_812 = arith.constant 8 : i32
        %mul3A_813 = arith.muli %scan3A_708, %mul3A_812 : i32
        %add3A_814 = arith.constant 4 : i32
        %add3A_815 = arith.addi %mul3A_813, %add3A_814 : i32
        %get3A_816 = arith.index_cast %add3A_815 : i32 to index
        %get3A_817 = arith.constant 0 : index
        %get3A_818 = tpu.vector_load %arg6[%get3A_816, %get3A_817] {strides = array<i32>} : memref<200x64xf32, #tpu.memory_space<vmem>>, vector<1x16xf32>,
        %get3A_819 = vector.shape_cast %get3A_818 : vector<1x16xf32> to vector<16xf32>
        %add3A_820 = arith.addf %add3A_772, %get3A_819 : vector<16xf32>
        %get3A_821 = arith.index_cast %add3A_815 : i32 to index
        %get3A_822 = arith.constant 16 : index
        %get3A_823 = tpu.vector_load %arg6[%get3A_821, %get3A_822] {strides = array<i32>} : memref<200x64xf32, #tpu.memory_space<vmem>>, vector<1x16xf32>,
        %get3A_824 = vector.shape_cast %get3A_823 : vector<1x16xf32> to vector<16xf32>
        %add3A_825 = arith.addf %add3A_777, %get3A_824 : vector<16xf32>
        %get3A_826 = arith.index_cast %add3A_815 : i32 to index
        %get3A_827 = arith.constant 32 : index
        %get3A_828 = tpu.vector_load %arg6[%get3A_826, %get3A_827] {strides = array<i32>} : memref<200x64xf32, #tpu.memory_space<vmem>>, vector<1x16xf32>,
        %get3A_829 = vector.shape_cast %get3A_828 : vector<1x16xf32> to vector<16xf32>
        %add3A_830 = arith.addf %add3A_782, %get3A_829 : vector<16xf32>
        %get3A_831 = arith.index_cast %add3A_815 : i32 to index
        %get3A_832 = arith.constant 48 : index
        %get3A_833 = tpu.vector_load %arg6[%get3A_831, %get3A_832] {strides = array<i32>} : memref<200x64xf32, #tpu.memory_space<vmem>>, vector<1x16xf32>,
        %get3A_834 = vector.shape_cast %get3A_833 : vector<1x16xf32> to vector<16xf32>
        %add3A_835 = arith.addf %add3A_787, %get3A_834 : vector<16xf32>
        %mul3A_836 = arith.constant 8 : i32
        %mul3A_837 = arith.muli %scan3A_708, %mul3A_836 : i32
        %add3A_838 = arith.constant 5 : i32
        %add3A_839 = arith.addi %mul3A_837, %add3A_838 : i32
        %get3A_840 = arith.index_cast %add3A_839 : i32 to index
        %get3A_841 = arith.constant 0 : index
        %get3A_842 = tpu.vector_load %arg6[%get3A_840, %get3A_841] {strides = array<i32>} : memref<200x64xf32, #tpu.memory_space<vmem>>, vector<1x16xf32>,
        %get3A_843 = vector.shape_cast %get3A_842 : vector<1x16xf32> to vector<16xf32>
        %add3A_844 = arith.addf %add3A_796, %get3A_843 : vector<16xf32>
        %get3A_845 = arith.index_cast %add3A_839 : i32 to index
        %get3A_846 = arith.constant 16 : index
        %get3A_847 = tpu.vector_load %arg6[%get3A_845, %get3A_846] {strides = array<i32>} : memref<200x64xf32, #tpu.memory_space<vmem>>, vector<1x16xf32>,
        %get3A_848 = vector.shape_cast %get3A_847 : vector<1x16xf32> to vector<16xf32>
        %add3A_849 = arith.addf %add3A_801, %get3A_848 : vector<16xf32>
        %get3A_850 = arith.index_cast %add3A_839 : i32 to index
        %get3A_851 = arith.constant 32 : index
        %get3A_852 = tpu.vector_load %arg6[%get3A_850, %get3A_851] {strides = array<i32>} : memref<200x64xf32, #tpu.memory_space<vmem>>, vector<1x16xf32>,
        %get3A_853 = vector.shape_cast %get3A_852 : vector<1x16xf32> to vector<16xf32>
        %add3A_854 = arith.addf %add3A_806, %get3A_853 : vector<16xf32>
        %get3A_855 = arith.index_cast %add3A_839 : i32 to index
        %get3A_856 = arith.constant 48 : index
        %get3A_857 = tpu.vector_load %arg6[%get3A_855, %get3A_856] {strides = array<i32>} : memref<200x64xf32, #tpu.memory_space<vmem>>, vector<1x16xf32>,
        %get3A_858 = vector.shape_cast %get3A_857 : vector<1x16xf32> to vector<16xf32>
        %add3A_859 = arith.addf %add3A_811, %get3A_858 : vector<16xf32>
        %mul3A_860 = arith.constant 8 : i32
        %mul3A_861 = arith.muli %scan3A_708, %mul3A_860 : i32
        %add3A_862 = arith.constant 6 : i32
        %add3A_863 = arith.addi %mul3A_861, %add3A_862 : i32
        %get3A_864 = arith.index_cast %add3A_863 : i32 to index
        %get3A_865 = arith.constant 0 : index
        %get3A_866 = tpu.vector_load %arg6[%get3A_864, %get3A_865] {strides = array<i32>} : memref<200x64xf32, #tpu.memory_space<vmem>>, vector<1x16xf32>,
        %get3A_867 = vector.shape_cast %get3A_866 : vector<1x16xf32> to vector<16xf32>
        %add3A_868 = arith.addf %add3A_820, %get3A_867 : vector<16xf32>
        %get3A_869 = arith.index_cast %add3A_863 : i32 to index
        %get3A_870 = arith.constant 16 : index
        %get3A_871 = tpu.vector_load %arg6[%get3A_869, %get3A_870] {strides = array<i32>} : memref<200x64xf32, #tpu.memory_space<vmem>>, vector<1x16xf32>,
        %get3A_872 = vector.shape_cast %get3A_871 : vector<1x16xf32> to vector<16xf32>
        %add3A_873 = arith.addf %add3A_825, %get3A_872 : vector<16xf32>
        %get3A_874 = arith.index_cast %add3A_863 : i32 to index
        %get3A_875 = arith.constant 32 : index
        %get3A_876 = tpu.vector_load %arg6[%get3A_874, %get3A_875] {strides = array<i32>} : memref<200x64xf32, #tpu.memory_space<vmem>>, vector<1x16xf32>,
        %get3A_877 = vector.shape_cast %get3A_876 : vector<1x16xf32> to vector<16xf32>
        %add3A_878 = arith.addf %add3A_830, %get3A_877 : vector<16xf32>
        %get3A_879 = arith.index_cast %add3A_863 : i32 to index
        %get3A_880 = arith.constant 48 : index
        %get3A_881 = tpu.vector_load %arg6[%get3A_879, %get3A_880] {strides = array<i32>} : memref<200x64xf32, #tpu.memory_space<vmem>>, vector<1x16xf32>,
        %get3A_882 = vector.shape_cast %get3A_881 : vector<1x16xf32> to vector<16xf32>
        %add3A_883 = arith.addf %add3A_835, %get3A_882 : vector<16xf32>
        %mul3A_884 = arith.constant 8 : i32
        %mul3A_885 = arith.muli %scan3A_708, %mul3A_884 : i32
        %add3A_886 = arith.constant 7 : i32
        %add3A_887 = arith.addi %mul3A_885, %add3A_886 : i32
        %get3A_888 = arith.index_cast %add3A_887 : i32 to index
        %get3A_889 = arith.constant 0 : index
        %get3A_890 = tpu.vector_load %arg6[%get3A_888, %get3A_889] {strides = array<i32>} : memref<200x64xf32, #tpu.memory_space<vmem>>, vector<1x16xf32>,
        %get3A_891 = vector.shape_cast %get3A_890 : vector<1x16xf32> to vector<16xf32>
        %add3A_892 = arith.addf %add3A_844, %get3A_891 : vector<16xf32>
        %get3A_893 = arith.index_cast %add3A_887 : i32 to index
        %get3A_894 = arith.constant 16 : index
        %get3A_895 = tpu.vector_load %arg6[%get3A_893, %get3A_894] {strides = array<i32>} : memref<200x64xf32, #tpu.memory_space<vmem>>, vector<1x16xf32>,
        %get3A_896 = vector.shape_cast %get3A_895 : vector<1x16xf32> to vector<16xf32>
        %add3A_897 = arith.addf %add3A_849, %get3A_896 : vector<16xf32>
        %get3A_898 = arith.index_cast %add3A_887 : i32 to index
        %get3A_899 = arith.constant 32 : index
        %get3A_900 = tpu.vector_load %arg6[%get3A_898, %get3A_899] {strides = array<i32>} : memref<200x64xf32, #tpu.memory_space<vmem>>, vector<1x16xf32>,
        %get3A_901 = vector.shape_cast %get3A_900 : vector<1x16xf32> to vector<16xf32>
        %add3A_902 = arith.addf %add3A_854, %get3A_901 : vector<16xf32>
        %get3A_903 = arith.index_cast %add3A_887 : i32 to index
        %get3A_904 = arith.constant 48 : index
        %get3A_905 = tpu.vector_load %arg6[%get3A_903, %get3A_904] {strides = array<i32>} : memref<200x64xf32, #tpu.memory_space<vmem>>, vector<1x16xf32>,
        %get3A_906 = vector.shape_cast %get3A_905 : vector<1x16xf32> to vector<16xf32>
        %add3A_907 = arith.addf %add3A_859, %get3A_906 : vector<16xf32>
        scf.yield %add3A_868, %add3A_873, %add3A_878, %add3A_883, %add3A_892, %add3A_897, %add3A_902, %add3A_907 : vector<16xf32>, vector<16xf32>, vector<16xf32>, vector<16xf32>, vector<16xf32>, vector<16xf32>, vector<16xf32>, vector<16xf32>
      }
      %scan3A_292 = arith.constant 25 : i32
      %add3A_293 = arith.addf %scan3A_291#0, %scan3A_291#4 : vector<16xf32>
      %mul3A_294 = arith.constant 5.000000e-03 : f32
      %mul3A_295 = vector.broadcast %mul3A_294 : f32 to vector<16xf32>
      %mul3A_296 = arith.mulf %add3A_293, %mul3A_295 : vector<16xf32>
      %swap3A_297 = arith.index_cast %add3A_264 : i32 to index
      %swap3A_298 = arith.constant 0 : index
      %swap3A_299 = tpu.vector_load %arg12[%swap3A_297, %swap3A_298] {strides = array<i32>} : memref<128x64xf32, #tpu.memory_space<vmem>>, vector<1x16xf32>,
      %swap3A_300 = vector.shape_cast %swap3A_299 : vector<1x16xf32> to vector<16xf32>
      %swap3A_301 = vector.shape_cast %mul3A_296 : vector<16xf32> to vector<1x16xf32>
      tpu.vector_store %arg12[%swap3A_297, %swap3A_298], %swap3A_301 {strides = array<i32>} : memref<128x64xf32, #tpu.memory_space<vmem>>, vector<1x16xf32>,
      %add3A_302 = arith.addf %scan3A_291#1, %scan3A_291#5 : vector<16xf32>
      %mul3A_303 = arith.constant 5.000000e-03 : f32
      %mul3A_304 = vector.broadcast %mul3A_303 : f32 to vector<16xf32>
      %mul3A_305 = arith.mulf %add3A_302, %mul3A_304 : vector<16xf32>
      %swap3A_306 = arith.index_cast %add3A_264 : i32 to index
      %swap3A_307 = arith.constant 16 : index
      %swap3A_308 = tpu.vector_load %arg12[%swap3A_306, %swap3A_307] {strides = array<i32>} : memref<128x64xf32, #tpu.memory_space<vmem>>, vector<1x16xf32>,
      %swap3A_309 = vector.shape_cast %swap3A_308 : vector<1x16xf32> to vector<16xf32>
      %swap3A_310 = vector.shape_cast %mul3A_305 : vector<16xf32> to vector<1x16xf32>
      tpu.vector_store %arg12[%swap3A_306, %swap3A_307], %swap3A_310 {strides = array<i32>} : memref<128x64xf32, #tpu.memory_space<vmem>>, vector<1x16xf32>,
      %add3A_311 = arith.addf %scan3A_291#2, %scan3A_291#6 : vector<16xf32>
      %mul3A_312 = arith.constant 5.000000e-03 : f32
      %mul3A_313 = vector.broadcast %mul3A_312 : f32 to vector<16xf32>
      %mul3A_314 = arith.mulf %add3A_311, %mul3A_313 : vector<16xf32>
      %swap3A_315 = arith.index_cast %add3A_264 : i32 to index
      %swap3A_316 = arith.constant 32 : index
      %swap3A_317 = tpu.vector_load %arg12[%swap3A_315, %swap3A_316] {strides = array<i32>} : memref<128x64xf32, #tpu.memory_space<vmem>>, vector<1x16xf32>,
      %swap3A_318 = vector.shape_cast %swap3A_317 : vector<1x16xf32> to vector<16xf32>
      %swap3A_319 = vector.shape_cast %mul3A_314 : vector<16xf32> to vector<1x16xf32>
      tpu.vector_store %arg12[%swap3A_315, %swap3A_316], %swap3A_319 {strides = array<i32>} : memref<128x64xf32, #tpu.memory_space<vmem>>, vector<1x16xf32>,
      %add3A_320 = arith.addf %scan3A_291#3, %scan3A_291#7 : vector<16xf32>
      %mul3A_321 = arith.constant 5.000000e-03 : f32
      %mul3A_322 = vector.broadcast %mul3A_321 : f32 to vector<16xf32>
      %mul3A_323 = arith.mulf %add3A_320, %mul3A_322 : vector<16xf32>
      %swap3A_324 = arith.index_cast %add3A_264 : i32 to index
      %swap3A_325 = arith.constant 48 : index
      %swap3A_326 = tpu.vector_load %arg12[%swap3A_324, %swap3A_325] {strides = array<i32>} : memref<128x64xf32, #tpu.memory_space<vmem>>, vector<1x16xf32>,
      %swap3A_327 = vector.shape_cast %swap3A_326 : vector<1x16xf32> to vector<16xf32>
      %swap3A_328 = vector.shape_cast %mul3A_323 : vector<16xf32> to vector<1x16xf32>
      tpu.vector_store %arg12[%swap3A_324, %swap3A_325], %swap3A_328 {strides = array<i32>} : memref<128x64xf32, #tpu.memory_space<vmem>>, vector<1x16xf32>,
      %add3A_329 = arith.constant 6 : i32
      %add3A_330 = arith.addi %add3A_264, %add3A_329 : i32
      %lt3A = arith.constant 128 : i32
      %lt3A_331 = arith.cmpi slt, %add3A_330, %lt3A : i32
      %convert_element_type3A = arith.extui %lt3A_331 : i1 to i32
      %cond3A = arith.constant 0 : i32
      %cond3A_332 = arith.cmpi ne, %convert_element_type3A, %cond3A : i32
      scf.if %cond3A_332 {
        %add3A_708 = arith.constant 6 : i32
        %add3A_709 = arith.addi %add3A_264, %add3A_708 : i32
        %dma_start3A_710 = arith.constant 0 : i32
        %dma_start3A_711 = arith.constant 0 : i32
        %dma_start3A_712 = tpu.memref_slice %arg6[%dma_start3A_710, %dma_start3A_711] : memref<200x64xf32, #tpu.memory_space<vmem>> -> memref<104x64xf32, #tpu.memory_space<vmem>>
        %dma_start3A_713 = arith.constant 0 : i32
        %dma_start3A_714 = tpu.memref_slice %arg5[%add3A_709, %dma_start3A_713] : memref<128x200xi32, #tpu.memory_space<vmem>> -> memref<1x104xi32, #tpu.memory_space<vmem>>
        %dma_start3A_715 = tpu.memref_squeeze %dma_start3A_714 : memref<1x104xi32, #tpu.memory_space<vmem>> -> memref<104xi32, #tpu.memory_space<vmem>>
        %dma_start3A_716 = arith.constant 0 : i32
        %dma_start3A_717 = arith.constant 0 : i32
        %dma_start3A_718 = tpu.memref_slice %arg3[%dma_start3A_716, %dma_start3A_717] : memref<1000000x64xf32, #tpu.memory_space<hbm>> -> memref<1000000x64xf32, #tpu.memory_space<hbm>>
        tpu.enqueue_indirect_dma source(%dma_start3A_718 : memref<1000000x64xf32, #tpu.memory_space<hbm>>) target(%dma_start3A_712 : memref<104x64xf32, #tpu.memory_space<vmem>>) offsets(%dma_start3A_715 : memref<104xi32, #tpu.memory_space<vmem>>) semaphore(%arg13 : memref<!tpu.dma_semaphore, #tpu.memory_space<semaphore_mem>>)
        %dma_start3A_719 = arith.constant 104 : i32
        %dma_start3A_720 = arith.constant 0 : i32
        %dma_start3A_721 = tpu.memref_slice %arg6[%dma_start3A_719, %dma_start3A_720] : memref<200x64xf32, #tpu.memory_space<vmem>> -> memref<96x64xf32, #tpu.memory_space<vmem>>
        %dma_start3A_722 = arith.constant 104 : i32
        %dma_start3A_723 = tpu.memref_slice %arg5[%add3A_709, %dma_start3A_722] : memref<128x200xi32, #tpu.memory_space<vmem>> -> memref<1x96xi32, #tpu.memory_space<vmem>>
        %dma_start3A_724 = tpu.memref_squeeze %dma_start3A_723 : memref<1x96xi32, #tpu.memory_space<vmem>> -> memref<96xi32, #tpu.memory_space<vmem>>
        %dma_start3A_725 = arith.constant 0 : i32
        %dma_start3A_726 = arith.constant 0 : i32
        %dma_start3A_727 = tpu.memref_slice %arg3[%dma_start3A_725, %dma_start3A_726] : memref<1000000x64xf32, #tpu.memory_space<hbm>> -> memref<1000000x64xf32, #tpu.memory_space<hbm>>
        tpu.enqueue_indirect_dma source(%dma_start3A_727 : memref<1000000x64xf32, #tpu.memory_space<hbm>>) target(%dma_start3A_721 : memref<96x64xf32, #tpu.memory_space<vmem>>) offsets(%dma_start3A_724 : memref<96xi32, #tpu.memory_space<vmem>>) semaphore(%arg13 : memref<!tpu.dma_semaphore, #tpu.memory_space<semaphore_mem>>)
      } else {
      }
      %mul3A_333 = arith.constant 6 : i32
      %mul3A_334 = arith.muli %mul3A_333, %scan3A_260 : i32
      %add3A_335 = arith.constant 1 : i32
      %add3A_336 = arith.addi %mul3A_334, %add3A_335 : i32
      %dma_wait3A_337 = arith.constant 0 : i32
      %dma_wait3A_338 = arith.constant 0 : i32
      %dma_wait3A_339 = tpu.memref_slice %arg3[%dma_wait3A_337, %dma_wait3A_338] : memref<1000000x64xf32, #tpu.memory_space<hbm>> -> memref<200x64xf32, #tpu.memory_space<hbm>>
      %dma_wait3A_340 = arith.constant 0 : i32
      %dma_wait3A_341 = arith.constant 0 : i32
      %dma_wait3A_342 = tpu.memref_slice %arg3[%dma_wait3A_340, %dma_wait3A_341] : memref<1000000x64xf32, #tpu.memory_space<hbm>> -> memref<200x64xf32, #tpu.memory_space<hbm>>
      tpu.wait_dma2 semaphore(%arg14 : memref<!tpu.dma_semaphore, #tpu.memory_space<semaphore_mem>>) src(%dma_wait3A_342 : memref<200x64xf32, #tpu.memory_space<hbm>>) dst(%arg7 : memref<200x64xf32, #tpu.memory_space<vmem>>)
      %broadcast_in_dim3A_343 = arith.constant 0.000000e+00 : f32
      %broadcast_in_dim3A_344 = vector.broadcast %broadcast_in_dim3A_343 : f32 to vector<16xf32>
      %broadcast_in_dim3A_345 = arith.constant 0.000000e+00 : f32
      %broadcast_in_dim3A_346 = vector.broadcast %broadcast_in_dim3A_345 : f32 to vector<16xf32>
      %broadcast_in_dim3A_347 = arith.constant 0.000000e+00 : f32
      %broadcast_in_dim3A_348 = vector.broadcast %broadcast_in_dim3A_347 : f32 to vector<16xf32>
      %broadcast_in_dim3A_349 = arith.constant 0.000000e+00 : f32
      %broadcast_in_dim3A_350 = vector.broadcast %broadcast_in_dim3A_349 : f32 to vector<16xf32>
      %broadcast_in_dim3A_351 = arith.constant 0.000000e+00 : f32
      %broadcast_in_dim3A_352 = vector.broadcast %broadcast_in_dim3A_351 : f32 to vector<16xf32>
      %broadcast_in_dim3A_353 = arith.constant 0.000000e+00 : f32
      %broadcast_in_dim3A_354 = vector.broadcast %broadcast_in_dim3A_353 : f32 to vector<16xf32>
      %broadcast_in_dim3A_355 = arith.constant 0.000000e+00 : f32
      %broadcast_in_dim3A_356 = vector.broadcast %broadcast_in_dim3A_355 : f32 to vector<16xf32>
      %broadcast_in_dim3A_357 = arith.constant 0.000000e+00 : f32
      %broadcast_in_dim3A_358 = vector.broadcast %broadcast_in_dim3A_357 : f32 to vector<16xf32>
      %scan3A_359 = arith.constant 0 : i32
      %scan3A_360 = arith.constant 25 : i32
      %scan3A_361 = arith.addi %scan3A_359, %scan3A_360 : i32
      %scan3A_362 = arith.constant 1 : i32
      %scan3A_363:8 = scf.for %scan3A_708 = %scan3A_359 to %scan3A_361 step %scan3A_362 iter_args(%scan3A_709 = %broadcast_in_dim3A_344, %scan3A_710 = %broadcast_in_dim3A_346, %scan3A_711 = %broadcast_in_dim3A_348, %scan3A_712 = %broadcast_in_dim3A_350, %scan3A_713 = %broadcast_in_dim3A_352, %scan3A_714 = %broadcast_in_dim3A_354, %scan3A_715 = %broadcast_in_dim3A_356, %scan3A_716 = %broadcast_in_dim3A_358) -> (vector<16xf32>, vector<16xf32>, vector<16xf32>, vector<16xf32>, vector<16xf32>, vector<16xf32>, vector<16xf32>, vector<16xf32>)  : i32 {
        %mul3A_717 = arith.constant 8 : i32
        %mul3A_718 = arith.muli %scan3A_708, %mul3A_717 : i32
        %add3A_719 = arith.constant 0 : i32
        %add3A_720 = arith.addi %mul3A_718, %add3A_719 : i32
        %get3A = arith.index_cast %add3A_720 : i32 to index
        %get3A_721 = arith.constant 0 : index
        %get3A_722 = tpu.vector_load %arg7[%get3A, %get3A_721] {strides = array<i32>} : memref<200x64xf32, #tpu.memory_space<vmem>>, vector<1x16xf32>,
        %get3A_723 = vector.shape_cast %get3A_722 : vector<1x16xf32> to vector<16xf32>
        %add3A_724 = arith.addf %scan3A_709, %get3A_723 : vector<16xf32>
        %get3A_725 = arith.index_cast %add3A_720 : i32 to index
        %get3A_726 = arith.constant 16 : index
        %get3A_727 = tpu.vector_load %arg7[%get3A_725, %get3A_726] {strides = array<i32>} : memref<200x64xf32, #tpu.memory_space<vmem>>, vector<1x16xf32>,
        %get3A_728 = vector.shape_cast %get3A_727 : vector<1x16xf32> to vector<16xf32>
        %add3A_729 = arith.addf %scan3A_710, %get3A_728 : vector<16xf32>
        %get3A_730 = arith.index_cast %add3A_720 : i32 to index
        %get3A_731 = arith.constant 32 : index
        %get3A_732 = tpu.vector_load %arg7[%get3A_730, %get3A_731] {strides = array<i32>} : memref<200x64xf32, #tpu.memory_space<vmem>>, vector<1x16xf32>,
        %get3A_733 = vector.shape_cast %get3A_732 : vector<1x16xf32> to vector<16xf32>
        %add3A_734 = arith.addf %scan3A_711, %get3A_733 : vector<16xf32>
        %get3A_735 = arith.index_cast %add3A_720 : i32 to index
        %get3A_736 = arith.constant 48 : index
        %get3A_737 = tpu.vector_load %arg7[%get3A_735, %get3A_736] {strides = array<i32>} : memref<200x64xf32, #tpu.memory_space<vmem>>, vector<1x16xf32>,
        %get3A_738 = vector.shape_cast %get3A_737 : vector<1x16xf32> to vector<16xf32>
        %add3A_739 = arith.addf %scan3A_712, %get3A_738 : vector<16xf32>
        %mul3A_740 = arith.constant 8 : i32
        %mul3A_741 = arith.muli %scan3A_708, %mul3A_740 : i32
        %add3A_742 = arith.constant 1 : i32
        %add3A_743 = arith.addi %mul3A_741, %add3A_742 : i32
        %get3A_744 = arith.index_cast %add3A_743 : i32 to index
        %get3A_745 = arith.constant 0 : index
        %get3A_746 = tpu.vector_load %arg7[%get3A_744, %get3A_745] {strides = array<i32>} : memref<200x64xf32, #tpu.memory_space<vmem>>, vector<1x16xf32>,
        %get3A_747 = vector.shape_cast %get3A_746 : vector<1x16xf32> to vector<16xf32>
        %add3A_748 = arith.addf %scan3A_713, %get3A_747 : vector<16xf32>
        %get3A_749 = arith.index_cast %add3A_743 : i32 to index
        %get3A_750 = arith.constant 16 : index
        %get3A_751 = tpu.vector_load %arg7[%get3A_749, %get3A_750] {strides = array<i32>} : memref<200x64xf32, #tpu.memory_space<vmem>>, vector<1x16xf32>,
        %get3A_752 = vector.shape_cast %get3A_751 : vector<1x16xf32> to vector<16xf32>
        %add3A_753 = arith.addf %scan3A_714, %get3A_752 : vector<16xf32>
        %get3A_754 = arith.index_cast %add3A_743 : i32 to index
        %get3A_755 = arith.constant 32 : index
        %get3A_756 = tpu.vector_load %arg7[%get3A_754, %get3A_755] {strides = array<i32>} : memref<200x64xf32, #tpu.memory_space<vmem>>, vector<1x16xf32>,
        %get3A_757 = vector.shape_cast %get3A_756 : vector<1x16xf32> to vector<16xf32>
        %add3A_758 = arith.addf %scan3A_715, %get3A_757 : vector<16xf32>
        %get3A_759 = arith.index_cast %add3A_743 : i32 to index
        %get3A_760 = arith.constant 48 : index
        %get3A_761 = tpu.vector_load %arg7[%get3A_759, %get3A_760] {strides = array<i32>} : memref<200x64xf32, #tpu.memory_space<vmem>>, vector<1x16xf32>,
        %get3A_762 = vector.shape_cast %get3A_761 : vector<1x16xf32> to vector<16xf32>
        %add3A_763 = arith.addf %scan3A_716, %get3A_762 : vector<16xf32>
        %mul3A_764 = arith.constant 8 : i32
        %mul3A_765 = arith.muli %scan3A_708, %mul3A_764 : i32
        %add3A_766 = arith.constant 2 : i32
        %add3A_767 = arith.addi %mul3A_765, %add3A_766 : i32
        %get3A_768 = arith.index_cast %add3A_767 : i32 to index
        %get3A_769 = arith.constant 0 : index
        %get3A_770 = tpu.vector_load %arg7[%get3A_768, %get3A_769] {strides = array<i32>} : memref<200x64xf32, #tpu.memory_space<vmem>>, vector<1x16xf32>,
        %get3A_771 = vector.shape_cast %get3A_770 : vector<1x16xf32> to vector<16xf32>
        %add3A_772 = arith.addf %add3A_724, %get3A_771 : vector<16xf32>
        %get3A_773 = arith.index_cast %add3A_767 : i32 to index
        %get3A_774 = arith.constant 16 : index
        %get3A_775 = tpu.vector_load %arg7[%get3A_773, %get3A_774] {strides = array<i32>} : memref<200x64xf32, #tpu.memory_space<vmem>>, vector<1x16xf32>,
        %get3A_776 = vector.shape_cast %get3A_775 : vector<1x16xf32> to vector<16xf32>
        %add3A_777 = arith.addf %add3A_729, %get3A_776 : vector<16xf32>
        %get3A_778 = arith.index_cast %add3A_767 : i32 to index
        %get3A_779 = arith.constant 32 : index
        %get3A_780 = tpu.vector_load %arg7[%get3A_778, %get3A_779] {strides = array<i32>} : memref<200x64xf32, #tpu.memory_space<vmem>>, vector<1x16xf32>,
        %get3A_781 = vector.shape_cast %get3A_780 : vector<1x16xf32> to vector<16xf32>
        %add3A_782 = arith.addf %add3A_734, %get3A_781 : vector<16xf32>
        %get3A_783 = arith.index_cast %add3A_767 : i32 to index
        %get3A_784 = arith.constant 48 : index
        %get3A_785 = tpu.vector_load %arg7[%get3A_783, %get3A_784] {strides = array<i32>} : memref<200x64xf32, #tpu.memory_space<vmem>>, vector<1x16xf32>,
        %get3A_786 = vector.shape_cast %get3A_785 : vector<1x16xf32> to vector<16xf32>
        %add3A_787 = arith.addf %add3A_739, %get3A_786 : vector<16xf32>
        %mul3A_788 = arith.constant 8 : i32
        %mul3A_789 = arith.muli %scan3A_708, %mul3A_788 : i32
        %add3A_790 = arith.constant 3 : i32
        %add3A_791 = arith.addi %mul3A_789, %add3A_790 : i32
        %get3A_792 = arith.index_cast %add3A_791 : i32 to index
        %get3A_793 = arith.constant 0 : index
        %get3A_794 = tpu.vector_load %arg7[%get3A_792, %get3A_793] {strides = array<i32>} : memref<200x64xf32, #tpu.memory_space<vmem>>, vector<1x16xf32>,
        %get3A_795 = vector.shape_cast %get3A_794 : vector<1x16xf32> to vector<16xf32>
        %add3A_796 = arith.addf %add3A_748, %get3A_795 : vector<16xf32>
        %get3A_797 = arith.index_cast %add3A_791 : i32 to index
        %get3A_798 = arith.constant 16 : index
        %get3A_799 = tpu.vector_load %arg7[%get3A_797, %get3A_798] {strides = array<i32>} : memref<200x64xf32, #tpu.memory_space<vmem>>, vector<1x16xf32>,
        %get3A_800 = vector.shape_cast %get3A_799 : vector<1x16xf32> to vector<16xf32>
        %add3A_801 = arith.addf %add3A_753, %get3A_800 : vector<16xf32>
        %get3A_802 = arith.index_cast %add3A_791 : i32 to index
        %get3A_803 = arith.constant 32 : index
        %get3A_804 = tpu.vector_load %arg7[%get3A_802, %get3A_803] {strides = array<i32>} : memref<200x64xf32, #tpu.memory_space<vmem>>, vector<1x16xf32>,
        %get3A_805 = vector.shape_cast %get3A_804 : vector<1x16xf32> to vector<16xf32>
        %add3A_806 = arith.addf %add3A_758, %get3A_805 : vector<16xf32>
        %get3A_807 = arith.index_cast %add3A_791 : i32 to index
        %get3A_808 = arith.constant 48 : index
        %get3A_809 = tpu.vector_load %arg7[%get3A_807, %get3A_808] {strides = array<i32>} : memref<200x64xf32, #tpu.memory_space<vmem>>, vector<1x16xf32>,
        %get3A_810 = vector.shape_cast %get3A_809 : vector<1x16xf32> to vector<16xf32>
        %add3A_811 = arith.addf %add3A_763, %get3A_810 : vector<16xf32>
        %mul3A_812 = arith.constant 8 : i32
        %mul3A_813 = arith.muli %scan3A_708, %mul3A_812 : i32
        %add3A_814 = arith.constant 4 : i32
        %add3A_815 = arith.addi %mul3A_813, %add3A_814 : i32
        %get3A_816 = arith.index_cast %add3A_815 : i32 to index
        %get3A_817 = arith.constant 0 : index
        %get3A_818 = tpu.vector_load %arg7[%get3A_816, %get3A_817] {strides = array<i32>} : memref<200x64xf32, #tpu.memory_space<vmem>>, vector<1x16xf32>,
        %get3A_819 = vector.shape_cast %get3A_818 : vector<1x16xf32> to vector<16xf32>
        %add3A_820 = arith.addf %add3A_772, %get3A_819 : vector<16xf32>
        %get3A_821 = arith.index_cast %add3A_815 : i32 to index
        %get3A_822 = arith.constant 16 : index
        %get3A_823 = tpu.vector_load %arg7[%get3A_821, %get3A_822] {strides = array<i32>} : memref<200x64xf32, #tpu.memory_space<vmem>>, vector<1x16xf32>,
        %get3A_824 = vector.shape_cast %get3A_823 : vector<1x16xf32> to vector<16xf32>
        %add3A_825 = arith.addf %add3A_777, %get3A_824 : vector<16xf32>
        %get3A_826 = arith.index_cast %add3A_815 : i32 to index
        %get3A_827 = arith.constant 32 : index
        %get3A_828 = tpu.vector_load %arg7[%get3A_826, %get3A_827] {strides = array<i32>} : memref<200x64xf32, #tpu.memory_space<vmem>>, vector<1x16xf32>,
        %get3A_829 = vector.shape_cast %get3A_828 : vector<1x16xf32> to vector<16xf32>
        %add3A_830 = arith.addf %add3A_782, %get3A_829 : vector<16xf32>
        %get3A_831 = arith.index_cast %add3A_815 : i32 to index
        %get3A_832 = arith.constant 48 : index
        %get3A_833 = tpu.vector_load %arg7[%get3A_831, %get3A_832] {strides = array<i32>} : memref<200x64xf32, #tpu.memory_space<vmem>>, vector<1x16xf32>,
        %get3A_834 = vector.shape_cast %get3A_833 : vector<1x16xf32> to vector<16xf32>
        %add3A_835 = arith.addf %add3A_787, %get3A_834 : vector<16xf32>
        %mul3A_836 = arith.constant 8 : i32
        %mul3A_837 = arith.muli %scan3A_708, %mul3A_836 : i32
        %add3A_838 = arith.constant 5 : i32
        %add3A_839 = arith.addi %mul3A_837, %add3A_838 : i32
        %get3A_840 = arith.index_cast %add3A_839 : i32 to index
        %get3A_841 = arith.constant 0 : index
        %get3A_842 = tpu.vector_load %arg7[%get3A_840, %get3A_841] {strides = array<i32>} : memref<200x64xf32, #tpu.memory_space<vmem>>, vector<1x16xf32>,
        %get3A_843 = vector.shape_cast %get3A_842 : vector<1x16xf32> to vector<16xf32>
        %add3A_844 = arith.addf %add3A_796, %get3A_843 : vector<16xf32>
        %get3A_845 = arith.index_cast %add3A_839 : i32 to index
        %get3A_846 = arith.constant 16 : index
        %get3A_847 = tpu.vector_load %arg7[%get3A_845, %get3A_846] {strides = array<i32>} : memref<200x64xf32, #tpu.memory_space<vmem>>, vector<1x16xf32>,
        %get3A_848 = vector.shape_cast %get3A_847 : vector<1x16xf32> to vector<16xf32>
        %add3A_849 = arith.addf %add3A_801, %get3A_848 : vector<16xf32>
        %get3A_850 = arith.index_cast %add3A_839 : i32 to index
        %get3A_851 = arith.constant 32 : index
        %get3A_852 = tpu.vector_load %arg7[%get3A_850, %get3A_851] {strides = array<i32>} : memref<200x64xf32, #tpu.memory_space<vmem>>, vector<1x16xf32>,
        %get3A_853 = vector.shape_cast %get3A_852 : vector<1x16xf32> to vector<16xf32>
        %add3A_854 = arith.addf %add3A_806, %get3A_853 : vector<16xf32>
        %get3A_855 = arith.index_cast %add3A_839 : i32 to index
        %get3A_856 = arith.constant 48 : index
        %get3A_857 = tpu.vector_load %arg7[%get3A_855, %get3A_856] {strides = array<i32>} : memref<200x64xf32, #tpu.memory_space<vmem>>, vector<1x16xf32>,
        %get3A_858 = vector.shape_cast %get3A_857 : vector<1x16xf32> to vector<16xf32>
        %add3A_859 = arith.addf %add3A_811, %get3A_858 : vector<16xf32>
        %mul3A_860 = arith.constant 8 : i32
        %mul3A_861 = arith.muli %scan3A_708, %mul3A_860 : i32
        %add3A_862 = arith.constant 6 : i32
        %add3A_863 = arith.addi %mul3A_861, %add3A_862 : i32
        %get3A_864 = arith.index_cast %add3A_863 : i32 to index
        %get3A_865 = arith.constant 0 : index
        %get3A_866 = tpu.vector_load %arg7[%get3A_864, %get3A_865] {strides = array<i32>} : memref<200x64xf32, #tpu.memory_space<vmem>>, vector<1x16xf32>,
        %get3A_867 = vector.shape_cast %get3A_866 : vector<1x16xf32> to vector<16xf32>
        %add3A_868 = arith.addf %add3A_820, %get3A_867 : vector<16xf32>
        %get3A_869 = arith.index_cast %add3A_863 : i32 to index
        %get3A_870 = arith.constant 16 : index
        %get3A_871 = tpu.vector_load %arg7[%get3A_869, %get3A_870] {strides = array<i32>} : memref<200x64xf32, #tpu.memory_space<vmem>>, vector<1x16xf32>,
        %get3A_872 = vector.shape_cast %get3A_871 : vector<1x16xf32> to vector<16xf32>
        %add3A_873 = arith.addf %add3A_825, %get3A_872 : vector<16xf32>
        %get3A_874 = arith.index_cast %add3A_863 : i32 to index
        %get3A_875 = arith.constant 32 : index
        %get3A_876 = tpu.vector_load %arg7[%get3A_874, %get3A_875] {strides = array<i32>} : memref<200x64xf32, #tpu.memory_space<vmem>>, vector<1x16xf32>,
        %get3A_877 = vector.shape_cast %get3A_876 : vector<1x16xf32> to vector<16xf32>
        %add3A_878 = arith.addf %add3A_830, %get3A_877 : vector<16xf32>
        %get3A_879 = arith.index_cast %add3A_863 : i32 to index
        %get3A_880 = arith.constant 48 : index
        %get3A_881 = tpu.vector_load %arg7[%get3A_879, %get3A_880] {strides = array<i32>} : memref<200x64xf32, #tpu.memory_space<vmem>>, vector<1x16xf32>,
        %get3A_882 = vector.shape_cast %get3A_881 : vector<1x16xf32> to vector<16xf32>
        %add3A_883 = arith.addf %add3A_835, %get3A_882 : vector<16xf32>
        %mul3A_884 = arith.constant 8 : i32
        %mul3A_885 = arith.muli %scan3A_708, %mul3A_884 : i32
        %add3A_886 = arith.constant 7 : i32
        %add3A_887 = arith.addi %mul3A_885, %add3A_886 : i32
        %get3A_888 = arith.index_cast %add3A_887 : i32 to index
        %get3A_889 = arith.constant 0 : index
        %get3A_890 = tpu.vector_load %arg7[%get3A_888, %get3A_889] {strides = array<i32>} : memref<200x64xf32, #tpu.memory_space<vmem>>, vector<1x16xf32>,
        %get3A_891 = vector.shape_cast %get3A_890 : vector<1x16xf32> to vector<16xf32>
        %add3A_892 = arith.addf %add3A_844, %get3A_891 : vector<16xf32>
        %get3A_893 = arith.index_cast %add3A_887 : i32 to index
        %get3A_894 = arith.constant 16 : index
        %get3A_895 = tpu.vector_load %arg7[%get3A_893, %get3A_894] {strides = array<i32>} : memref<200x64xf32, #tpu.memory_space<vmem>>, vector<1x16xf32>,
        %get3A_896 = vector.shape_cast %get3A_895 : vector<1x16xf32> to vector<16xf32>
        %add3A_897 = arith.addf %add3A_849, %get3A_896 : vector<16xf32>
        %get3A_898 = arith.index_cast %add3A_887 : i32 to index
        %get3A_899 = arith.constant 32 : index
        %get3A_900 = tpu.vector_load %arg7[%get3A_898, %get3A_899] {strides = array<i32>} : memref<200x64xf32, #tpu.memory_space<vmem>>, vector<1x16xf32>,
        %get3A_901 = vector.shape_cast %get3A_900 : vector<1x16xf32> to vector<16xf32>
        %add3A_902 = arith.addf %add3A_854, %get3A_901 : vector<16xf32>
        %get3A_903 = arith.index_cast %add3A_887 : i32 to index
        %get3A_904 = arith.constant 48 : index
        %get3A_905 = tpu.vector_load %arg7[%get3A_903, %get3A_904] {strides = array<i32>} : memref<200x64xf32, #tpu.memory_space<vmem>>, vector<1x16xf32>,
        %get3A_906 = vector.shape_cast %get3A_905 : vector<1x16xf32> to vector<16xf32>
        %add3A_907 = arith.addf %add3A_859, %get3A_906 : vector<16xf32>
        scf.yield %add3A_868, %add3A_873, %add3A_878, %add3A_883, %add3A_892, %add3A_897, %add3A_902, %add3A_907 : vector<16xf32>, vector<16xf32>, vector<16xf32>, vector<16xf32>, vector<16xf32>, vector<16xf32>, vector<16xf32>, vector<16xf32>
      }
      %scan3A_364 = arith.constant 25 : i32
      %add3A_365 = arith.addf %scan3A_363#0, %scan3A_363#4 : vector<16xf32>
      %mul3A_366 = arith.constant 5.000000e-03 : f32
      %mul3A_367 = vector.broadcast %mul3A_366 : f32 to vector<16xf32>
      %mul3A_368 = arith.mulf %add3A_365, %mul3A_367 : vector<16xf32>
      %swap3A_369 = arith.index_cast %add3A_336 : i32 to index
      %swap3A_370 = arith.constant 0 : index
      %swap3A_371 = tpu.vector_load %arg12[%swap3A_369, %swap3A_370] {strides = array<i32>} : memref<128x64xf32, #tpu.memory_space<vmem>>, vector<1x16xf32>,
      %swap3A_372 = vector.shape_cast %swap3A_371 : vector<1x16xf32> to vector<16xf32>
      %swap3A_373 = vector.shape_cast %mul3A_368 : vector<16xf32> to vector<1x16xf32>
      tpu.vector_store %arg12[%swap3A_369, %swap3A_370], %swap3A_373 {strides = array<i32>} : memref<128x64xf32, #tpu.memory_space<vmem>>, vector<1x16xf32>,
      %add3A_374 = arith.addf %scan3A_363#1, %scan3A_363#5 : vector<16xf32>
      %mul3A_375 = arith.constant 5.000000e-03 : f32
      %mul3A_376 = vector.broadcast %mul3A_375 : f32 to vector<16xf32>
      %mul3A_377 = arith.mulf %add3A_374, %mul3A_376 : vector<16xf32>
      %swap3A_378 = arith.index_cast %add3A_336 : i32 to index
      %swap3A_379 = arith.constant 16 : index
      %swap3A_380 = tpu.vector_load %arg12[%swap3A_378, %swap3A_379] {strides = array<i32>} : memref<128x64xf32, #tpu.memory_space<vmem>>, vector<1x16xf32>,
      %swap3A_381 = vector.shape_cast %swap3A_380 : vector<1x16xf32> to vector<16xf32>
      %swap3A_382 = vector.shape_cast %mul3A_377 : vector<16xf32> to vector<1x16xf32>
      tpu.vector_store %arg12[%swap3A_378, %swap3A_379], %swap3A_382 {strides = array<i32>} : memref<128x64xf32, #tpu.memory_space<vmem>>, vector<1x16xf32>,
      %add3A_383 = arith.addf %scan3A_363#2, %scan3A_363#6 : vector<16xf32>
      %mul3A_384 = arith.constant 5.000000e-03 : f32
      %mul3A_385 = vector.broadcast %mul3A_384 : f32 to vector<16xf32>
      %mul3A_386 = arith.mulf %add3A_383, %mul3A_385 : vector<16xf32>
      %swap3A_387 = arith.index_cast %add3A_336 : i32 to index
      %swap3A_388 = arith.constant 32 : index
      %swap3A_389 = tpu.vector_load %arg12[%swap3A_387, %swap3A_388] {strides = array<i32>} : memref<128x64xf32, #tpu.memory_space<vmem>>, vector<1x16xf32>,
      %swap3A_390 = vector.shape_cast %swap3A_389 : vector<1x16xf32> to vector<16xf32>
      %swap3A_391 = vector.shape_cast %mul3A_386 : vector<16xf32> to vector<1x16xf32>
      tpu.vector_store %arg12[%swap3A_387, %swap3A_388], %swap3A_391 {strides = array<i32>} : memref<128x64xf32, #tpu.memory_space<vmem>>, vector<1x16xf32>,
      %add3A_392 = arith.addf %scan3A_363#3, %scan3A_363#7 : vector<16xf32>
      %mul3A_393 = arith.constant 5.000000e-03 : f32
      %mul3A_394 = vector.broadcast %mul3A_393 : f32 to vector<16xf32>
      %mul3A_395 = arith.mulf %add3A_392, %mul3A_394 : vector<16xf32>
      %swap3A_396 = arith.index_cast %add3A_336 : i32 to index
      %swap3A_397 = arith.constant 48 : index
      %swap3A_398 = tpu.vector_load %arg12[%swap3A_396, %swap3A_397] {strides = array<i32>} : memref<128x64xf32, #tpu.memory_space<vmem>>, vector<1x16xf32>,
      %swap3A_399 = vector.shape_cast %swap3A_398 : vector<1x16xf32> to vector<16xf32>
      %swap3A_400 = vector.shape_cast %mul3A_395 : vector<16xf32> to vector<1x16xf32>
      tpu.vector_store %arg12[%swap3A_396, %swap3A_397], %swap3A_400 {strides = array<i32>} : memref<128x64xf32, #tpu.memory_space<vmem>>, vector<1x16xf32>,
      %add3A_401 = arith.constant 6 : i32
      %add3A_402 = arith.addi %add3A_336, %add3A_401 : i32
      %lt3A_403 = arith.constant 128 : i32
      %lt3A_404 = arith.cmpi slt, %add3A_402, %lt3A_403 : i32
      %convert_element_type3A_405 = arith.extui %lt3A_404 : i1 to i32
      %cond3A_406 = arith.constant 0 : i32
      %cond3A_407 = arith.cmpi ne, %convert_element_type3A_405, %cond3A_406 : i32
      scf.if %cond3A_407 {
        %add3A_708 = arith.constant 6 : i32
        %add3A_709 = arith.addi %add3A_336, %add3A_708 : i32
        %dma_start3A_710 = arith.constant 0 : i32
        %dma_start3A_711 = arith.constant 0 : i32
        %dma_start3A_712 = tpu.memref_slice %arg7[%dma_start3A_710, %dma_start3A_711] : memref<200x64xf32, #tpu.memory_space<vmem>> -> memref<104x64xf32, #tpu.memory_space<vmem>>
        %dma_start3A_713 = arith.constant 0 : i32
        %dma_start3A_714 = tpu.memref_slice %arg5[%add3A_709, %dma_start3A_713] : memref<128x200xi32, #tpu.memory_space<vmem>> -> memref<1x104xi32, #tpu.memory_space<vmem>>
        %dma_start3A_715 = tpu.memref_squeeze %dma_start3A_714 : memref<1x104xi32, #tpu.memory_space<vmem>> -> memref<104xi32, #tpu.memory_space<vmem>>
        %dma_start3A_716 = arith.constant 0 : i32
        %dma_start3A_717 = arith.constant 0 : i32
        %dma_start3A_718 = tpu.memref_slice %arg3[%dma_start3A_716, %dma_start3A_717] : memref<1000000x64xf32, #tpu.memory_space<hbm>> -> memref<1000000x64xf32, #tpu.memory_space<hbm>>
        tpu.enqueue_indirect_dma source(%dma_start3A_718 : memref<1000000x64xf32, #tpu.memory_space<hbm>>) target(%dma_start3A_712 : memref<104x64xf32, #tpu.memory_space<vmem>>) offsets(%dma_start3A_715 : memref<104xi32, #tpu.memory_space<vmem>>) semaphore(%arg14 : memref<!tpu.dma_semaphore, #tpu.memory_space<semaphore_mem>>)
        %dma_start3A_719 = arith.constant 104 : i32
        %dma_start3A_720 = arith.constant 0 : i32
        %dma_start3A_721 = tpu.memref_slice %arg7[%dma_start3A_719, %dma_start3A_720] : memref<200x64xf32, #tpu.memory_space<vmem>> -> memref<96x64xf32, #tpu.memory_space<vmem>>
        %dma_start3A_722 = arith.constant 104 : i32
        %dma_start3A_723 = tpu.memref_slice %arg5[%add3A_709, %dma_start3A_722] : memref<128x200xi32, #tpu.memory_space<vmem>> -> memref<1x96xi32, #tpu.memory_space<vmem>>
        %dma_start3A_724 = tpu.memref_squeeze %dma_start3A_723 : memref<1x96xi32, #tpu.memory_space<vmem>> -> memref<96xi32, #tpu.memory_space<vmem>>
        %dma_start3A_725 = arith.constant 0 : i32
        %dma_start3A_726 = arith.constant 0 : i32
        %dma_start3A_727 = tpu.memref_slice %arg3[%dma_start3A_725, %dma_start3A_726] : memref<1000000x64xf32, #tpu.memory_space<hbm>> -> memref<1000000x64xf32, #tpu.memory_space<hbm>>
        tpu.enqueue_indirect_dma source(%dma_start3A_727 : memref<1000000x64xf32, #tpu.memory_space<hbm>>) target(%dma_start3A_721 : memref<96x64xf32, #tpu.memory_space<vmem>>) offsets(%dma_start3A_724 : memref<96xi32, #tpu.memory_space<vmem>>) semaphore(%arg14 : memref<!tpu.dma_semaphore, #tpu.memory_space<semaphore_mem>>)
      } else {
      }
      %mul3A_408 = arith.constant 6 : i32
      %mul3A_409 = arith.muli %mul3A_408, %scan3A_260 : i32
      %add3A_410 = arith.constant 2 : i32
      %add3A_411 = arith.addi %mul3A_409, %add3A_410 : i32
      %dma_wait3A_412 = arith.constant 0 : i32
      %dma_wait3A_413 = arith.constant 0 : i32
      %dma_wait3A_414 = tpu.memref_slice %arg3[%dma_wait3A_412, %dma_wait3A_413] : memref<1000000x64xf32, #tpu.memory_space<hbm>> -> memref<200x64xf32, #tpu.memory_space<hbm>>
      %dma_wait3A_415 = arith.constant 0 : i32
      %dma_wait3A_416 = arith.constant 0 : i32
      %dma_wait3A_417 = tpu.memref_slice %arg3[%dma_wait3A_415, %dma_wait3A_416] : memref<1000000x64xf32, #tpu.memory_space<hbm>> -> memref<200x64xf32, #tpu.memory_space<hbm>>
      tpu.wait_dma2 semaphore(%arg15 : memref<!tpu.dma_semaphore, #tpu.memory_space<semaphore_mem>>) src(%dma_wait3A_417 : memref<200x64xf32, #tpu.memory_space<hbm>>) dst(%arg8 : memref<200x64xf32, #tpu.memory_space<vmem>>)
      %broadcast_in_dim3A_418 = arith.constant 0.000000e+00 : f32
      %broadcast_in_dim3A_419 = vector.broadcast %broadcast_in_dim3A_418 : f32 to vector<16xf32>
      %broadcast_in_dim3A_420 = arith.constant 0.000000e+00 : f32
      %broadcast_in_dim3A_421 = vector.broadcast %broadcast_in_dim3A_420 : f32 to vector<16xf32>
      %broadcast_in_dim3A_422 = arith.constant 0.000000e+00 : f32
      %broadcast_in_dim3A_423 = vector.broadcast %broadcast_in_dim3A_422 : f32 to vector<16xf32>
      %broadcast_in_dim3A_424 = arith.constant 0.000000e+00 : f32
      %broadcast_in_dim3A_425 = vector.broadcast %broadcast_in_dim3A_424 : f32 to vector<16xf32>
      %broadcast_in_dim3A_426 = arith.constant 0.000000e+00 : f32
      %broadcast_in_dim3A_427 = vector.broadcast %broadcast_in_dim3A_426 : f32 to vector<16xf32>
      %broadcast_in_dim3A_428 = arith.constant 0.000000e+00 : f32
      %broadcast_in_dim3A_429 = vector.broadcast %broadcast_in_dim3A_428 : f32 to vector<16xf32>
      %broadcast_in_dim3A_430 = arith.constant 0.000000e+00 : f32
      %broadcast_in_dim3A_431 = vector.broadcast %broadcast_in_dim3A_430 : f32 to vector<16xf32>
      %broadcast_in_dim3A_432 = arith.constant 0.000000e+00 : f32
      %broadcast_in_dim3A_433 = vector.broadcast %broadcast_in_dim3A_432 : f32 to vector<16xf32>
      %scan3A_434 = arith.constant 0 : i32
      %scan3A_435 = arith.constant 25 : i32
      %scan3A_436 = arith.addi %scan3A_434, %scan3A_435 : i32
      %scan3A_437 = arith.constant 1 : i32
      %scan3A_438:8 = scf.for %scan3A_708 = %scan3A_434 to %scan3A_436 step %scan3A_437 iter_args(%scan3A_709 = %broadcast_in_dim3A_419, %scan3A_710 = %broadcast_in_dim3A_421, %scan3A_711 = %broadcast_in_dim3A_423, %scan3A_712 = %broadcast_in_dim3A_425, %scan3A_713 = %broadcast_in_dim3A_427, %scan3A_714 = %broadcast_in_dim3A_429, %scan3A_715 = %broadcast_in_dim3A_431, %scan3A_716 = %broadcast_in_dim3A_433) -> (vector<16xf32>, vector<16xf32>, vector<16xf32>, vector<16xf32>, vector<16xf32>, vector<16xf32>, vector<16xf32>, vector<16xf32>)  : i32 {
        %mul3A_717 = arith.constant 8 : i32
        %mul3A_718 = arith.muli %scan3A_708, %mul3A_717 : i32
        %add3A_719 = arith.constant 0 : i32
        %add3A_720 = arith.addi %mul3A_718, %add3A_719 : i32
        %get3A = arith.index_cast %add3A_720 : i32 to index
        %get3A_721 = arith.constant 0 : index
        %get3A_722 = tpu.vector_load %arg8[%get3A, %get3A_721] {strides = array<i32>} : memref<200x64xf32, #tpu.memory_space<vmem>>, vector<1x16xf32>,
        %get3A_723 = vector.shape_cast %get3A_722 : vector<1x16xf32> to vector<16xf32>
        %add3A_724 = arith.addf %scan3A_709, %get3A_723 : vector<16xf32>
        %get3A_725 = arith.index_cast %add3A_720 : i32 to index
        %get3A_726 = arith.constant 16 : index
        %get3A_727 = tpu.vector_load %arg8[%get3A_725, %get3A_726] {strides = array<i32>} : memref<200x64xf32, #tpu.memory_space<vmem>>, vector<1x16xf32>,
        %get3A_728 = vector.shape_cast %get3A_727 : vector<1x16xf32> to vector<16xf32>
        %add3A_729 = arith.addf %scan3A_710, %get3A_728 : vector<16xf32>
        %get3A_730 = arith.index_cast %add3A_720 : i32 to index
        %get3A_731 = arith.constant 32 : index
        %get3A_732 = tpu.vector_load %arg8[%get3A_730, %get3A_731] {strides = array<i32>} : memref<200x64xf32, #tpu.memory_space<vmem>>, vector<1x16xf32>,
        %get3A_733 = vector.shape_cast %get3A_732 : vector<1x16xf32> to vector<16xf32>
        %add3A_734 = arith.addf %scan3A_711, %get3A_733 : vector<16xf32>
        %get3A_735 = arith.index_cast %add3A_720 : i32 to index
        %get3A_736 = arith.constant 48 : index
        %get3A_737 = tpu.vector_load %arg8[%get3A_735, %get3A_736] {strides = array<i32>} : memref<200x64xf32, #tpu.memory_space<vmem>>, vector<1x16xf32>,
        %get3A_738 = vector.shape_cast %get3A_737 : vector<1x16xf32> to vector<16xf32>
        %add3A_739 = arith.addf %scan3A_712, %get3A_738 : vector<16xf32>
        %mul3A_740 = arith.constant 8 : i32
        %mul3A_741 = arith.muli %scan3A_708, %mul3A_740 : i32
        %add3A_742 = arith.constant 1 : i32
        %add3A_743 = arith.addi %mul3A_741, %add3A_742 : i32
        %get3A_744 = arith.index_cast %add3A_743 : i32 to index
        %get3A_745 = arith.constant 0 : index
        %get3A_746 = tpu.vector_load %arg8[%get3A_744, %get3A_745] {strides = array<i32>} : memref<200x64xf32, #tpu.memory_space<vmem>>, vector<1x16xf32>,
        %get3A_747 = vector.shape_cast %get3A_746 : vector<1x16xf32> to vector<16xf32>
        %add3A_748 = arith.addf %scan3A_713, %get3A_747 : vector<16xf32>
        %get3A_749 = arith.index_cast %add3A_743 : i32 to index
        %get3A_750 = arith.constant 16 : index
        %get3A_751 = tpu.vector_load %arg8[%get3A_749, %get3A_750] {strides = array<i32>} : memref<200x64xf32, #tpu.memory_space<vmem>>, vector<1x16xf32>,
        %get3A_752 = vector.shape_cast %get3A_751 : vector<1x16xf32> to vector<16xf32>
        %add3A_753 = arith.addf %scan3A_714, %get3A_752 : vector<16xf32>
        %get3A_754 = arith.index_cast %add3A_743 : i32 to index
        %get3A_755 = arith.constant 32 : index
        %get3A_756 = tpu.vector_load %arg8[%get3A_754, %get3A_755] {strides = array<i32>} : memref<200x64xf32, #tpu.memory_space<vmem>>, vector<1x16xf32>,
        %get3A_757 = vector.shape_cast %get3A_756 : vector<1x16xf32> to vector<16xf32>
        %add3A_758 = arith.addf %scan3A_715, %get3A_757 : vector<16xf32>
        %get3A_759 = arith.index_cast %add3A_743 : i32 to index
        %get3A_760 = arith.constant 48 : index
        %get3A_761 = tpu.vector_load %arg8[%get3A_759, %get3A_760] {strides = array<i32>} : memref<200x64xf32, #tpu.memory_space<vmem>>, vector<1x16xf32>,
        %get3A_762 = vector.shape_cast %get3A_761 : vector<1x16xf32> to vector<16xf32>
        %add3A_763 = arith.addf %scan3A_716, %get3A_762 : vector<16xf32>
        %mul3A_764 = arith.constant 8 : i32
        %mul3A_765 = arith.muli %scan3A_708, %mul3A_764 : i32
        %add3A_766 = arith.constant 2 : i32
        %add3A_767 = arith.addi %mul3A_765, %add3A_766 : i32
        %get3A_768 = arith.index_cast %add3A_767 : i32 to index
        %get3A_769 = arith.constant 0 : index
        %get3A_770 = tpu.vector_load %arg8[%get3A_768, %get3A_769] {strides = array<i32>} : memref<200x64xf32, #tpu.memory_space<vmem>>, vector<1x16xf32>,
        %get3A_771 = vector.shape_cast %get3A_770 : vector<1x16xf32> to vector<16xf32>
        %add3A_772 = arith.addf %add3A_724, %get3A_771 : vector<16xf32>
        %get3A_773 = arith.index_cast %add3A_767 : i32 to index
        %get3A_774 = arith.constant 16 : index
        %get3A_775 = tpu.vector_load %arg8[%get3A_773, %get3A_774] {strides = array<i32>} : memref<200x64xf32, #tpu.memory_space<vmem>>, vector<1x16xf32>,
        %get3A_776 = vector.shape_cast %get3A_775 : vector<1x16xf32> to vector<16xf32>
        %add3A_777 = arith.addf %add3A_729, %get3A_776 : vector<16xf32>
        %get3A_778 = arith.index_cast %add3A_767 : i32 to index
        %get3A_779 = arith.constant 32 : index
        %get3A_780 = tpu.vector_load %arg8[%get3A_778, %get3A_779] {strides = array<i32>} : memref<200x64xf32, #tpu.memory_space<vmem>>, vector<1x16xf32>,
        %get3A_781 = vector.shape_cast %get3A_780 : vector<1x16xf32> to vector<16xf32>
        %add3A_782 = arith.addf %add3A_734, %get3A_781 : vector<16xf32>
        %get3A_783 = arith.index_cast %add3A_767 : i32 to index
        %get3A_784 = arith.constant 48 : index
        %get3A_785 = tpu.vector_load %arg8[%get3A_783, %get3A_784] {strides = array<i32>} : memref<200x64xf32, #tpu.memory_space<vmem>>, vector<1x16xf32>,
        %get3A_786 = vector.shape_cast %get3A_785 : vector<1x16xf32> to vector<16xf32>
        %add3A_787 = arith.addf %add3A_739, %get3A_786 : vector<16xf32>
        %mul3A_788 = arith.constant 8 : i32
        %mul3A_789 = arith.muli %scan3A_708, %mul3A_788 : i32
        %add3A_790 = arith.constant 3 : i32
        %add3A_791 = arith.addi %mul3A_789, %add3A_790 : i32
        %get3A_792 = arith.index_cast %add3A_791 : i32 to index
        %get3A_793 = arith.constant 0 : index
        %get3A_794 = tpu.vector_load %arg8[%get3A_792, %get3A_793] {strides = array<i32>} : memref<200x64xf32, #tpu.memory_space<vmem>>, vector<1x16xf32>,
        %get3A_795 = vector.shape_cast %get3A_794 : vector<1x16xf32> to vector<16xf32>
        %add3A_796 = arith.addf %add3A_748, %get3A_795 : vector<16xf32>
        %get3A_797 = arith.index_cast %add3A_791 : i32 to index
        %get3A_798 = arith.constant 16 : index
        %get3A_799 = tpu.vector_load %arg8[%get3A_797, %get3A_798] {strides = array<i32>} : memref<200x64xf32, #tpu.memory_space<vmem>>, vector<1x16xf32>,
        %get3A_800 = vector.shape_cast %get3A_799 : vector<1x16xf32> to vector<16xf32>
        %add3A_801 = arith.addf %add3A_753, %get3A_800 : vector<16xf32>
        %get3A_802 = arith.index_cast %add3A_791 : i32 to index
        %get3A_803 = arith.constant 32 : index
        %get3A_804 = tpu.vector_load %arg8[%get3A_802, %get3A_803] {strides = array<i32>} : memref<200x64xf32, #tpu.memory_space<vmem>>, vector<1x16xf32>,
        %get3A_805 = vector.shape_cast %get3A_804 : vector<1x16xf32> to vector<16xf32>
        %add3A_806 = arith.addf %add3A_758, %get3A_805 : vector<16xf32>
        %get3A_807 = arith.index_cast %add3A_791 : i32 to index
        %get3A_808 = arith.constant 48 : index
        %get3A_809 = tpu.vector_load %arg8[%get3A_807, %get3A_808] {strides = array<i32>} : memref<200x64xf32, #tpu.memory_space<vmem>>, vector<1x16xf32>,
        %get3A_810 = vector.shape_cast %get3A_809 : vector<1x16xf32> to vector<16xf32>
        %add3A_811 = arith.addf %add3A_763, %get3A_810 : vector<16xf32>
        %mul3A_812 = arith.constant 8 : i32
        %mul3A_813 = arith.muli %scan3A_708, %mul3A_812 : i32
        %add3A_814 = arith.constant 4 : i32
        %add3A_815 = arith.addi %mul3A_813, %add3A_814 : i32
        %get3A_816 = arith.index_cast %add3A_815 : i32 to index
        %get3A_817 = arith.constant 0 : index
        %get3A_818 = tpu.vector_load %arg8[%get3A_816, %get3A_817] {strides = array<i32>} : memref<200x64xf32, #tpu.memory_space<vmem>>, vector<1x16xf32>,
        %get3A_819 = vector.shape_cast %get3A_818 : vector<1x16xf32> to vector<16xf32>
        %add3A_820 = arith.addf %add3A_772, %get3A_819 : vector<16xf32>
        %get3A_821 = arith.index_cast %add3A_815 : i32 to index
        %get3A_822 = arith.constant 16 : index
        %get3A_823 = tpu.vector_load %arg8[%get3A_821, %get3A_822] {strides = array<i32>} : memref<200x64xf32, #tpu.memory_space<vmem>>, vector<1x16xf32>,
        %get3A_824 = vector.shape_cast %get3A_823 : vector<1x16xf32> to vector<16xf32>
        %add3A_825 = arith.addf %add3A_777, %get3A_824 : vector<16xf32>
        %get3A_826 = arith.index_cast %add3A_815 : i32 to index
        %get3A_827 = arith.constant 32 : index
        %get3A_828 = tpu.vector_load %arg8[%get3A_826, %get3A_827] {strides = array<i32>} : memref<200x64xf32, #tpu.memory_space<vmem>>, vector<1x16xf32>,
        %get3A_829 = vector.shape_cast %get3A_828 : vector<1x16xf32> to vector<16xf32>
        %add3A_830 = arith.addf %add3A_782, %get3A_829 : vector<16xf32>
        %get3A_831 = arith.index_cast %add3A_815 : i32 to index
        %get3A_832 = arith.constant 48 : index
        %get3A_833 = tpu.vector_load %arg8[%get3A_831, %get3A_832] {strides = array<i32>} : memref<200x64xf32, #tpu.memory_space<vmem>>, vector<1x16xf32>,
        %get3A_834 = vector.shape_cast %get3A_833 : vector<1x16xf32> to vector<16xf32>
        %add3A_835 = arith.addf %add3A_787, %get3A_834 : vector<16xf32>
        %mul3A_836 = arith.constant 8 : i32
        %mul3A_837 = arith.muli %scan3A_708, %mul3A_836 : i32
        %add3A_838 = arith.constant 5 : i32
        %add3A_839 = arith.addi %mul3A_837, %add3A_838 : i32
        %get3A_840 = arith.index_cast %add3A_839 : i32 to index
        %get3A_841 = arith.constant 0 : index
        %get3A_842 = tpu.vector_load %arg8[%get3A_840, %get3A_841] {strides = array<i32>} : memref<200x64xf32, #tpu.memory_space<vmem>>, vector<1x16xf32>,
        %get3A_843 = vector.shape_cast %get3A_842 : vector<1x16xf32> to vector<16xf32>
        %add3A_844 = arith.addf %add3A_796, %get3A_843 : vector<16xf32>
        %get3A_845 = arith.index_cast %add3A_839 : i32 to index
        %get3A_846 = arith.constant 16 : index
        %get3A_847 = tpu.vector_load %arg8[%get3A_845, %get3A_846] {strides = array<i32>} : memref<200x64xf32, #tpu.memory_space<vmem>>, vector<1x16xf32>,
        %get3A_848 = vector.shape_cast %get3A_847 : vector<1x16xf32> to vector<16xf32>
        %add3A_849 = arith.addf %add3A_801, %get3A_848 : vector<16xf32>
        %get3A_850 = arith.index_cast %add3A_839 : i32 to index
        %get3A_851 = arith.constant 32 : index
        %get3A_852 = tpu.vector_load %arg8[%get3A_850, %get3A_851] {strides = array<i32>} : memref<200x64xf32, #tpu.memory_space<vmem>>, vector<1x16xf32>,
        %get3A_853 = vector.shape_cast %get3A_852 : vector<1x16xf32> to vector<16xf32>
        %add3A_854 = arith.addf %add3A_806, %get3A_853 : vector<16xf32>
        %get3A_855 = arith.index_cast %add3A_839 : i32 to index
        %get3A_856 = arith.constant 48 : index
        %get3A_857 = tpu.vector_load %arg8[%get3A_855, %get3A_856] {strides = array<i32>} : memref<200x64xf32, #tpu.memory_space<vmem>>, vector<1x16xf32>,
        %get3A_858 = vector.shape_cast %get3A_857 : vector<1x16xf32> to vector<16xf32>
        %add3A_859 = arith.addf %add3A_811, %get3A_858 : vector<16xf32>
        %mul3A_860 = arith.constant 8 : i32
        %mul3A_861 = arith.muli %scan3A_708, %mul3A_860 : i32
        %add3A_862 = arith.constant 6 : i32
        %add3A_863 = arith.addi %mul3A_861, %add3A_862 : i32
        %get3A_864 = arith.index_cast %add3A_863 : i32 to index
        %get3A_865 = arith.constant 0 : index
        %get3A_866 = tpu.vector_load %arg8[%get3A_864, %get3A_865] {strides = array<i32>} : memref<200x64xf32, #tpu.memory_space<vmem>>, vector<1x16xf32>,
        %get3A_867 = vector.shape_cast %get3A_866 : vector<1x16xf32> to vector<16xf32>
        %add3A_868 = arith.addf %add3A_820, %get3A_867 : vector<16xf32>
        %get3A_869 = arith.index_cast %add3A_863 : i32 to index
        %get3A_870 = arith.constant 16 : index
        %get3A_871 = tpu.vector_load %arg8[%get3A_869, %get3A_870] {strides = array<i32>} : memref<200x64xf32, #tpu.memory_space<vmem>>, vector<1x16xf32>,
        %get3A_872 = vector.shape_cast %get3A_871 : vector<1x16xf32> to vector<16xf32>
        %add3A_873 = arith.addf %add3A_825, %get3A_872 : vector<16xf32>
        %get3A_874 = arith.index_cast %add3A_863 : i32 to index
        %get3A_875 = arith.constant 32 : index
        %get3A_876 = tpu.vector_load %arg8[%get3A_874, %get3A_875] {strides = array<i32>} : memref<200x64xf32, #tpu.memory_space<vmem>>, vector<1x16xf32>,
        %get3A_877 = vector.shape_cast %get3A_876 : vector<1x16xf32> to vector<16xf32>
        %add3A_878 = arith.addf %add3A_830, %get3A_877 : vector<16xf32>
        %get3A_879 = arith.index_cast %add3A_863 : i32 to index
        %get3A_880 = arith.constant 48 : index
        %get3A_881 = tpu.vector_load %arg8[%get3A_879, %get3A_880] {strides = array<i32>} : memref<200x64xf32, #tpu.memory_space<vmem>>, vector<1x16xf32>,
        %get3A_882 = vector.shape_cast %get3A_881 : vector<1x16xf32> to vector<16xf32>
        %add3A_883 = arith.addf %add3A_835, %get3A_882 : vector<16xf32>
        %mul3A_884 = arith.constant 8 : i32
        %mul3A_885 = arith.muli %scan3A_708, %mul3A_884 : i32
        %add3A_886 = arith.constant 7 : i32
        %add3A_887 = arith.addi %mul3A_885, %add3A_886 : i32
        %get3A_888 = arith.index_cast %add3A_887 : i32 to index
        %get3A_889 = arith.constant 0 : index
        %get3A_890 = tpu.vector_load %arg8[%get3A_888, %get3A_889] {strides = array<i32>} : memref<200x64xf32, #tpu.memory_space<vmem>>, vector<1x16xf32>,
        %get3A_891 = vector.shape_cast %get3A_890 : vector<1x16xf32> to vector<16xf32>
        %add3A_892 = arith.addf %add3A_844, %get3A_891 : vector<16xf32>
        %get3A_893 = arith.index_cast %add3A_887 : i32 to index
        %get3A_894 = arith.constant 16 : index
        %get3A_895 = tpu.vector_load %arg8[%get3A_893, %get3A_894] {strides = array<i32>} : memref<200x64xf32, #tpu.memory_space<vmem>>, vector<1x16xf32>,
        %get3A_896 = vector.shape_cast %get3A_895 : vector<1x16xf32> to vector<16xf32>
        %add3A_897 = arith.addf %add3A_849, %get3A_896 : vector<16xf32>
        %get3A_898 = arith.index_cast %add3A_887 : i32 to index
        %get3A_899 = arith.constant 32 : index
        %get3A_900 = tpu.vector_load %arg8[%get3A_898, %get3A_899] {strides = array<i32>} : memref<200x64xf32, #tpu.memory_space<vmem>>, vector<1x16xf32>,
        %get3A_901 = vector.shape_cast %get3A_900 : vector<1x16xf32> to vector<16xf32>
        %add3A_902 = arith.addf %add3A_854, %get3A_901 : vector<16xf32>
        %get3A_903 = arith.index_cast %add3A_887 : i32 to index
        %get3A_904 = arith.constant 48 : index
        %get3A_905 = tpu.vector_load %arg8[%get3A_903, %get3A_904] {strides = array<i32>} : memref<200x64xf32, #tpu.memory_space<vmem>>, vector<1x16xf32>,
        %get3A_906 = vector.shape_cast %get3A_905 : vector<1x16xf32> to vector<16xf32>
        %add3A_907 = arith.addf %add3A_859, %get3A_906 : vector<16xf32>
        scf.yield %add3A_868, %add3A_873, %add3A_878, %add3A_883, %add3A_892, %add3A_897, %add3A_902, %add3A_907 : vector<16xf32>, vector<16xf32>, vector<16xf32>, vector<16xf32>, vector<16xf32>, vector<16xf32>, vector<16xf32>, vector<16xf32>
      }
      %scan3A_439 = arith.constant 25 : i32
      %add3A_440 = arith.addf %scan3A_438#0, %scan3A_438#4 : vector<16xf32>
      %mul3A_441 = arith.constant 5.000000e-03 : f32
      %mul3A_442 = vector.broadcast %mul3A_441 : f32 to vector<16xf32>
      %mul3A_443 = arith.mulf %add3A_440, %mul3A_442 : vector<16xf32>
      %swap3A_444 = arith.index_cast %add3A_411 : i32 to index
      %swap3A_445 = arith.constant 0 : index
      %swap3A_446 = tpu.vector_load %arg12[%swap3A_444, %swap3A_445] {strides = array<i32>} : memref<128x64xf32, #tpu.memory_space<vmem>>, vector<1x16xf32>,
      %swap3A_447 = vector.shape_cast %swap3A_446 : vector<1x16xf32> to vector<16xf32>
      %swap3A_448 = vector.shape_cast %mul3A_443 : vector<16xf32> to vector<1x16xf32>
      tpu.vector_store %arg12[%swap3A_444, %swap3A_445], %swap3A_448 {strides = array<i32>} : memref<128x64xf32, #tpu.memory_space<vmem>>, vector<1x16xf32>,
      %add3A_449 = arith.addf %scan3A_438#1, %scan3A_438#5 : vector<16xf32>
      %mul3A_450 = arith.constant 5.000000e-03 : f32
      %mul3A_451 = vector.broadcast %mul3A_450 : f32 to vector<16xf32>
      %mul3A_452 = arith.mulf %add3A_449, %mul3A_451 : vector<16xf32>
      %swap3A_453 = arith.index_cast %add3A_411 : i32 to index
      %swap3A_454 = arith.constant 16 : index
      %swap3A_455 = tpu.vector_load %arg12[%swap3A_453, %swap3A_454] {strides = array<i32>} : memref<128x64xf32, #tpu.memory_space<vmem>>, vector<1x16xf32>,
      %swap3A_456 = vector.shape_cast %swap3A_455 : vector<1x16xf32> to vector<16xf32>
      %swap3A_457 = vector.shape_cast %mul3A_452 : vector<16xf32> to vector<1x16xf32>
      tpu.vector_store %arg12[%swap3A_453, %swap3A_454], %swap3A_457 {strides = array<i32>} : memref<128x64xf32, #tpu.memory_space<vmem>>, vector<1x16xf32>,
      %add3A_458 = arith.addf %scan3A_438#2, %scan3A_438#6 : vector<16xf32>
      %mul3A_459 = arith.constant 5.000000e-03 : f32
      %mul3A_460 = vector.broadcast %mul3A_459 : f32 to vector<16xf32>
      %mul3A_461 = arith.mulf %add3A_458, %mul3A_460 : vector<16xf32>
      %swap3A_462 = arith.index_cast %add3A_411 : i32 to index
      %swap3A_463 = arith.constant 32 : index
      %swap3A_464 = tpu.vector_load %arg12[%swap3A_462, %swap3A_463] {strides = array<i32>} : memref<128x64xf32, #tpu.memory_space<vmem>>, vector<1x16xf32>,
      %swap3A_465 = vector.shape_cast %swap3A_464 : vector<1x16xf32> to vector<16xf32>
      %swap3A_466 = vector.shape_cast %mul3A_461 : vector<16xf32> to vector<1x16xf32>
      tpu.vector_store %arg12[%swap3A_462, %swap3A_463], %swap3A_466 {strides = array<i32>} : memref<128x64xf32, #tpu.memory_space<vmem>>, vector<1x16xf32>,
      %add3A_467 = arith.addf %scan3A_438#3, %scan3A_438#7 : vector<16xf32>
      %mul3A_468 = arith.constant 5.000000e-03 : f32
      %mul3A_469 = vector.broadcast %mul3A_468 : f32 to vector<16xf32>
      %mul3A_470 = arith.mulf %add3A_467, %mul3A_469 : vector<16xf32>
      %swap3A_471 = arith.index_cast %add3A_411 : i32 to index
      %swap3A_472 = arith.constant 48 : index
      %swap3A_473 = tpu.vector_load %arg12[%swap3A_471, %swap3A_472] {strides = array<i32>} : memref<128x64xf32, #tpu.memory_space<vmem>>, vector<1x16xf32>,
      %swap3A_474 = vector.shape_cast %swap3A_473 : vector<1x16xf32> to vector<16xf32>
      %swap3A_475 = vector.shape_cast %mul3A_470 : vector<16xf32> to vector<1x16xf32>
      tpu.vector_store %arg12[%swap3A_471, %swap3A_472], %swap3A_475 {strides = array<i32>} : memref<128x64xf32, #tpu.memory_space<vmem>>, vector<1x16xf32>,
      %add3A_476 = arith.constant 6 : i32
      %add3A_477 = arith.addi %add3A_411, %add3A_476 : i32
      %lt3A_478 = arith.constant 128 : i32
      %lt3A_479 = arith.cmpi slt, %add3A_477, %lt3A_478 : i32
      %convert_element_type3A_480 = arith.extui %lt3A_479 : i1 to i32
      %cond3A_481 = arith.constant 0 : i32
      %cond3A_482 = arith.cmpi ne, %convert_element_type3A_480, %cond3A_481 : i32
      scf.if %cond3A_482 {
        %add3A_708 = arith.constant 6 : i32
        %add3A_709 = arith.addi %add3A_411, %add3A_708 : i32
        %dma_start3A_710 = arith.constant 0 : i32
        %dma_start3A_711 = arith.constant 0 : i32
        %dma_start3A_712 = tpu.memref_slice %arg8[%dma_start3A_710, %dma_start3A_711] : memref<200x64xf32, #tpu.memory_space<vmem>> -> memref<104x64xf32, #tpu.memory_space<vmem>>
        %dma_start3A_713 = arith.constant 0 : i32
        %dma_start3A_714 = tpu.memref_slice %arg5[%add3A_709, %dma_start3A_713] : memref<128x200xi32, #tpu.memory_space<vmem>> -> memref<1x104xi32, #tpu.memory_space<vmem>>
        %dma_start3A_715 = tpu.memref_squeeze %dma_start3A_714 : memref<1x104xi32, #tpu.memory_space<vmem>> -> memref<104xi32, #tpu.memory_space<vmem>>
        %dma_start3A_716 = arith.constant 0 : i32
        %dma_start3A_717 = arith.constant 0 : i32
        %dma_start3A_718 = tpu.memref_slice %arg3[%dma_start3A_716, %dma_start3A_717] : memref<1000000x64xf32, #tpu.memory_space<hbm>> -> memref<1000000x64xf32, #tpu.memory_space<hbm>>
        tpu.enqueue_indirect_dma source(%dma_start3A_718 : memref<1000000x64xf32, #tpu.memory_space<hbm>>) target(%dma_start3A_712 : memref<104x64xf32, #tpu.memory_space<vmem>>) offsets(%dma_start3A_715 : memref<104xi32, #tpu.memory_space<vmem>>) semaphore(%arg15 : memref<!tpu.dma_semaphore, #tpu.memory_space<semaphore_mem>>)
        %dma_start3A_719 = arith.constant 104 : i32
        %dma_start3A_720 = arith.constant 0 : i32
        %dma_start3A_721 = tpu.memref_slice %arg8[%dma_start3A_719, %dma_start3A_720] : memref<200x64xf32, #tpu.memory_space<vmem>> -> memref<96x64xf32, #tpu.memory_space<vmem>>
        %dma_start3A_722 = arith.constant 104 : i32
        %dma_start3A_723 = tpu.memref_slice %arg5[%add3A_709, %dma_start3A_722] : memref<128x200xi32, #tpu.memory_space<vmem>> -> memref<1x96xi32, #tpu.memory_space<vmem>>
        %dma_start3A_724 = tpu.memref_squeeze %dma_start3A_723 : memref<1x96xi32, #tpu.memory_space<vmem>> -> memref<96xi32, #tpu.memory_space<vmem>>
        %dma_start3A_725 = arith.constant 0 : i32
        %dma_start3A_726 = arith.constant 0 : i32
        %dma_start3A_727 = tpu.memref_slice %arg3[%dma_start3A_725, %dma_start3A_726] : memref<1000000x64xf32, #tpu.memory_space<hbm>> -> memref<1000000x64xf32, #tpu.memory_space<hbm>>
        tpu.enqueue_indirect_dma source(%dma_start3A_727 : memref<1000000x64xf32, #tpu.memory_space<hbm>>) target(%dma_start3A_721 : memref<96x64xf32, #tpu.memory_space<vmem>>) offsets(%dma_start3A_724 : memref<96xi32, #tpu.memory_space<vmem>>) semaphore(%arg15 : memref<!tpu.dma_semaphore, #tpu.memory_space<semaphore_mem>>)
      } else {
      }
      %mul3A_483 = arith.constant 6 : i32
      %mul3A_484 = arith.muli %mul3A_483, %scan3A_260 : i32
      %add3A_485 = arith.constant 3 : i32
      %add3A_486 = arith.addi %mul3A_484, %add3A_485 : i32
      %dma_wait3A_487 = arith.constant 0 : i32
      %dma_wait3A_488 = arith.constant 0 : i32
      %dma_wait3A_489 = tpu.memref_slice %arg3[%dma_wait3A_487, %dma_wait3A_488] : memref<1000000x64xf32, #tpu.memory_space<hbm>> -> memref<200x64xf32, #tpu.memory_space<hbm>>
      %dma_wait3A_490 = arith.constant 0 : i32
      %dma_wait3A_491 = arith.constant 0 : i32
      %dma_wait3A_492 = tpu.memref_slice %arg3[%dma_wait3A_490, %dma_wait3A_491] : memref<1000000x64xf32, #tpu.memory_space<hbm>> -> memref<200x64xf32, #tpu.memory_space<hbm>>
      tpu.wait_dma2 semaphore(%arg16 : memref<!tpu.dma_semaphore, #tpu.memory_space<semaphore_mem>>) src(%dma_wait3A_492 : memref<200x64xf32, #tpu.memory_space<hbm>>) dst(%arg9 : memref<200x64xf32, #tpu.memory_space<vmem>>)
      %broadcast_in_dim3A_493 = arith.constant 0.000000e+00 : f32
      %broadcast_in_dim3A_494 = vector.broadcast %broadcast_in_dim3A_493 : f32 to vector<16xf32>
      %broadcast_in_dim3A_495 = arith.constant 0.000000e+00 : f32
      %broadcast_in_dim3A_496 = vector.broadcast %broadcast_in_dim3A_495 : f32 to vector<16xf32>
      %broadcast_in_dim3A_497 = arith.constant 0.000000e+00 : f32
      %broadcast_in_dim3A_498 = vector.broadcast %broadcast_in_dim3A_497 : f32 to vector<16xf32>
      %broadcast_in_dim3A_499 = arith.constant 0.000000e+00 : f32
      %broadcast_in_dim3A_500 = vector.broadcast %broadcast_in_dim3A_499 : f32 to vector<16xf32>
      %broadcast_in_dim3A_501 = arith.constant 0.000000e+00 : f32
      %broadcast_in_dim3A_502 = vector.broadcast %broadcast_in_dim3A_501 : f32 to vector<16xf32>
      %broadcast_in_dim3A_503 = arith.constant 0.000000e+00 : f32
      %broadcast_in_dim3A_504 = vector.broadcast %broadcast_in_dim3A_503 : f32 to vector<16xf32>
      %broadcast_in_dim3A_505 = arith.constant 0.000000e+00 : f32
      %broadcast_in_dim3A_506 = vector.broadcast %broadcast_in_dim3A_505 : f32 to vector<16xf32>
      %broadcast_in_dim3A_507 = arith.constant 0.000000e+00 : f32
      %broadcast_in_dim3A_508 = vector.broadcast %broadcast_in_dim3A_507 : f32 to vector<16xf32>
      %scan3A_509 = arith.constant 0 : i32
      %scan3A_510 = arith.constant 25 : i32
      %scan3A_511 = arith.addi %scan3A_509, %scan3A_510 : i32
      %scan3A_512 = arith.constant 1 : i32
      %scan3A_513:8 = scf.for %scan3A_708 = %scan3A_509 to %scan3A_511 step %scan3A_512 iter_args(%scan3A_709 = %broadcast_in_dim3A_494, %scan3A_710 = %broadcast_in_dim3A_496, %scan3A_711 = %broadcast_in_dim3A_498, %scan3A_712 = %broadcast_in_dim3A_500, %scan3A_713 = %broadcast_in_dim3A_502, %scan3A_714 = %broadcast_in_dim3A_504, %scan3A_715 = %broadcast_in_dim3A_506, %scan3A_716 = %broadcast_in_dim3A_508) -> (vector<16xf32>, vector<16xf32>, vector<16xf32>, vector<16xf32>, vector<16xf32>, vector<16xf32>, vector<16xf32>, vector<16xf32>)  : i32 {
        %mul3A_717 = arith.constant 8 : i32
        %mul3A_718 = arith.muli %scan3A_708, %mul3A_717 : i32
        %add3A_719 = arith.constant 0 : i32
        %add3A_720 = arith.addi %mul3A_718, %add3A_719 : i32
        %get3A = arith.index_cast %add3A_720 : i32 to index
        %get3A_721 = arith.constant 0 : index
        %get3A_722 = tpu.vector_load %arg9[%get3A, %get3A_721] {strides = array<i32>} : memref<200x64xf32, #tpu.memory_space<vmem>>, vector<1x16xf32>,
        %get3A_723 = vector.shape_cast %get3A_722 : vector<1x16xf32> to vector<16xf32>
        %add3A_724 = arith.addf %scan3A_709, %get3A_723 : vector<16xf32>
        %get3A_725 = arith.index_cast %add3A_720 : i32 to index
        %get3A_726 = arith.constant 16 : index
        %get3A_727 = tpu.vector_load %arg9[%get3A_725, %get3A_726] {strides = array<i32>} : memref<200x64xf32, #tpu.memory_space<vmem>>, vector<1x16xf32>,
        %get3A_728 = vector.shape_cast %get3A_727 : vector<1x16xf32> to vector<16xf32>
        %add3A_729 = arith.addf %scan3A_710, %get3A_728 : vector<16xf32>
        %get3A_730 = arith.index_cast %add3A_720 : i32 to index
        %get3A_731 = arith.constant 32 : index
        %get3A_732 = tpu.vector_load %arg9[%get3A_730, %get3A_731] {strides = array<i32>} : memref<200x64xf32, #tpu.memory_space<vmem>>, vector<1x16xf32>,
        %get3A_733 = vector.shape_cast %get3A_732 : vector<1x16xf32> to vector<16xf32>
        %add3A_734 = arith.addf %scan3A_711, %get3A_733 : vector<16xf32>
        %get3A_735 = arith.index_cast %add3A_720 : i32 to index
        %get3A_736 = arith.constant 48 : index
        %get3A_737 = tpu.vector_load %arg9[%get3A_735, %get3A_736] {strides = array<i32>} : memref<200x64xf32, #tpu.memory_space<vmem>>, vector<1x16xf32>,
        %get3A_738 = vector.shape_cast %get3A_737 : vector<1x16xf32> to vector<16xf32>
        %add3A_739 = arith.addf %scan3A_712, %get3A_738 : vector<16xf32>
        %mul3A_740 = arith.constant 8 : i32
        %mul3A_741 = arith.muli %scan3A_708, %mul3A_740 : i32
        %add3A_742 = arith.constant 1 : i32
        %add3A_743 = arith.addi %mul3A_741, %add3A_742 : i32
        %get3A_744 = arith.index_cast %add3A_743 : i32 to index
        %get3A_745 = arith.constant 0 : index
        %get3A_746 = tpu.vector_load %arg9[%get3A_744, %get3A_745] {strides = array<i32>} : memref<200x64xf32, #tpu.memory_space<vmem>>, vector<1x16xf32>,
        %get3A_747 = vector.shape_cast %get3A_746 : vector<1x16xf32> to vector<16xf32>
        %add3A_748 = arith.addf %scan3A_713, %get3A_747 : vector<16xf32>
        %get3A_749 = arith.index_cast %add3A_743 : i32 to index
        %get3A_750 = arith.constant 16 : index
        %get3A_751 = tpu.vector_load %arg9[%get3A_749, %get3A_750] {strides = array<i32>} : memref<200x64xf32, #tpu.memory_space<vmem>>, vector<1x16xf32>,
        %get3A_752 = vector.shape_cast %get3A_751 : vector<1x16xf32> to vector<16xf32>
        %add3A_753 = arith.addf %scan3A_714, %get3A_752 : vector<16xf32>
        %get3A_754 = arith.index_cast %add3A_743 : i32 to index
        %get3A_755 = arith.constant 32 : index
        %get3A_756 = tpu.vector_load %arg9[%get3A_754, %get3A_755] {strides = array<i32>} : memref<200x64xf32, #tpu.memory_space<vmem>>, vector<1x16xf32>,
        %get3A_757 = vector.shape_cast %get3A_756 : vector<1x16xf32> to vector<16xf32>
        %add3A_758 = arith.addf %scan3A_715, %get3A_757 : vector<16xf32>
        %get3A_759 = arith.index_cast %add3A_743 : i32 to index
        %get3A_760 = arith.constant 48 : index
        %get3A_761 = tpu.vector_load %arg9[%get3A_759, %get3A_760] {strides = array<i32>} : memref<200x64xf32, #tpu.memory_space<vmem>>, vector<1x16xf32>,
        %get3A_762 = vector.shape_cast %get3A_761 : vector<1x16xf32> to vector<16xf32>
        %add3A_763 = arith.addf %scan3A_716, %get3A_762 : vector<16xf32>
        %mul3A_764 = arith.constant 8 : i32
        %mul3A_765 = arith.muli %scan3A_708, %mul3A_764 : i32
        %add3A_766 = arith.constant 2 : i32
        %add3A_767 = arith.addi %mul3A_765, %add3A_766 : i32
        %get3A_768 = arith.index_cast %add3A_767 : i32 to index
        %get3A_769 = arith.constant 0 : index
        %get3A_770 = tpu.vector_load %arg9[%get3A_768, %get3A_769] {strides = array<i32>} : memref<200x64xf32, #tpu.memory_space<vmem>>, vector<1x16xf32>,
        %get3A_771 = vector.shape_cast %get3A_770 : vector<1x16xf32> to vector<16xf32>
        %add3A_772 = arith.addf %add3A_724, %get3A_771 : vector<16xf32>
        %get3A_773 = arith.index_cast %add3A_767 : i32 to index
        %get3A_774 = arith.constant 16 : index
        %get3A_775 = tpu.vector_load %arg9[%get3A_773, %get3A_774] {strides = array<i32>} : memref<200x64xf32, #tpu.memory_space<vmem>>, vector<1x16xf32>,
        %get3A_776 = vector.shape_cast %get3A_775 : vector<1x16xf32> to vector<16xf32>
        %add3A_777 = arith.addf %add3A_729, %get3A_776 : vector<16xf32>
        %get3A_778 = arith.index_cast %add3A_767 : i32 to index
        %get3A_779 = arith.constant 32 : index
        %get3A_780 = tpu.vector_load %arg9[%get3A_778, %get3A_779] {strides = array<i32>} : memref<200x64xf32, #tpu.memory_space<vmem>>, vector<1x16xf32>,
        %get3A_781 = vector.shape_cast %get3A_780 : vector<1x16xf32> to vector<16xf32>
        %add3A_782 = arith.addf %add3A_734, %get3A_781 : vector<16xf32>
        %get3A_783 = arith.index_cast %add3A_767 : i32 to index
        %get3A_784 = arith.constant 48 : index
        %get3A_785 = tpu.vector_load %arg9[%get3A_783, %get3A_784] {strides = array<i32>} : memref<200x64xf32, #tpu.memory_space<vmem>>, vector<1x16xf32>,
        %get3A_786 = vector.shape_cast %get3A_785 : vector<1x16xf32> to vector<16xf32>
        %add3A_787 = arith.addf %add3A_739, %get3A_786 : vector<16xf32>
        %mul3A_788 = arith.constant 8 : i32
        %mul3A_789 = arith.muli %scan3A_708, %mul3A_788 : i32
        %add3A_790 = arith.constant 3 : i32
        %add3A_791 = arith.addi %mul3A_789, %add3A_790 : i32
        %get3A_792 = arith.index_cast %add3A_791 : i32 to index
        %get3A_793 = arith.constant 0 : index
        %get3A_794 = tpu.vector_load %arg9[%get3A_792, %get3A_793] {strides = array<i32>} : memref<200x64xf32, #tpu.memory_space<vmem>>, vector<1x16xf32>,
        %get3A_795 = vector.shape_cast %get3A_794 : vector<1x16xf32> to vector<16xf32>
        %add3A_796 = arith.addf %add3A_748, %get3A_795 : vector<16xf32>
        %get3A_797 = arith.index_cast %add3A_791 : i32 to index
        %get3A_798 = arith.constant 16 : index
        %get3A_799 = tpu.vector_load %arg9[%get3A_797, %get3A_798] {strides = array<i32>} : memref<200x64xf32, #tpu.memory_space<vmem>>, vector<1x16xf32>,
        %get3A_800 = vector.shape_cast %get3A_799 : vector<1x16xf32> to vector<16xf32>
        %add3A_801 = arith.addf %add3A_753, %get3A_800 : vector<16xf32>
        %get3A_802 = arith.index_cast %add3A_791 : i32 to index
        %get3A_803 = arith.constant 32 : index
        %get3A_804 = tpu.vector_load %arg9[%get3A_802, %get3A_803] {strides = array<i32>} : memref<200x64xf32, #tpu.memory_space<vmem>>, vector<1x16xf32>,
        %get3A_805 = vector.shape_cast %get3A_804 : vector<1x16xf32> to vector<16xf32>
        %add3A_806 = arith.addf %add3A_758, %get3A_805 : vector<16xf32>
        %get3A_807 = arith.index_cast %add3A_791 : i32 to index
        %get3A_808 = arith.constant 48 : index
        %get3A_809 = tpu.vector_load %arg9[%get3A_807, %get3A_808] {strides = array<i32>} : memref<200x64xf32, #tpu.memory_space<vmem>>, vector<1x16xf32>,
        %get3A_810 = vector.shape_cast %get3A_809 : vector<1x16xf32> to vector<16xf32>
        %add3A_811 = arith.addf %add3A_763, %get3A_810 : vector<16xf32>
        %mul3A_812 = arith.constant 8 : i32
        %mul3A_813 = arith.muli %scan3A_708, %mul3A_812 : i32
        %add3A_814 = arith.constant 4 : i32
        %add3A_815 = arith.addi %mul3A_813, %add3A_814 : i32
        %get3A_816 = arith.index_cast %add3A_815 : i32 to index
        %get3A_817 = arith.constant 0 : index
        %get3A_818 = tpu.vector_load %arg9[%get3A_816, %get3A_817] {strides = array<i32>} : memref<200x64xf32, #tpu.memory_space<vmem>>, vector<1x16xf32>,
        %get3A_819 = vector.shape_cast %get3A_818 : vector<1x16xf32> to vector<16xf32>
        %add3A_820 = arith.addf %add3A_772, %get3A_819 : vector<16xf32>
        %get3A_821 = arith.index_cast %add3A_815 : i32 to index
        %get3A_822 = arith.constant 16 : index
        %get3A_823 = tpu.vector_load %arg9[%get3A_821, %get3A_822] {strides = array<i32>} : memref<200x64xf32, #tpu.memory_space<vmem>>, vector<1x16xf32>,
        %get3A_824 = vector.shape_cast %get3A_823 : vector<1x16xf32> to vector<16xf32>
        %add3A_825 = arith.addf %add3A_777, %get3A_824 : vector<16xf32>
        %get3A_826 = arith.index_cast %add3A_815 : i32 to index
        %get3A_827 = arith.constant 32 : index
        %get3A_828 = tpu.vector_load %arg9[%get3A_826, %get3A_827] {strides = array<i32>} : memref<200x64xf32, #tpu.memory_space<vmem>>, vector<1x16xf32>,
        %get3A_829 = vector.shape_cast %get3A_828 : vector<1x16xf32> to vector<16xf32>
        %add3A_830 = arith.addf %add3A_782, %get3A_829 : vector<16xf32>
        %get3A_831 = arith.index_cast %add3A_815 : i32 to index
        %get3A_832 = arith.constant 48 : index
        %get3A_833 = tpu.vector_load %arg9[%get3A_831, %get3A_832] {strides = array<i32>} : memref<200x64xf32, #tpu.memory_space<vmem>>, vector<1x16xf32>,
        %get3A_834 = vector.shape_cast %get3A_833 : vector<1x16xf32> to vector<16xf32>
        %add3A_835 = arith.addf %add3A_787, %get3A_834 : vector<16xf32>
        %mul3A_836 = arith.constant 8 : i32
        %mul3A_837 = arith.muli %scan3A_708, %mul3A_836 : i32
        %add3A_838 = arith.constant 5 : i32
        %add3A_839 = arith.addi %mul3A_837, %add3A_838 : i32
        %get3A_840 = arith.index_cast %add3A_839 : i32 to index
        %get3A_841 = arith.constant 0 : index
        %get3A_842 = tpu.vector_load %arg9[%get3A_840, %get3A_841] {strides = array<i32>} : memref<200x64xf32, #tpu.memory_space<vmem>>, vector<1x16xf32>,
        %get3A_843 = vector.shape_cast %get3A_842 : vector<1x16xf32> to vector<16xf32>
        %add3A_844 = arith.addf %add3A_796, %get3A_843 : vector<16xf32>
        %get3A_845 = arith.index_cast %add3A_839 : i32 to index
        %get3A_846 = arith.constant 16 : index
        %get3A_847 = tpu.vector_load %arg9[%get3A_845, %get3A_846] {strides = array<i32>} : memref<200x64xf32, #tpu.memory_space<vmem>>, vector<1x16xf32>,
        %get3A_848 = vector.shape_cast %get3A_847 : vector<1x16xf32> to vector<16xf32>
        %add3A_849 = arith.addf %add3A_801, %get3A_848 : vector<16xf32>
        %get3A_850 = arith.index_cast %add3A_839 : i32 to index
        %get3A_851 = arith.constant 32 : index
        %get3A_852 = tpu.vector_load %arg9[%get3A_850, %get3A_851] {strides = array<i32>} : memref<200x64xf32, #tpu.memory_space<vmem>>, vector<1x16xf32>,
        %get3A_853 = vector.shape_cast %get3A_852 : vector<1x16xf32> to vector<16xf32>
        %add3A_854 = arith.addf %add3A_806, %get3A_853 : vector<16xf32>
        %get3A_855 = arith.index_cast %add3A_839 : i32 to index
        %get3A_856 = arith.constant 48 : index
        %get3A_857 = tpu.vector_load %arg9[%get3A_855, %get3A_856] {strides = array<i32>} : memref<200x64xf32, #tpu.memory_space<vmem>>, vector<1x16xf32>,
        %get3A_858 = vector.shape_cast %get3A_857 : vector<1x16xf32> to vector<16xf32>
        %add3A_859 = arith.addf %add3A_811, %get3A_858 : vector<16xf32>
        %mul3A_860 = arith.constant 8 : i32
        %mul3A_861 = arith.muli %scan3A_708, %mul3A_860 : i32
        %add3A_862 = arith.constant 6 : i32
        %add3A_863 = arith.addi %mul3A_861, %add3A_862 : i32
        %get3A_864 = arith.index_cast %add3A_863 : i32 to index
        %get3A_865 = arith.constant 0 : index
        %get3A_866 = tpu.vector_load %arg9[%get3A_864, %get3A_865] {strides = array<i32>} : memref<200x64xf32, #tpu.memory_space<vmem>>, vector<1x16xf32>,
        %get3A_867 = vector.shape_cast %get3A_866 : vector<1x16xf32> to vector<16xf32>
        %add3A_868 = arith.addf %add3A_820, %get3A_867 : vector<16xf32>
        %get3A_869 = arith.index_cast %add3A_863 : i32 to index
        %get3A_870 = arith.constant 16 : index
        %get3A_871 = tpu.vector_load %arg9[%get3A_869, %get3A_870] {strides = array<i32>} : memref<200x64xf32, #tpu.memory_space<vmem>>, vector<1x16xf32>,
        %get3A_872 = vector.shape_cast %get3A_871 : vector<1x16xf32> to vector<16xf32>
        %add3A_873 = arith.addf %add3A_825, %get3A_872 : vector<16xf32>
        %get3A_874 = arith.index_cast %add3A_863 : i32 to index
        %get3A_875 = arith.constant 32 : index
        %get3A_876 = tpu.vector_load %arg9[%get3A_874, %get3A_875] {strides = array<i32>} : memref<200x64xf32, #tpu.memory_space<vmem>>, vector<1x16xf32>,
        %get3A_877 = vector.shape_cast %get3A_876 : vector<1x16xf32> to vector<16xf32>
        %add3A_878 = arith.addf %add3A_830, %get3A_877 : vector<16xf32>
        %get3A_879 = arith.index_cast %add3A_863 : i32 to index
        %get3A_880 = arith.constant 48 : index
        %get3A_881 = tpu.vector_load %arg9[%get3A_879, %get3A_880] {strides = array<i32>} : memref<200x64xf32, #tpu.memory_space<vmem>>, vector<1x16xf32>,
        %get3A_882 = vector.shape_cast %get3A_881 : vector<1x16xf32> to vector<16xf32>
        %add3A_883 = arith.addf %add3A_835, %get3A_882 : vector<16xf32>
        %mul3A_884 = arith.constant 8 : i32
        %mul3A_885 = arith.muli %scan3A_708, %mul3A_884 : i32
        %add3A_886 = arith.constant 7 : i32
        %add3A_887 = arith.addi %mul3A_885, %add3A_886 : i32
        %get3A_888 = arith.index_cast %add3A_887 : i32 to index
        %get3A_889 = arith.constant 0 : index
        %get3A_890 = tpu.vector_load %arg9[%get3A_888, %get3A_889] {strides = array<i32>} : memref<200x64xf32, #tpu.memory_space<vmem>>, vector<1x16xf32>,
        %get3A_891 = vector.shape_cast %get3A_890 : vector<1x16xf32> to vector<16xf32>
        %add3A_892 = arith.addf %add3A_844, %get3A_891 : vector<16xf32>
        %get3A_893 = arith.index_cast %add3A_887 : i32 to index
        %get3A_894 = arith.constant 16 : index
        %get3A_895 = tpu.vector_load %arg9[%get3A_893, %get3A_894] {strides = array<i32>} : memref<200x64xf32, #tpu.memory_space<vmem>>, vector<1x16xf32>,
        %get3A_896 = vector.shape_cast %get3A_895 : vector<1x16xf32> to vector<16xf32>
        %add3A_897 = arith.addf %add3A_849, %get3A_896 : vector<16xf32>
        %get3A_898 = arith.index_cast %add3A_887 : i32 to index
        %get3A_899 = arith.constant 32 : index
        %get3A_900 = tpu.vector_load %arg9[%get3A_898, %get3A_899] {strides = array<i32>} : memref<200x64xf32, #tpu.memory_space<vmem>>, vector<1x16xf32>,
        %get3A_901 = vector.shape_cast %get3A_900 : vector<1x16xf32> to vector<16xf32>
        %add3A_902 = arith.addf %add3A_854, %get3A_901 : vector<16xf32>
        %get3A_903 = arith.index_cast %add3A_887 : i32 to index
        %get3A_904 = arith.constant 48 : index
        %get3A_905 = tpu.vector_load %arg9[%get3A_903, %get3A_904] {strides = array<i32>} : memref<200x64xf32, #tpu.memory_space<vmem>>, vector<1x16xf32>,
        %get3A_906 = vector.shape_cast %get3A_905 : vector<1x16xf32> to vector<16xf32>
        %add3A_907 = arith.addf %add3A_859, %get3A_906 : vector<16xf32>
        scf.yield %add3A_868, %add3A_873, %add3A_878, %add3A_883, %add3A_892, %add3A_897, %add3A_902, %add3A_907 : vector<16xf32>, vector<16xf32>, vector<16xf32>, vector<16xf32>, vector<16xf32>, vector<16xf32>, vector<16xf32>, vector<16xf32>
      }
      %scan3A_514 = arith.constant 25 : i32
      %add3A_515 = arith.addf %scan3A_513#0, %scan3A_513#4 : vector<16xf32>
      %mul3A_516 = arith.constant 5.000000e-03 : f32
      %mul3A_517 = vector.broadcast %mul3A_516 : f32 to vector<16xf32>
      %mul3A_518 = arith.mulf %add3A_515, %mul3A_517 : vector<16xf32>
      %swap3A_519 = arith.index_cast %add3A_486 : i32 to index
      %swap3A_520 = arith.constant 0 : index
      %swap3A_521 = tpu.vector_load %arg12[%swap3A_519, %swap3A_520] {strides = array<i32>} : memref<128x64xf32, #tpu.memory_space<vmem>>, vector<1x16xf32>,
      %swap3A_522 = vector.shape_cast %swap3A_521 : vector<1x16xf32> to vector<16xf32>
      %swap3A_523 = vector.shape_cast %mul3A_518 : vector<16xf32> to vector<1x16xf32>
      tpu.vector_store %arg12[%swap3A_519, %swap3A_520], %swap3A_523 {strides = array<i32>} : memref<128x64xf32, #tpu.memory_space<vmem>>, vector<1x16xf32>,
      %add3A_524 = arith.addf %scan3A_513#1, %scan3A_513#5 : vector<16xf32>
      %mul3A_525 = arith.constant 5.000000e-03 : f32
      %mul3A_526 = vector.broadcast %mul3A_525 : f32 to vector<16xf32>
      %mul3A_527 = arith.mulf %add3A_524, %mul3A_526 : vector<16xf32>
      %swap3A_528 = arith.index_cast %add3A_486 : i32 to index
      %swap3A_529 = arith.constant 16 : index
      %swap3A_530 = tpu.vector_load %arg12[%swap3A_528, %swap3A_529] {strides = array<i32>} : memref<128x64xf32, #tpu.memory_space<vmem>>, vector<1x16xf32>,
      %swap3A_531 = vector.shape_cast %swap3A_530 : vector<1x16xf32> to vector<16xf32>
      %swap3A_532 = vector.shape_cast %mul3A_527 : vector<16xf32> to vector<1x16xf32>
      tpu.vector_store %arg12[%swap3A_528, %swap3A_529], %swap3A_532 {strides = array<i32>} : memref<128x64xf32, #tpu.memory_space<vmem>>, vector<1x16xf32>,
      %add3A_533 = arith.addf %scan3A_513#2, %scan3A_513#6 : vector<16xf32>
      %mul3A_534 = arith.constant 5.000000e-03 : f32
      %mul3A_535 = vector.broadcast %mul3A_534 : f32 to vector<16xf32>
      %mul3A_536 = arith.mulf %add3A_533, %mul3A_535 : vector<16xf32>
      %swap3A_537 = arith.index_cast %add3A_486 : i32 to index
      %swap3A_538 = arith.constant 32 : index
      %swap3A_539 = tpu.vector_load %arg12[%swap3A_537, %swap3A_538] {strides = array<i32>} : memref<128x64xf32, #tpu.memory_space<vmem>>, vector<1x16xf32>,
      %swap3A_540 = vector.shape_cast %swap3A_539 : vector<1x16xf32> to vector<16xf32>
      %swap3A_541 = vector.shape_cast %mul3A_536 : vector<16xf32> to vector<1x16xf32>
      tpu.vector_store %arg12[%swap3A_537, %swap3A_538], %swap3A_541 {strides = array<i32>} : memref<128x64xf32, #tpu.memory_space<vmem>>, vector<1x16xf32>,
      %add3A_542 = arith.addf %scan3A_513#3, %scan3A_513#7 : vector<16xf32>
      %mul3A_543 = arith.constant 5.000000e-03 : f32
      %mul3A_544 = vector.broadcast %mul3A_543 : f32 to vector<16xf32>
      %mul3A_545 = arith.mulf %add3A_542, %mul3A_544 : vector<16xf32>
      %swap3A_546 = arith.index_cast %add3A_486 : i32 to index
      %swap3A_547 = arith.constant 48 : index
      %swap3A_548 = tpu.vector_load %arg12[%swap3A_546, %swap3A_547] {strides = array<i32>} : memref<128x64xf32, #tpu.memory_space<vmem>>, vector<1x16xf32>,
      %swap3A_549 = vector.shape_cast %swap3A_548 : vector<1x16xf32> to vector<16xf32>
      %swap3A_550 = vector.shape_cast %mul3A_545 : vector<16xf32> to vector<1x16xf32>
      tpu.vector_store %arg12[%swap3A_546, %swap3A_547], %swap3A_550 {strides = array<i32>} : memref<128x64xf32, #tpu.memory_space<vmem>>, vector<1x16xf32>,
      %add3A_551 = arith.constant 6 : i32
      %add3A_552 = arith.addi %add3A_486, %add3A_551 : i32
      %lt3A_553 = arith.constant 128 : i32
      %lt3A_554 = arith.cmpi slt, %add3A_552, %lt3A_553 : i32
      %convert_element_type3A_555 = arith.extui %lt3A_554 : i1 to i32
      %cond3A_556 = arith.constant 0 : i32
      %cond3A_557 = arith.cmpi ne, %convert_element_type3A_555, %cond3A_556 : i32
      scf.if %cond3A_557 {
        %add3A_708 = arith.constant 6 : i32
        %add3A_709 = arith.addi %add3A_486, %add3A_708 : i32
        %dma_start3A_710 = arith.constant 0 : i32
        %dma_start3A_711 = arith.constant 0 : i32
        %dma_start3A_712 = tpu.memref_slice %arg9[%dma_start3A_710, %dma_start3A_711] : memref<200x64xf32, #tpu.memory_space<vmem>> -> memref<104x64xf32, #tpu.memory_space<vmem>>
        %dma_start3A_713 = arith.constant 0 : i32
        %dma_start3A_714 = tpu.memref_slice %arg5[%add3A_709, %dma_start3A_713] : memref<128x200xi32, #tpu.memory_space<vmem>> -> memref<1x104xi32, #tpu.memory_space<vmem>>
        %dma_start3A_715 = tpu.memref_squeeze %dma_start3A_714 : memref<1x104xi32, #tpu.memory_space<vmem>> -> memref<104xi32, #tpu.memory_space<vmem>>
        %dma_start3A_716 = arith.constant 0 : i32
        %dma_start3A_717 = arith.constant 0 : i32
        %dma_start3A_718 = tpu.memref_slice %arg3[%dma_start3A_716, %dma_start3A_717] : memref<1000000x64xf32, #tpu.memory_space<hbm>> -> memref<1000000x64xf32, #tpu.memory_space<hbm>>
        tpu.enqueue_indirect_dma source(%dma_start3A_718 : memref<1000000x64xf32, #tpu.memory_space<hbm>>) target(%dma_start3A_712 : memref<104x64xf32, #tpu.memory_space<vmem>>) offsets(%dma_start3A_715 : memref<104xi32, #tpu.memory_space<vmem>>) semaphore(%arg16 : memref<!tpu.dma_semaphore, #tpu.memory_space<semaphore_mem>>)
        %dma_start3A_719 = arith.constant 104 : i32
        %dma_start3A_720 = arith.constant 0 : i32
        %dma_start3A_721 = tpu.memref_slice %arg9[%dma_start3A_719, %dma_start3A_720] : memref<200x64xf32, #tpu.memory_space<vmem>> -> memref<96x64xf32, #tpu.memory_space<vmem>>
        %dma_start3A_722 = arith.constant 104 : i32
        %dma_start3A_723 = tpu.memref_slice %arg5[%add3A_709, %dma_start3A_722] : memref<128x200xi32, #tpu.memory_space<vmem>> -> memref<1x96xi32, #tpu.memory_space<vmem>>
        %dma_start3A_724 = tpu.memref_squeeze %dma_start3A_723 : memref<1x96xi32, #tpu.memory_space<vmem>> -> memref<96xi32, #tpu.memory_space<vmem>>
        %dma_start3A_725 = arith.constant 0 : i32
        %dma_start3A_726 = arith.constant 0 : i32
        %dma_start3A_727 = tpu.memref_slice %arg3[%dma_start3A_725, %dma_start3A_726] : memref<1000000x64xf32, #tpu.memory_space<hbm>> -> memref<1000000x64xf32, #tpu.memory_space<hbm>>
        tpu.enqueue_indirect_dma source(%dma_start3A_727 : memref<1000000x64xf32, #tpu.memory_space<hbm>>) target(%dma_start3A_721 : memref<96x64xf32, #tpu.memory_space<vmem>>) offsets(%dma_start3A_724 : memref<96xi32, #tpu.memory_space<vmem>>) semaphore(%arg16 : memref<!tpu.dma_semaphore, #tpu.memory_space<semaphore_mem>>)
      } else {
      }
      %mul3A_558 = arith.constant 6 : i32
      %mul3A_559 = arith.muli %mul3A_558, %scan3A_260 : i32
      %add3A_560 = arith.constant 4 : i32
      %add3A_561 = arith.addi %mul3A_559, %add3A_560 : i32
      %dma_wait3A_562 = arith.constant 0 : i32
      %dma_wait3A_563 = arith.constant 0 : i32
      %dma_wait3A_564 = tpu.memref_slice %arg3[%dma_wait3A_562, %dma_wait3A_563] : memref<1000000x64xf32, #tpu.memory_space<hbm>> -> memref<200x64xf32, #tpu.memory_space<hbm>>
      %dma_wait3A_565 = arith.constant 0 : i32
      %dma_wait3A_566 = arith.constant 0 : i32
      %dma_wait3A_567 = tpu.memref_slice %arg3[%dma_wait3A_565, %dma_wait3A_566] : memref<1000000x64xf32, #tpu.memory_space<hbm>> -> memref<200x64xf32, #tpu.memory_space<hbm>>
      tpu.wait_dma2 semaphore(%arg17 : memref<!tpu.dma_semaphore, #tpu.memory_space<semaphore_mem>>) src(%dma_wait3A_567 : memref<200x64xf32, #tpu.memory_space<hbm>>) dst(%arg10 : memref<200x64xf32, #tpu.memory_space<vmem>>)
      %broadcast_in_dim3A_568 = arith.constant 0.000000e+00 : f32
      %broadcast_in_dim3A_569 = vector.broadcast %broadcast_in_dim3A_568 : f32 to vector<16xf32>
      %broadcast_in_dim3A_570 = arith.constant 0.000000e+00 : f32
      %broadcast_in_dim3A_571 = vector.broadcast %broadcast_in_dim3A_570 : f32 to vector<16xf32>
      %broadcast_in_dim3A_572 = arith.constant 0.000000e+00 : f32
      %broadcast_in_dim3A_573 = vector.broadcast %broadcast_in_dim3A_572 : f32 to vector<16xf32>
      %broadcast_in_dim3A_574 = arith.constant 0.000000e+00 : f32
      %broadcast_in_dim3A_575 = vector.broadcast %broadcast_in_dim3A_574 : f32 to vector<16xf32>
      %broadcast_in_dim3A_576 = arith.constant 0.000000e+00 : f32
      %broadcast_in_dim3A_577 = vector.broadcast %broadcast_in_dim3A_576 : f32 to vector<16xf32>
      %broadcast_in_dim3A_578 = arith.constant 0.000000e+00 : f32
      %broadcast_in_dim3A_579 = vector.broadcast %broadcast_in_dim3A_578 : f32 to vector<16xf32>
      %broadcast_in_dim3A_580 = arith.constant 0.000000e+00 : f32
      %broadcast_in_dim3A_581 = vector.broadcast %broadcast_in_dim3A_580 : f32 to vector<16xf32>
      %broadcast_in_dim3A_582 = arith.constant 0.000000e+00 : f32
      %broadcast_in_dim3A_583 = vector.broadcast %broadcast_in_dim3A_582 : f32 to vector<16xf32>
      %scan3A_584 = arith.constant 0 : i32
      %scan3A_585 = arith.constant 25 : i32
      %scan3A_586 = arith.addi %scan3A_584, %scan3A_585 : i32
      %scan3A_587 = arith.constant 1 : i32
      %scan3A_588:8 = scf.for %scan3A_708 = %scan3A_584 to %scan3A_586 step %scan3A_587 iter_args(%scan3A_709 = %broadcast_in_dim3A_569, %scan3A_710 = %broadcast_in_dim3A_571, %scan3A_711 = %broadcast_in_dim3A_573, %scan3A_712 = %broadcast_in_dim3A_575, %scan3A_713 = %broadcast_in_dim3A_577, %scan3A_714 = %broadcast_in_dim3A_579, %scan3A_715 = %broadcast_in_dim3A_581, %scan3A_716 = %broadcast_in_dim3A_583) -> (vector<16xf32>, vector<16xf32>, vector<16xf32>, vector<16xf32>, vector<16xf32>, vector<16xf32>, vector<16xf32>, vector<16xf32>)  : i32 {
        %mul3A_717 = arith.constant 8 : i32
        %mul3A_718 = arith.muli %scan3A_708, %mul3A_717 : i32
        %add3A_719 = arith.constant 0 : i32
        %add3A_720 = arith.addi %mul3A_718, %add3A_719 : i32
        %get3A = arith.index_cast %add3A_720 : i32 to index
        %get3A_721 = arith.constant 0 : index
        %get3A_722 = tpu.vector_load %arg10[%get3A, %get3A_721] {strides = array<i32>} : memref<200x64xf32, #tpu.memory_space<vmem>>, vector<1x16xf32>,
        %get3A_723 = vector.shape_cast %get3A_722 : vector<1x16xf32> to vector<16xf32>
        %add3A_724 = arith.addf %scan3A_709, %get3A_723 : vector<16xf32>
        %get3A_725 = arith.index_cast %add3A_720 : i32 to index
        %get3A_726 = arith.constant 16 : index
        %get3A_727 = tpu.vector_load %arg10[%get3A_725, %get3A_726] {strides = array<i32>} : memref<200x64xf32, #tpu.memory_space<vmem>>, vector<1x16xf32>,
        %get3A_728 = vector.shape_cast %get3A_727 : vector<1x16xf32> to vector<16xf32>
        %add3A_729 = arith.addf %scan3A_710, %get3A_728 : vector<16xf32>
        %get3A_730 = arith.index_cast %add3A_720 : i32 to index
        %get3A_731 = arith.constant 32 : index
        %get3A_732 = tpu.vector_load %arg10[%get3A_730, %get3A_731] {strides = array<i32>} : memref<200x64xf32, #tpu.memory_space<vmem>>, vector<1x16xf32>,
        %get3A_733 = vector.shape_cast %get3A_732 : vector<1x16xf32> to vector<16xf32>
        %add3A_734 = arith.addf %scan3A_711, %get3A_733 : vector<16xf32>
        %get3A_735 = arith.index_cast %add3A_720 : i32 to index
        %get3A_736 = arith.constant 48 : index
        %get3A_737 = tpu.vector_load %arg10[%get3A_735, %get3A_736] {strides = array<i32>} : memref<200x64xf32, #tpu.memory_space<vmem>>, vector<1x16xf32>,
        %get3A_738 = vector.shape_cast %get3A_737 : vector<1x16xf32> to vector<16xf32>
        %add3A_739 = arith.addf %scan3A_712, %get3A_738 : vector<16xf32>
        %mul3A_740 = arith.constant 8 : i32
        %mul3A_741 = arith.muli %scan3A_708, %mul3A_740 : i32
        %add3A_742 = arith.constant 1 : i32
        %add3A_743 = arith.addi %mul3A_741, %add3A_742 : i32
        %get3A_744 = arith.index_cast %add3A_743 : i32 to index
        %get3A_745 = arith.constant 0 : index
        %get3A_746 = tpu.vector_load %arg10[%get3A_744, %get3A_745] {strides = array<i32>} : memref<200x64xf32, #tpu.memory_space<vmem>>, vector<1x16xf32>,
        %get3A_747 = vector.shape_cast %get3A_746 : vector<1x16xf32> to vector<16xf32>
        %add3A_748 = arith.addf %scan3A_713, %get3A_747 : vector<16xf32>
        %get3A_749 = arith.index_cast %add3A_743 : i32 to index
        %get3A_750 = arith.constant 16 : index
        %get3A_751 = tpu.vector_load %arg10[%get3A_749, %get3A_750] {strides = array<i32>} : memref<200x64xf32, #tpu.memory_space<vmem>>, vector<1x16xf32>,
        %get3A_752 = vector.shape_cast %get3A_751 : vector<1x16xf32> to vector<16xf32>
        %add3A_753 = arith.addf %scan3A_714, %get3A_752 : vector<16xf32>
        %get3A_754 = arith.index_cast %add3A_743 : i32 to index
        %get3A_755 = arith.constant 32 : index
        %get3A_756 = tpu.vector_load %arg10[%get3A_754, %get3A_755] {strides = array<i32>} : memref<200x64xf32, #tpu.memory_space<vmem>>, vector<1x16xf32>,
        %get3A_757 = vector.shape_cast %get3A_756 : vector<1x16xf32> to vector<16xf32>
        %add3A_758 = arith.addf %scan3A_715, %get3A_757 : vector<16xf32>
        %get3A_759 = arith.index_cast %add3A_743 : i32 to index
        %get3A_760 = arith.constant 48 : index
        %get3A_761 = tpu.vector_load %arg10[%get3A_759, %get3A_760] {strides = array<i32>} : memref<200x64xf32, #tpu.memory_space<vmem>>, vector<1x16xf32>,
        %get3A_762 = vector.shape_cast %get3A_761 : vector<1x16xf32> to vector<16xf32>
        %add3A_763 = arith.addf %scan3A_716, %get3A_762 : vector<16xf32>
        %mul3A_764 = arith.constant 8 : i32
        %mul3A_765 = arith.muli %scan3A_708, %mul3A_764 : i32
        %add3A_766 = arith.constant 2 : i32
        %add3A_767 = arith.addi %mul3A_765, %add3A_766 : i32
        %get3A_768 = arith.index_cast %add3A_767 : i32 to index
        %get3A_769 = arith.constant 0 : index
        %get3A_770 = tpu.vector_load %arg10[%get3A_768, %get3A_769] {strides = array<i32>} : memref<200x64xf32, #tpu.memory_space<vmem>>, vector<1x16xf32>,
        %get3A_771 = vector.shape_cast %get3A_770 : vector<1x16xf32> to vector<16xf32>
        %add3A_772 = arith.addf %add3A_724, %get3A_771 : vector<16xf32>
        %get3A_773 = arith.index_cast %add3A_767 : i32 to index
        %get3A_774 = arith.constant 16 : index
        %get3A_775 = tpu.vector_load %arg10[%get3A_773, %get3A_774] {strides = array<i32>} : memref<200x64xf32, #tpu.memory_space<vmem>>, vector<1x16xf32>,
        %get3A_776 = vector.shape_cast %get3A_775 : vector<1x16xf32> to vector<16xf32>
        %add3A_777 = arith.addf %add3A_729, %get3A_776 : vector<16xf32>
        %get3A_778 = arith.index_cast %add3A_767 : i32 to index
        %get3A_779 = arith.constant 32 : index
        %get3A_780 = tpu.vector_load %arg10[%get3A_778, %get3A_779] {strides = array<i32>} : memref<200x64xf32, #tpu.memory_space<vmem>>, vector<1x16xf32>,
        %get3A_781 = vector.shape_cast %get3A_780 : vector<1x16xf32> to vector<16xf32>
        %add3A_782 = arith.addf %add3A_734, %get3A_781 : vector<16xf32>
        %get3A_783 = arith.index_cast %add3A_767 : i32 to index
        %get3A_784 = arith.constant 48 : index
        %get3A_785 = tpu.vector_load %arg10[%get3A_783, %get3A_784] {strides = array<i32>} : memref<200x64xf32, #tpu.memory_space<vmem>>, vector<1x16xf32>,
        %get3A_786 = vector.shape_cast %get3A_785 : vector<1x16xf32> to vector<16xf32>
        %add3A_787 = arith.addf %add3A_739, %get3A_786 : vector<16xf32>
        %mul3A_788 = arith.constant 8 : i32
        %mul3A_789 = arith.muli %scan3A_708, %mul3A_788 : i32
        %add3A_790 = arith.constant 3 : i32
        %add3A_791 = arith.addi %mul3A_789, %add3A_790 : i32
        %get3A_792 = arith.index_cast %add3A_791 : i32 to index
        %get3A_793 = arith.constant 0 : index
        %get3A_794 = tpu.vector_load %arg10[%get3A_792, %get3A_793] {strides = array<i32>} : memref<200x64xf32, #tpu.memory_space<vmem>>, vector<1x16xf32>,
        %get3A_795 = vector.shape_cast %get3A_794 : vector<1x16xf32> to vector<16xf32>
        %add3A_796 = arith.addf %add3A_748, %get3A_795 : vector<16xf32>
        %get3A_797 = arith.index_cast %add3A_791 : i32 to index
        %get3A_798 = arith.constant 16 : index
        %get3A_799 = tpu.vector_load %arg10[%get3A_797, %get3A_798] {strides = array<i32>} : memref<200x64xf32, #tpu.memory_space<vmem>>, vector<1x16xf32>,
        %get3A_800 = vector.shape_cast %get3A_799 : vector<1x16xf32> to vector<16xf32>
        %add3A_801 = arith.addf %add3A_753, %get3A_800 : vector<16xf32>
        %get3A_802 = arith.index_cast %add3A_791 : i32 to index
        %get3A_803 = arith.constant 32 : index
        %get3A_804 = tpu.vector_load %arg10[%get3A_802, %get3A_803] {strides = array<i32>} : memref<200x64xf32, #tpu.memory_space<vmem>>, vector<1x16xf32>,
        %get3A_805 = vector.shape_cast %get3A_804 : vector<1x16xf32> to vector<16xf32>
        %add3A_806 = arith.addf %add3A_758, %get3A_805 : vector<16xf32>
        %get3A_807 = arith.index_cast %add3A_791 : i32 to index
        %get3A_808 = arith.constant 48 : index
        %get3A_809 = tpu.vector_load %arg10[%get3A_807, %get3A_808] {strides = array<i32>} : memref<200x64xf32, #tpu.memory_space<vmem>>, vector<1x16xf32>,
        %get3A_810 = vector.shape_cast %get3A_809 : vector<1x16xf32> to vector<16xf32>
        %add3A_811 = arith.addf %add3A_763, %get3A_810 : vector<16xf32>
        %mul3A_812 = arith.constant 8 : i32
        %mul3A_813 = arith.muli %scan3A_708, %mul3A_812 : i32
        %add3A_814 = arith.constant 4 : i32
        %add3A_815 = arith.addi %mul3A_813, %add3A_814 : i32
        %get3A_816 = arith.index_cast %add3A_815 : i32 to index
        %get3A_817 = arith.constant 0 : index
        %get3A_818 = tpu.vector_load %arg10[%get3A_816, %get3A_817] {strides = array<i32>} : memref<200x64xf32, #tpu.memory_space<vmem>>, vector<1x16xf32>,
        %get3A_819 = vector.shape_cast %get3A_818 : vector<1x16xf32> to vector<16xf32>
        %add3A_820 = arith.addf %add3A_772, %get3A_819 : vector<16xf32>
        %get3A_821 = arith.index_cast %add3A_815 : i32 to index
        %get3A_822 = arith.constant 16 : index
        %get3A_823 = tpu.vector_load %arg10[%get3A_821, %get3A_822] {strides = array<i32>} : memref<200x64xf32, #tpu.memory_space<vmem>>, vector<1x16xf32>,
        %get3A_824 = vector.shape_cast %get3A_823 : vector<1x16xf32> to vector<16xf32>
        %add3A_825 = arith.addf %add3A_777, %get3A_824 : vector<16xf32>
        %get3A_826 = arith.index_cast %add3A_815 : i32 to index
        %get3A_827 = arith.constant 32 : index
        %get3A_828 = tpu.vector_load %arg10[%get3A_826, %get3A_827] {strides = array<i32>} : memref<200x64xf32, #tpu.memory_space<vmem>>, vector<1x16xf32>,
        %get3A_829 = vector.shape_cast %get3A_828 : vector<1x16xf32> to vector<16xf32>
        %add3A_830 = arith.addf %add3A_782, %get3A_829 : vector<16xf32>
        %get3A_831 = arith.index_cast %add3A_815 : i32 to index
        %get3A_832 = arith.constant 48 : index
        %get3A_833 = tpu.vector_load %arg10[%get3A_831, %get3A_832] {strides = array<i32>} : memref<200x64xf32, #tpu.memory_space<vmem>>, vector<1x16xf32>,
        %get3A_834 = vector.shape_cast %get3A_833 : vector<1x16xf32> to vector<16xf32>
        %add3A_835 = arith.addf %add3A_787, %get3A_834 : vector<16xf32>
        %mul3A_836 = arith.constant 8 : i32
        %mul3A_837 = arith.muli %scan3A_708, %mul3A_836 : i32
        %add3A_838 = arith.constant 5 : i32
        %add3A_839 = arith.addi %mul3A_837, %add3A_838 : i32
        %get3A_840 = arith.index_cast %add3A_839 : i32 to index
        %get3A_841 = arith.constant 0 : index
        %get3A_842 = tpu.vector_load %arg10[%get3A_840, %get3A_841] {strides = array<i32>} : memref<200x64xf32, #tpu.memory_space<vmem>>, vector<1x16xf32>,
        %get3A_843 = vector.shape_cast %get3A_842 : vector<1x16xf32> to vector<16xf32>
        %add3A_844 = arith.addf %add3A_796, %get3A_843 : vector<16xf32>
        %get3A_845 = arith.index_cast %add3A_839 : i32 to index
        %get3A_846 = arith.constant 16 : index
        %get3A_847 = tpu.vector_load %arg10[%get3A_845, %get3A_846] {strides = array<i32>} : memref<200x64xf32, #tpu.memory_space<vmem>>, vector<1x16xf32>,
        %get3A_848 = vector.shape_cast %get3A_847 : vector<1x16xf32> to vector<16xf32>
        %add3A_849 = arith.addf %add3A_801, %get3A_848 : vector<16xf32>
        %get3A_850 = arith.index_cast %add3A_839 : i32 to index
        %get3A_851 = arith.constant 32 : index
        %get3A_852 = tpu.vector_load %arg10[%get3A_850, %get3A_851] {strides = array<i32>} : memref<200x64xf32, #tpu.memory_space<vmem>>, vector<1x16xf32>,
        %get3A_853 = vector.shape_cast %get3A_852 : vector<1x16xf32> to vector<16xf32>
        %add3A_854 = arith.addf %add3A_806, %get3A_853 : vector<16xf32>
        %get3A_855 = arith.index_cast %add3A_839 : i32 to index
        %get3A_856 = arith.constant 48 : index
        %get3A_857 = tpu.vector_load %arg10[%get3A_855, %get3A_856] {strides = array<i32>} : memref<200x64xf32, #tpu.memory_space<vmem>>, vector<1x16xf32>,
        %get3A_858 = vector.shape_cast %get3A_857 : vector<1x16xf32> to vector<16xf32>
        %add3A_859 = arith.addf %add3A_811, %get3A_858 : vector<16xf32>
        %mul3A_860 = arith.constant 8 : i32
        %mul3A_861 = arith.muli %scan3A_708, %mul3A_860 : i32
        %add3A_862 = arith.constant 6 : i32
        %add3A_863 = arith.addi %mul3A_861, %add3A_862 : i32
        %get3A_864 = arith.index_cast %add3A_863 : i32 to index
        %get3A_865 = arith.constant 0 : index
        %get3A_866 = tpu.vector_load %arg10[%get3A_864, %get3A_865] {strides = array<i32>} : memref<200x64xf32, #tpu.memory_space<vmem>>, vector<1x16xf32>,
        %get3A_867 = vector.shape_cast %get3A_866 : vector<1x16xf32> to vector<16xf32>
        %add3A_868 = arith.addf %add3A_820, %get3A_867 : vector<16xf32>
        %get3A_869 = arith.index_cast %add3A_863 : i32 to index
        %get3A_870 = arith.constant 16 : index
        %get3A_871 = tpu.vector_load %arg10[%get3A_869, %get3A_870] {strides = array<i32>} : memref<200x64xf32, #tpu.memory_space<vmem>>, vector<1x16xf32>,
        %get3A_872 = vector.shape_cast %get3A_871 : vector<1x16xf32> to vector<16xf32>
        %add3A_873 = arith.addf %add3A_825, %get3A_872 : vector<16xf32>
        %get3A_874 = arith.index_cast %add3A_863 : i32 to index
        %get3A_875 = arith.constant 32 : index
        %get3A_876 = tpu.vector_load %arg10[%get3A_874, %get3A_875] {strides = array<i32>} : memref<200x64xf32, #tpu.memory_space<vmem>>, vector<1x16xf32>,
        %get3A_877 = vector.shape_cast %get3A_876 : vector<1x16xf32> to vector<16xf32>
        %add3A_878 = arith.addf %add3A_830, %get3A_877 : vector<16xf32>
        %get3A_879 = arith.index_cast %add3A_863 : i32 to index
        %get3A_880 = arith.constant 48 : index
        %get3A_881 = tpu.vector_load %arg10[%get3A_879, %get3A_880] {strides = array<i32>} : memref<200x64xf32, #tpu.memory_space<vmem>>, vector<1x16xf32>,
        %get3A_882 = vector.shape_cast %get3A_881 : vector<1x16xf32> to vector<16xf32>
        %add3A_883 = arith.addf %add3A_835, %get3A_882 : vector<16xf32>
        %mul3A_884 = arith.constant 8 : i32
        %mul3A_885 = arith.muli %scan3A_708, %mul3A_884 : i32
        %add3A_886 = arith.constant 7 : i32
        %add3A_887 = arith.addi %mul3A_885, %add3A_886 : i32
        %get3A_888 = arith.index_cast %add3A_887 : i32 to index
        %get3A_889 = arith.constant 0 : index
        %get3A_890 = tpu.vector_load %arg10[%get3A_888, %get3A_889] {strides = array<i32>} : memref<200x64xf32, #tpu.memory_space<vmem>>, vector<1x16xf32>,
        %get3A_891 = vector.shape_cast %get3A_890 : vector<1x16xf32> to vector<16xf32>
        %add3A_892 = arith.addf %add3A_844, %get3A_891 : vector<16xf32>
        %get3A_893 = arith.index_cast %add3A_887 : i32 to index
        %get3A_894 = arith.constant 16 : index
        %get3A_895 = tpu.vector_load %arg10[%get3A_893, %get3A_894] {strides = array<i32>} : memref<200x64xf32, #tpu.memory_space<vmem>>, vector<1x16xf32>,
        %get3A_896 = vector.shape_cast %get3A_895 : vector<1x16xf32> to vector<16xf32>
        %add3A_897 = arith.addf %add3A_849, %get3A_896 : vector<16xf32>
        %get3A_898 = arith.index_cast %add3A_887 : i32 to index
        %get3A_899 = arith.constant 32 : index
        %get3A_900 = tpu.vector_load %arg10[%get3A_898, %get3A_899] {strides = array<i32>} : memref<200x64xf32, #tpu.memory_space<vmem>>, vector<1x16xf32>,
        %get3A_901 = vector.shape_cast %get3A_900 : vector<1x16xf32> to vector<16xf32>
        %add3A_902 = arith.addf %add3A_854, %get3A_901 : vector<16xf32>
        %get3A_903 = arith.index_cast %add3A_887 : i32 to index
        %get3A_904 = arith.constant 48 : index
        %get3A_905 = tpu.vector_load %arg10[%get3A_903, %get3A_904] {strides = array<i32>} : memref<200x64xf32, #tpu.memory_space<vmem>>, vector<1x16xf32>,
        %get3A_906 = vector.shape_cast %get3A_905 : vector<1x16xf32> to vector<16xf32>
        %add3A_907 = arith.addf %add3A_859, %get3A_906 : vector<16xf32>
        scf.yield %add3A_868, %add3A_873, %add3A_878, %add3A_883, %add3A_892, %add3A_897, %add3A_902, %add3A_907 : vector<16xf32>, vector<16xf32>, vector<16xf32>, vector<16xf32>, vector<16xf32>, vector<16xf32>, vector<16xf32>, vector<16xf32>
      }
      %scan3A_589 = arith.constant 25 : i32
      %add3A_590 = arith.addf %scan3A_588#0, %scan3A_588#4 : vector<16xf32>
      %mul3A_591 = arith.constant 5.000000e-03 : f32
      %mul3A_592 = vector.broadcast %mul3A_591 : f32 to vector<16xf32>
      %mul3A_593 = arith.mulf %add3A_590, %mul3A_592 : vector<16xf32>
      %swap3A_594 = arith.index_cast %add3A_561 : i32 to index
      %swap3A_595 = arith.constant 0 : index
      %swap3A_596 = tpu.vector_load %arg12[%swap3A_594, %swap3A_595] {strides = array<i32>} : memref<128x64xf32, #tpu.memory_space<vmem>>, vector<1x16xf32>,
      %swap3A_597 = vector.shape_cast %swap3A_596 : vector<1x16xf32> to vector<16xf32>
      %swap3A_598 = vector.shape_cast %mul3A_593 : vector<16xf32> to vector<1x16xf32>
      tpu.vector_store %arg12[%swap3A_594, %swap3A_595], %swap3A_598 {strides = array<i32>} : memref<128x64xf32, #tpu.memory_space<vmem>>, vector<1x16xf32>,
      %add3A_599 = arith.addf %scan3A_588#1, %scan3A_588#5 : vector<16xf32>
      %mul3A_600 = arith.constant 5.000000e-03 : f32
      %mul3A_601 = vector.broadcast %mul3A_600 : f32 to vector<16xf32>
      %mul3A_602 = arith.mulf %add3A_599, %mul3A_601 : vector<16xf32>
      %swap3A_603 = arith.index_cast %add3A_561 : i32 to index
      %swap3A_604 = arith.constant 16 : index
      %swap3A_605 = tpu.vector_load %arg12[%swap3A_603, %swap3A_604] {strides = array<i32>} : memref<128x64xf32, #tpu.memory_space<vmem>>, vector<1x16xf32>,
      %swap3A_606 = vector.shape_cast %swap3A_605 : vector<1x16xf32> to vector<16xf32>
      %swap3A_607 = vector.shape_cast %mul3A_602 : vector<16xf32> to vector<1x16xf32>
      tpu.vector_store %arg12[%swap3A_603, %swap3A_604], %swap3A_607 {strides = array<i32>} : memref<128x64xf32, #tpu.memory_space<vmem>>, vector<1x16xf32>,
      %add3A_608 = arith.addf %scan3A_588#2, %scan3A_588#6 : vector<16xf32>
      %mul3A_609 = arith.constant 5.000000e-03 : f32
      %mul3A_610 = vector.broadcast %mul3A_609 : f32 to vector<16xf32>
      %mul3A_611 = arith.mulf %add3A_608, %mul3A_610 : vector<16xf32>
      %swap3A_612 = arith.index_cast %add3A_561 : i32 to index
      %swap3A_613 = arith.constant 32 : index
      %swap3A_614 = tpu.vector_load %arg12[%swap3A_612, %swap3A_613] {strides = array<i32>} : memref<128x64xf32, #tpu.memory_space<vmem>>, vector<1x16xf32>,
      %swap3A_615 = vector.shape_cast %swap3A_614 : vector<1x16xf32> to vector<16xf32>
      %swap3A_616 = vector.shape_cast %mul3A_611 : vector<16xf32> to vector<1x16xf32>
      tpu.vector_store %arg12[%swap3A_612, %swap3A_613], %swap3A_616 {strides = array<i32>} : memref<128x64xf32, #tpu.memory_space<vmem>>, vector<1x16xf32>,
      %add3A_617 = arith.addf %scan3A_588#3, %scan3A_588#7 : vector<16xf32>
      %mul3A_618 = arith.constant 5.000000e-03 : f32
      %mul3A_619 = vector.broadcast %mul3A_618 : f32 to vector<16xf32>
      %mul3A_620 = arith.mulf %add3A_617, %mul3A_619 : vector<16xf32>
      %swap3A_621 = arith.index_cast %add3A_561 : i32 to index
      %swap3A_622 = arith.constant 48 : index
      %swap3A_623 = tpu.vector_load %arg12[%swap3A_621, %swap3A_622] {strides = array<i32>} : memref<128x64xf32, #tpu.memory_space<vmem>>, vector<1x16xf32>,
      %swap3A_624 = vector.shape_cast %swap3A_623 : vector<1x16xf32> to vector<16xf32>
      %swap3A_625 = vector.shape_cast %mul3A_620 : vector<16xf32> to vector<1x16xf32>
      tpu.vector_store %arg12[%swap3A_621, %swap3A_622], %swap3A_625 {strides = array<i32>} : memref<128x64xf32, #tpu.memory_space<vmem>>, vector<1x16xf32>,
      %add3A_626 = arith.constant 6 : i32
      %add3A_627 = arith.addi %add3A_561, %add3A_626 : i32
      %lt3A_628 = arith.constant 128 : i32
      %lt3A_629 = arith.cmpi slt, %add3A_627, %lt3A_628 : i32
      %convert_element_type3A_630 = arith.extui %lt3A_629 : i1 to i32
      %cond3A_631 = arith.constant 0 : i32
      %cond3A_632 = arith.cmpi ne, %convert_element_type3A_630, %cond3A_631 : i32
      scf.if %cond3A_632 {
        %add3A_708 = arith.constant 6 : i32
        %add3A_709 = arith.addi %add3A_561, %add3A_708 : i32
        %dma_start3A_710 = arith.constant 0 : i32
        %dma_start3A_711 = arith.constant 0 : i32
        %dma_start3A_712 = tpu.memref_slice %arg10[%dma_start3A_710, %dma_start3A_711] : memref<200x64xf32, #tpu.memory_space<vmem>> -> memref<104x64xf32, #tpu.memory_space<vmem>>
        %dma_start3A_713 = arith.constant 0 : i32
        %dma_start3A_714 = tpu.memref_slice %arg5[%add3A_709, %dma_start3A_713] : memref<128x200xi32, #tpu.memory_space<vmem>> -> memref<1x104xi32, #tpu.memory_space<vmem>>
        %dma_start3A_715 = tpu.memref_squeeze %dma_start3A_714 : memref<1x104xi32, #tpu.memory_space<vmem>> -> memref<104xi32, #tpu.memory_space<vmem>>
        %dma_start3A_716 = arith.constant 0 : i32
        %dma_start3A_717 = arith.constant 0 : i32
        %dma_start3A_718 = tpu.memref_slice %arg3[%dma_start3A_716, %dma_start3A_717] : memref<1000000x64xf32, #tpu.memory_space<hbm>> -> memref<1000000x64xf32, #tpu.memory_space<hbm>>
        tpu.enqueue_indirect_dma source(%dma_start3A_718 : memref<1000000x64xf32, #tpu.memory_space<hbm>>) target(%dma_start3A_712 : memref<104x64xf32, #tpu.memory_space<vmem>>) offsets(%dma_start3A_715 : memref<104xi32, #tpu.memory_space<vmem>>) semaphore(%arg17 : memref<!tpu.dma_semaphore, #tpu.memory_space<semaphore_mem>>)
        %dma_start3A_719 = arith.constant 104 : i32
        %dma_start3A_720 = arith.constant 0 : i32
        %dma_start3A_721 = tpu.memref_slice %arg10[%dma_start3A_719, %dma_start3A_720] : memref<200x64xf32, #tpu.memory_space<vmem>> -> memref<96x64xf32, #tpu.memory_space<vmem>>
        %dma_start3A_722 = arith.constant 104 : i32
        %dma_start3A_723 = tpu.memref_slice %arg5[%add3A_709, %dma_start3A_722] : memref<128x200xi32, #tpu.memory_space<vmem>> -> memref<1x96xi32, #tpu.memory_space<vmem>>
        %dma_start3A_724 = tpu.memref_squeeze %dma_start3A_723 : memref<1x96xi32, #tpu.memory_space<vmem>> -> memref<96xi32, #tpu.memory_space<vmem>>
        %dma_start3A_725 = arith.constant 0 : i32
        %dma_start3A_726 = arith.constant 0 : i32
        %dma_start3A_727 = tpu.memref_slice %arg3[%dma_start3A_725, %dma_start3A_726] : memref<1000000x64xf32, #tpu.memory_space<hbm>> -> memref<1000000x64xf32, #tpu.memory_space<hbm>>
        tpu.enqueue_indirect_dma source(%dma_start3A_727 : memref<1000000x64xf32, #tpu.memory_space<hbm>>) target(%dma_start3A_721 : memref<96x64xf32, #tpu.memory_space<vmem>>) offsets(%dma_start3A_724 : memref<96xi32, #tpu.memory_space<vmem>>) semaphore(%arg17 : memref<!tpu.dma_semaphore, #tpu.memory_space<semaphore_mem>>)
      } else {
      }
      %mul3A_633 = arith.constant 6 : i32
      %mul3A_634 = arith.muli %mul3A_633, %scan3A_260 : i32
      %add3A_635 = arith.constant 5 : i32
      %add3A_636 = arith.addi %mul3A_634, %add3A_635 : i32
      %dma_wait3A_637 = arith.constant 0 : i32
      %dma_wait3A_638 = arith.constant 0 : i32
      %dma_wait3A_639 = tpu.memref_slice %arg3[%dma_wait3A_637, %dma_wait3A_638] : memref<1000000x64xf32, #tpu.memory_space<hbm>> -> memref<200x64xf32, #tpu.memory_space<hbm>>
      %dma_wait3A_640 = arith.constant 0 : i32
      %dma_wait3A_641 = arith.constant 0 : i32
      %dma_wait3A_642 = tpu.memref_slice %arg3[%dma_wait3A_640, %dma_wait3A_641] : memref<1000000x64xf32, #tpu.memory_space<hbm>> -> memref<200x64xf32, #tpu.memory_space<hbm>>
      tpu.wait_dma2 semaphore(%arg18 : memref<!tpu.dma_semaphore, #tpu.memory_space<semaphore_mem>>) src(%dma_wait3A_642 : memref<200x64xf32, #tpu.memory_space<hbm>>) dst(%arg11 : memref<200x64xf32, #tpu.memory_space<vmem>>)
      %broadcast_in_dim3A_643 = arith.constant 0.000000e+00 : f32
      %broadcast_in_dim3A_644 = vector.broadcast %broadcast_in_dim3A_643 : f32 to vector<16xf32>
      %broadcast_in_dim3A_645 = arith.constant 0.000000e+00 : f32
      %broadcast_in_dim3A_646 = vector.broadcast %broadcast_in_dim3A_645 : f32 to vector<16xf32>
      %broadcast_in_dim3A_647 = arith.constant 0.000000e+00 : f32
      %broadcast_in_dim3A_648 = vector.broadcast %broadcast_in_dim3A_647 : f32 to vector<16xf32>
      %broadcast_in_dim3A_649 = arith.constant 0.000000e+00 : f32
      %broadcast_in_dim3A_650 = vector.broadcast %broadcast_in_dim3A_649 : f32 to vector<16xf32>
      %broadcast_in_dim3A_651 = arith.constant 0.000000e+00 : f32
      %broadcast_in_dim3A_652 = vector.broadcast %broadcast_in_dim3A_651 : f32 to vector<16xf32>
      %broadcast_in_dim3A_653 = arith.constant 0.000000e+00 : f32
      %broadcast_in_dim3A_654 = vector.broadcast %broadcast_in_dim3A_653 : f32 to vector<16xf32>
      %broadcast_in_dim3A_655 = arith.constant 0.000000e+00 : f32
      %broadcast_in_dim3A_656 = vector.broadcast %broadcast_in_dim3A_655 : f32 to vector<16xf32>
      %broadcast_in_dim3A_657 = arith.constant 0.000000e+00 : f32
      %broadcast_in_dim3A_658 = vector.broadcast %broadcast_in_dim3A_657 : f32 to vector<16xf32>
      %scan3A_659 = arith.constant 0 : i32
      %scan3A_660 = arith.constant 25 : i32
      %scan3A_661 = arith.addi %scan3A_659, %scan3A_660 : i32
      %scan3A_662 = arith.constant 1 : i32
      %scan3A_663:8 = scf.for %scan3A_708 = %scan3A_659 to %scan3A_661 step %scan3A_662 iter_args(%scan3A_709 = %broadcast_in_dim3A_644, %scan3A_710 = %broadcast_in_dim3A_646, %scan3A_711 = %broadcast_in_dim3A_648, %scan3A_712 = %broadcast_in_dim3A_650, %scan3A_713 = %broadcast_in_dim3A_652, %scan3A_714 = %broadcast_in_dim3A_654, %scan3A_715 = %broadcast_in_dim3A_656, %scan3A_716 = %broadcast_in_dim3A_658) -> (vector<16xf32>, vector<16xf32>, vector<16xf32>, vector<16xf32>, vector<16xf32>, vector<16xf32>, vector<16xf32>, vector<16xf32>)  : i32 {
        %mul3A_717 = arith.constant 8 : i32
        %mul3A_718 = arith.muli %scan3A_708, %mul3A_717 : i32
        %add3A_719 = arith.constant 0 : i32
        %add3A_720 = arith.addi %mul3A_718, %add3A_719 : i32
        %get3A = arith.index_cast %add3A_720 : i32 to index
        %get3A_721 = arith.constant 0 : index
        %get3A_722 = tpu.vector_load %arg11[%get3A, %get3A_721] {strides = array<i32>} : memref<200x64xf32, #tpu.memory_space<vmem>>, vector<1x16xf32>,
        %get3A_723 = vector.shape_cast %get3A_722 : vector<1x16xf32> to vector<16xf32>
        %add3A_724 = arith.addf %scan3A_709, %get3A_723 : vector<16xf32>
        %get3A_725 = arith.index_cast %add3A_720 : i32 to index
        %get3A_726 = arith.constant 16 : index
        %get3A_727 = tpu.vector_load %arg11[%get3A_725, %get3A_726] {strides = array<i32>} : memref<200x64xf32, #tpu.memory_space<vmem>>, vector<1x16xf32>,
        %get3A_728 = vector.shape_cast %get3A_727 : vector<1x16xf32> to vector<16xf32>
        %add3A_729 = arith.addf %scan3A_710, %get3A_728 : vector<16xf32>
        %get3A_730 = arith.index_cast %add3A_720 : i32 to index
        %get3A_731 = arith.constant 32 : index
        %get3A_732 = tpu.vector_load %arg11[%get3A_730, %get3A_731] {strides = array<i32>} : memref<200x64xf32, #tpu.memory_space<vmem>>, vector<1x16xf32>,
        %get3A_733 = vector.shape_cast %get3A_732 : vector<1x16xf32> to vector<16xf32>
        %add3A_734 = arith.addf %scan3A_711, %get3A_733 : vector<16xf32>
        %get3A_735 = arith.index_cast %add3A_720 : i32 to index
        %get3A_736 = arith.constant 48 : index
        %get3A_737 = tpu.vector_load %arg11[%get3A_735, %get3A_736] {strides = array<i32>} : memref<200x64xf32, #tpu.memory_space<vmem>>, vector<1x16xf32>,
        %get3A_738 = vector.shape_cast %get3A_737 : vector<1x16xf32> to vector<16xf32>
        %add3A_739 = arith.addf %scan3A_712, %get3A_738 : vector<16xf32>
        %mul3A_740 = arith.constant 8 : i32
        %mul3A_741 = arith.muli %scan3A_708, %mul3A_740 : i32
        %add3A_742 = arith.constant 1 : i32
        %add3A_743 = arith.addi %mul3A_741, %add3A_742 : i32
        %get3A_744 = arith.index_cast %add3A_743 : i32 to index
        %get3A_745 = arith.constant 0 : index
        %get3A_746 = tpu.vector_load %arg11[%get3A_744, %get3A_745] {strides = array<i32>} : memref<200x64xf32, #tpu.memory_space<vmem>>, vector<1x16xf32>,
        %get3A_747 = vector.shape_cast %get3A_746 : vector<1x16xf32> to vector<16xf32>
        %add3A_748 = arith.addf %scan3A_713, %get3A_747 : vector<16xf32>
        %get3A_749 = arith.index_cast %add3A_743 : i32 to index
        %get3A_750 = arith.constant 16 : index
        %get3A_751 = tpu.vector_load %arg11[%get3A_749, %get3A_750] {strides = array<i32>} : memref<200x64xf32, #tpu.memory_space<vmem>>, vector<1x16xf32>,
        %get3A_752 = vector.shape_cast %get3A_751 : vector<1x16xf32> to vector<16xf32>
        %add3A_753 = arith.addf %scan3A_714, %get3A_752 : vector<16xf32>
        %get3A_754 = arith.index_cast %add3A_743 : i32 to index
        %get3A_755 = arith.constant 32 : index
        %get3A_756 = tpu.vector_load %arg11[%get3A_754, %get3A_755] {strides = array<i32>} : memref<200x64xf32, #tpu.memory_space<vmem>>, vector<1x16xf32>,
        %get3A_757 = vector.shape_cast %get3A_756 : vector<1x16xf32> to vector<16xf32>
        %add3A_758 = arith.addf %scan3A_715, %get3A_757 : vector<16xf32>
        %get3A_759 = arith.index_cast %add3A_743 : i32 to index
        %get3A_760 = arith.constant 48 : index
        %get3A_761 = tpu.vector_load %arg11[%get3A_759, %get3A_760] {strides = array<i32>} : memref<200x64xf32, #tpu.memory_space<vmem>>, vector<1x16xf32>,
        %get3A_762 = vector.shape_cast %get3A_761 : vector<1x16xf32> to vector<16xf32>
        %add3A_763 = arith.addf %scan3A_716, %get3A_762 : vector<16xf32>
        %mul3A_764 = arith.constant 8 : i32
        %mul3A_765 = arith.muli %scan3A_708, %mul3A_764 : i32
        %add3A_766 = arith.constant 2 : i32
        %add3A_767 = arith.addi %mul3A_765, %add3A_766 : i32
        %get3A_768 = arith.index_cast %add3A_767 : i32 to index
        %get3A_769 = arith.constant 0 : index
        %get3A_770 = tpu.vector_load %arg11[%get3A_768, %get3A_769] {strides = array<i32>} : memref<200x64xf32, #tpu.memory_space<vmem>>, vector<1x16xf32>,
        %get3A_771 = vector.shape_cast %get3A_770 : vector<1x16xf32> to vector<16xf32>
        %add3A_772 = arith.addf %add3A_724, %get3A_771 : vector<16xf32>
        %get3A_773 = arith.index_cast %add3A_767 : i32 to index
        %get3A_774 = arith.constant 16 : index
        %get3A_775 = tpu.vector_load %arg11[%get3A_773, %get3A_774] {strides = array<i32>} : memref<200x64xf32, #tpu.memory_space<vmem>>, vector<1x16xf32>,
        %get3A_776 = vector.shape_cast %get3A_775 : vector<1x16xf32> to vector<16xf32>
        %add3A_777 = arith.addf %add3A_729, %get3A_776 : vector<16xf32>
        %get3A_778 = arith.index_cast %add3A_767 : i32 to index
        %get3A_779 = arith.constant 32 : index
        %get3A_780 = tpu.vector_load %arg11[%get3A_778, %get3A_779] {strides = array<i32>} : memref<200x64xf32, #tpu.memory_space<vmem>>, vector<1x16xf32>,
        %get3A_781 = vector.shape_cast %get3A_780 : vector<1x16xf32> to vector<16xf32>
        %add3A_782 = arith.addf %add3A_734, %get3A_781 : vector<16xf32>
        %get3A_783 = arith.index_cast %add3A_767 : i32 to index
        %get3A_784 = arith.constant 48 : index
        %get3A_785 = tpu.vector_load %arg11[%get3A_783, %get3A_784] {strides = array<i32>} : memref<200x64xf32, #tpu.memory_space<vmem>>, vector<1x16xf32>,
        %get3A_786 = vector.shape_cast %get3A_785 : vector<1x16xf32> to vector<16xf32>
        %add3A_787 = arith.addf %add3A_739, %get3A_786 : vector<16xf32>
        %mul3A_788 = arith.constant 8 : i32
        %mul3A_789 = arith.muli %scan3A_708, %mul3A_788 : i32
        %add3A_790 = arith.constant 3 : i32
        %add3A_791 = arith.addi %mul3A_789, %add3A_790 : i32
        %get3A_792 = arith.index_cast %add3A_791 : i32 to index
        %get3A_793 = arith.constant 0 : index
        %get3A_794 = tpu.vector_load %arg11[%get3A_792, %get3A_793] {strides = array<i32>} : memref<200x64xf32, #tpu.memory_space<vmem>>, vector<1x16xf32>,
        %get3A_795 = vector.shape_cast %get3A_794 : vector<1x16xf32> to vector<16xf32>
        %add3A_796 = arith.addf %add3A_748, %get3A_795 : vector<16xf32>
        %get3A_797 = arith.index_cast %add3A_791 : i32 to index
        %get3A_798 = arith.constant 16 : index
        %get3A_799 = tpu.vector_load %arg11[%get3A_797, %get3A_798] {strides = array<i32>} : memref<200x64xf32, #tpu.memory_space<vmem>>, vector<1x16xf32>,
        %get3A_800 = vector.shape_cast %get3A_799 : vector<1x16xf32> to vector<16xf32>
        %add3A_801 = arith.addf %add3A_753, %get3A_800 : vector<16xf32>
        %get3A_802 = arith.index_cast %add3A_791 : i32 to index
        %get3A_803 = arith.constant 32 : index
        %get3A_804 = tpu.vector_load %arg11[%get3A_802, %get3A_803] {strides = array<i32>} : memref<200x64xf32, #tpu.memory_space<vmem>>, vector<1x16xf32>,
        %get3A_805 = vector.shape_cast %get3A_804 : vector<1x16xf32> to vector<16xf32>
        %add3A_806 = arith.addf %add3A_758, %get3A_805 : vector<16xf32>
        %get3A_807 = arith.index_cast %add3A_791 : i32 to index
        %get3A_808 = arith.constant 48 : index
        %get3A_809 = tpu.vector_load %arg11[%get3A_807, %get3A_808] {strides = array<i32>} : memref<200x64xf32, #tpu.memory_space<vmem>>, vector<1x16xf32>,
        %get3A_810 = vector.shape_cast %get3A_809 : vector<1x16xf32> to vector<16xf32>
        %add3A_811 = arith.addf %add3A_763, %get3A_810 : vector<16xf32>
        %mul3A_812 = arith.constant 8 : i32
        %mul3A_813 = arith.muli %scan3A_708, %mul3A_812 : i32
        %add3A_814 = arith.constant 4 : i32
        %add3A_815 = arith.addi %mul3A_813, %add3A_814 : i32
        %get3A_816 = arith.index_cast %add3A_815 : i32 to index
        %get3A_817 = arith.constant 0 : index
        %get3A_818 = tpu.vector_load %arg11[%get3A_816, %get3A_817] {strides = array<i32>} : memref<200x64xf32, #tpu.memory_space<vmem>>, vector<1x16xf32>,
        %get3A_819 = vector.shape_cast %get3A_818 : vector<1x16xf32> to vector<16xf32>
        %add3A_820 = arith.addf %add3A_772, %get3A_819 : vector<16xf32>
        %get3A_821 = arith.index_cast %add3A_815 : i32 to index
        %get3A_822 = arith.constant 16 : index
        %get3A_823 = tpu.vector_load %arg11[%get3A_821, %get3A_822] {strides = array<i32>} : memref<200x64xf32, #tpu.memory_space<vmem>>, vector<1x16xf32>,
        %get3A_824 = vector.shape_cast %get3A_823 : vector<1x16xf32> to vector<16xf32>
        %add3A_825 = arith.addf %add3A_777, %get3A_824 : vector<16xf32>
        %get3A_826 = arith.index_cast %add3A_815 : i32 to index
        %get3A_827 = arith.constant 32 : index
        %get3A_828 = tpu.vector_load %arg11[%get3A_826, %get3A_827] {strides = array<i32>} : memref<200x64xf32, #tpu.memory_space<vmem>>, vector<1x16xf32>,
        %get3A_829 = vector.shape_cast %get3A_828 : vector<1x16xf32> to vector<16xf32>
        %add3A_830 = arith.addf %add3A_782, %get3A_829 : vector<16xf32>
        %get3A_831 = arith.index_cast %add3A_815 : i32 to index
        %get3A_832 = arith.constant 48 : index
        %get3A_833 = tpu.vector_load %arg11[%get3A_831, %get3A_832] {strides = array<i32>} : memref<200x64xf32, #tpu.memory_space<vmem>>, vector<1x16xf32>,
        %get3A_834 = vector.shape_cast %get3A_833 : vector<1x16xf32> to vector<16xf32>
        %add3A_835 = arith.addf %add3A_787, %get3A_834 : vector<16xf32>
        %mul3A_836 = arith.constant 8 : i32
        %mul3A_837 = arith.muli %scan3A_708, %mul3A_836 : i32
        %add3A_838 = arith.constant 5 : i32
        %add3A_839 = arith.addi %mul3A_837, %add3A_838 : i32
        %get3A_840 = arith.index_cast %add3A_839 : i32 to index
        %get3A_841 = arith.constant 0 : index
        %get3A_842 = tpu.vector_load %arg11[%get3A_840, %get3A_841] {strides = array<i32>} : memref<200x64xf32, #tpu.memory_space<vmem>>, vector<1x16xf32>,
        %get3A_843 = vector.shape_cast %get3A_842 : vector<1x16xf32> to vector<16xf32>
        %add3A_844 = arith.addf %add3A_796, %get3A_843 : vector<16xf32>
        %get3A_845 = arith.index_cast %add3A_839 : i32 to index
        %get3A_846 = arith.constant 16 : index
        %get3A_847 = tpu.vector_load %arg11[%get3A_845, %get3A_846] {strides = array<i32>} : memref<200x64xf32, #tpu.memory_space<vmem>>, vector<1x16xf32>,
        %get3A_848 = vector.shape_cast %get3A_847 : vector<1x16xf32> to vector<16xf32>
        %add3A_849 = arith.addf %add3A_801, %get3A_848 : vector<16xf32>
        %get3A_850 = arith.index_cast %add3A_839 : i32 to index
        %get3A_851 = arith.constant 32 : index
        %get3A_852 = tpu.vector_load %arg11[%get3A_850, %get3A_851] {strides = array<i32>} : memref<200x64xf32, #tpu.memory_space<vmem>>, vector<1x16xf32>,
        %get3A_853 = vector.shape_cast %get3A_852 : vector<1x16xf32> to vector<16xf32>
        %add3A_854 = arith.addf %add3A_806, %get3A_853 : vector<16xf32>
        %get3A_855 = arith.index_cast %add3A_839 : i32 to index
        %get3A_856 = arith.constant 48 : index
        %get3A_857 = tpu.vector_load %arg11[%get3A_855, %get3A_856] {strides = array<i32>} : memref<200x64xf32, #tpu.memory_space<vmem>>, vector<1x16xf32>,
        %get3A_858 = vector.shape_cast %get3A_857 : vector<1x16xf32> to vector<16xf32>
        %add3A_859 = arith.addf %add3A_811, %get3A_858 : vector<16xf32>
        %mul3A_860 = arith.constant 8 : i32
        %mul3A_861 = arith.muli %scan3A_708, %mul3A_860 : i32
        %add3A_862 = arith.constant 6 : i32
        %add3A_863 = arith.addi %mul3A_861, %add3A_862 : i32
        %get3A_864 = arith.index_cast %add3A_863 : i32 to index
        %get3A_865 = arith.constant 0 : index
        %get3A_866 = tpu.vector_load %arg11[%get3A_864, %get3A_865] {strides = array<i32>} : memref<200x64xf32, #tpu.memory_space<vmem>>, vector<1x16xf32>,
        %get3A_867 = vector.shape_cast %get3A_866 : vector<1x16xf32> to vector<16xf32>
        %add3A_868 = arith.addf %add3A_820, %get3A_867 : vector<16xf32>
        %get3A_869 = arith.index_cast %add3A_863 : i32 to index
        %get3A_870 = arith.constant 16 : index
        %get3A_871 = tpu.vector_load %arg11[%get3A_869, %get3A_870] {strides = array<i32>} : memref<200x64xf32, #tpu.memory_space<vmem>>, vector<1x16xf32>,
        %get3A_872 = vector.shape_cast %get3A_871 : vector<1x16xf32> to vector<16xf32>
        %add3A_873 = arith.addf %add3A_825, %get3A_872 : vector<16xf32>
        %get3A_874 = arith.index_cast %add3A_863 : i32 to index
        %get3A_875 = arith.constant 32 : index
        %get3A_876 = tpu.vector_load %arg11[%get3A_874, %get3A_875] {strides = array<i32>} : memref<200x64xf32, #tpu.memory_space<vmem>>, vector<1x16xf32>,
        %get3A_877 = vector.shape_cast %get3A_876 : vector<1x16xf32> to vector<16xf32>
        %add3A_878 = arith.addf %add3A_830, %get3A_877 : vector<16xf32>
        %get3A_879 = arith.index_cast %add3A_863 : i32 to index
        %get3A_880 = arith.constant 48 : index
        %get3A_881 = tpu.vector_load %arg11[%get3A_879, %get3A_880] {strides = array<i32>} : memref<200x64xf32, #tpu.memory_space<vmem>>, vector<1x16xf32>,
        %get3A_882 = vector.shape_cast %get3A_881 : vector<1x16xf32> to vector<16xf32>
        %add3A_883 = arith.addf %add3A_835, %get3A_882 : vector<16xf32>
        %mul3A_884 = arith.constant 8 : i32
        %mul3A_885 = arith.muli %scan3A_708, %mul3A_884 : i32
        %add3A_886 = arith.constant 7 : i32
        %add3A_887 = arith.addi %mul3A_885, %add3A_886 : i32
        %get3A_888 = arith.index_cast %add3A_887 : i32 to index
        %get3A_889 = arith.constant 0 : index
        %get3A_890 = tpu.vector_load %arg11[%get3A_888, %get3A_889] {strides = array<i32>} : memref<200x64xf32, #tpu.memory_space<vmem>>, vector<1x16xf32>,
        %get3A_891 = vector.shape_cast %get3A_890 : vector<1x16xf32> to vector<16xf32>
        %add3A_892 = arith.addf %add3A_844, %get3A_891 : vector<16xf32>
        %get3A_893 = arith.index_cast %add3A_887 : i32 to index
        %get3A_894 = arith.constant 16 : index
        %get3A_895 = tpu.vector_load %arg11[%get3A_893, %get3A_894] {strides = array<i32>} : memref<200x64xf32, #tpu.memory_space<vmem>>, vector<1x16xf32>,
        %get3A_896 = vector.shape_cast %get3A_895 : vector<1x16xf32> to vector<16xf32>
        %add3A_897 = arith.addf %add3A_849, %get3A_896 : vector<16xf32>
        %get3A_898 = arith.index_cast %add3A_887 : i32 to index
        %get3A_899 = arith.constant 32 : index
        %get3A_900 = tpu.vector_load %arg11[%get3A_898, %get3A_899] {strides = array<i32>} : memref<200x64xf32, #tpu.memory_space<vmem>>, vector<1x16xf32>,
        %get3A_901 = vector.shape_cast %get3A_900 : vector<1x16xf32> to vector<16xf32>
        %add3A_902 = arith.addf %add3A_854, %get3A_901 : vector<16xf32>
        %get3A_903 = arith.index_cast %add3A_887 : i32 to index
        %get3A_904 = arith.constant 48 : index
        %get3A_905 = tpu.vector_load %arg11[%get3A_903, %get3A_904] {strides = array<i32>} : memref<200x64xf32, #tpu.memory_space<vmem>>, vector<1x16xf32>,
        %get3A_906 = vector.shape_cast %get3A_905 : vector<1x16xf32> to vector<16xf32>
        %add3A_907 = arith.addf %add3A_859, %get3A_906 : vector<16xf32>
        scf.yield %add3A_868, %add3A_873, %add3A_878, %add3A_883, %add3A_892, %add3A_897, %add3A_902, %add3A_907 : vector<16xf32>, vector<16xf32>, vector<16xf32>, vector<16xf32>, vector<16xf32>, vector<16xf32>, vector<16xf32>, vector<16xf32>
      }
      %scan3A_664 = arith.constant 25 : i32
      %add3A_665 = arith.addf %scan3A_663#0, %scan3A_663#4 : vector<16xf32>
      %mul3A_666 = arith.constant 5.000000e-03 : f32
      %mul3A_667 = vector.broadcast %mul3A_666 : f32 to vector<16xf32>
      %mul3A_668 = arith.mulf %add3A_665, %mul3A_667 : vector<16xf32>
      %swap3A_669 = arith.index_cast %add3A_636 : i32 to index
      %swap3A_670 = arith.constant 0 : index
      %swap3A_671 = tpu.vector_load %arg12[%swap3A_669, %swap3A_670] {strides = array<i32>} : memref<128x64xf32, #tpu.memory_space<vmem>>, vector<1x16xf32>,
      %swap3A_672 = vector.shape_cast %swap3A_671 : vector<1x16xf32> to vector<16xf32>
      %swap3A_673 = vector.shape_cast %mul3A_668 : vector<16xf32> to vector<1x16xf32>
      tpu.vector_store %arg12[%swap3A_669, %swap3A_670], %swap3A_673 {strides = array<i32>} : memref<128x64xf32, #tpu.memory_space<vmem>>, vector<1x16xf32>,
      %add3A_674 = arith.addf %scan3A_663#1, %scan3A_663#5 : vector<16xf32>
      %mul3A_675 = arith.constant 5.000000e-03 : f32
      %mul3A_676 = vector.broadcast %mul3A_675 : f32 to vector<16xf32>
      %mul3A_677 = arith.mulf %add3A_674, %mul3A_676 : vector<16xf32>
      %swap3A_678 = arith.index_cast %add3A_636 : i32 to index
      %swap3A_679 = arith.constant 16 : index
      %swap3A_680 = tpu.vector_load %arg12[%swap3A_678, %swap3A_679] {strides = array<i32>} : memref<128x64xf32, #tpu.memory_space<vmem>>, vector<1x16xf32>,
      %swap3A_681 = vector.shape_cast %swap3A_680 : vector<1x16xf32> to vector<16xf32>
      %swap3A_682 = vector.shape_cast %mul3A_677 : vector<16xf32> to vector<1x16xf32>
      tpu.vector_store %arg12[%swap3A_678, %swap3A_679], %swap3A_682 {strides = array<i32>} : memref<128x64xf32, #tpu.memory_space<vmem>>, vector<1x16xf32>,
      %add3A_683 = arith.addf %scan3A_663#2, %scan3A_663#6 : vector<16xf32>
      %mul3A_684 = arith.constant 5.000000e-03 : f32
      %mul3A_685 = vector.broadcast %mul3A_684 : f32 to vector<16xf32>
      %mul3A_686 = arith.mulf %add3A_683, %mul3A_685 : vector<16xf32>
      %swap3A_687 = arith.index_cast %add3A_636 : i32 to index
      %swap3A_688 = arith.constant 32 : index
      %swap3A_689 = tpu.vector_load %arg12[%swap3A_687, %swap3A_688] {strides = array<i32>} : memref<128x64xf32, #tpu.memory_space<vmem>>, vector<1x16xf32>,
      %swap3A_690 = vector.shape_cast %swap3A_689 : vector<1x16xf32> to vector<16xf32>
      %swap3A_691 = vector.shape_cast %mul3A_686 : vector<16xf32> to vector<1x16xf32>
      tpu.vector_store %arg12[%swap3A_687, %swap3A_688], %swap3A_691 {strides = array<i32>} : memref<128x64xf32, #tpu.memory_space<vmem>>, vector<1x16xf32>,
      %add3A_692 = arith.addf %scan3A_663#3, %scan3A_663#7 : vector<16xf32>
      %mul3A_693 = arith.constant 5.000000e-03 : f32
      %mul3A_694 = vector.broadcast %mul3A_693 : f32 to vector<16xf32>
      %mul3A_695 = arith.mulf %add3A_692, %mul3A_694 : vector<16xf32>
      %swap3A_696 = arith.index_cast %add3A_636 : i32 to index
      %swap3A_697 = arith.constant 48 : index
      %swap3A_698 = tpu.vector_load %arg12[%swap3A_696, %swap3A_697] {strides = array<i32>} : memref<128x64xf32, #tpu.memory_space<vmem>>, vector<1x16xf32>,
      %swap3A_699 = vector.shape_cast %swap3A_698 : vector<1x16xf32> to vector<16xf32>
      %swap3A_700 = vector.shape_cast %mul3A_695 : vector<16xf32> to vector<1x16xf32>
      tpu.vector_store %arg12[%swap3A_696, %swap3A_697], %swap3A_700 {strides = array<i32>} : memref<128x64xf32, #tpu.memory_space<vmem>>, vector<1x16xf32>,
      %add3A_701 = arith.constant 6 : i32
      %add3A_702 = arith.addi %add3A_636, %add3A_701 : i32
      %lt3A_703 = arith.constant 128 : i32
      %lt3A_704 = arith.cmpi slt, %add3A_702, %lt3A_703 : i32
      %convert_element_type3A_705 = arith.extui %lt3A_704 : i1 to i32
      %cond3A_706 = arith.constant 0 : i32
      %cond3A_707 = arith.cmpi ne, %convert_element_type3A_705, %cond3A_706 : i32
      scf.if %cond3A_707 {
        %add3A_708 = arith.constant 6 : i32
        %add3A_709 = arith.addi %add3A_636, %add3A_708 : i32
        %dma_start3A_710 = arith.constant 0 : i32
        %dma_start3A_711 = arith.constant 0 : i32
        %dma_start3A_712 = tpu.memref_slice %arg11[%dma_start3A_710, %dma_start3A_711] : memref<200x64xf32, #tpu.memory_space<vmem>> -> memref<104x64xf32, #tpu.memory_space<vmem>>
        %dma_start3A_713 = arith.constant 0 : i32
        %dma_start3A_714 = tpu.memref_slice %arg5[%add3A_709, %dma_start3A_713] : memref<128x200xi32, #tpu.memory_space<vmem>> -> memref<1x104xi32, #tpu.memory_space<vmem>>
        %dma_start3A_715 = tpu.memref_squeeze %dma_start3A_714 : memref<1x104xi32, #tpu.memory_space<vmem>> -> memref<104xi32, #tpu.memory_space<vmem>>
        %dma_start3A_716 = arith.constant 0 : i32
        %dma_start3A_717 = arith.constant 0 : i32
        %dma_start3A_718 = tpu.memref_slice %arg3[%dma_start3A_716, %dma_start3A_717] : memref<1000000x64xf32, #tpu.memory_space<hbm>> -> memref<1000000x64xf32, #tpu.memory_space<hbm>>
        tpu.enqueue_indirect_dma source(%dma_start3A_718 : memref<1000000x64xf32, #tpu.memory_space<hbm>>) target(%dma_start3A_712 : memref<104x64xf32, #tpu.memory_space<vmem>>) offsets(%dma_start3A_715 : memref<104xi32, #tpu.memory_space<vmem>>) semaphore(%arg18 : memref<!tpu.dma_semaphore, #tpu.memory_space<semaphore_mem>>)
        %dma_start3A_719 = arith.constant 104 : i32
        %dma_start3A_720 = arith.constant 0 : i32
        %dma_start3A_721 = tpu.memref_slice %arg11[%dma_start3A_719, %dma_start3A_720] : memref<200x64xf32, #tpu.memory_space<vmem>> -> memref<96x64xf32, #tpu.memory_space<vmem>>
        %dma_start3A_722 = arith.constant 104 : i32
        %dma_start3A_723 = tpu.memref_slice %arg5[%add3A_709, %dma_start3A_722] : memref<128x200xi32, #tpu.memory_space<vmem>> -> memref<1x96xi32, #tpu.memory_space<vmem>>
        %dma_start3A_724 = tpu.memref_squeeze %dma_start3A_723 : memref<1x96xi32, #tpu.memory_space<vmem>> -> memref<96xi32, #tpu.memory_space<vmem>>
        %dma_start3A_725 = arith.constant 0 : i32
        %dma_start3A_726 = arith.constant 0 : i32
        %dma_start3A_727 = tpu.memref_slice %arg3[%dma_start3A_725, %dma_start3A_726] : memref<1000000x64xf32, #tpu.memory_space<hbm>> -> memref<1000000x64xf32, #tpu.memory_space<hbm>>
        tpu.enqueue_indirect_dma source(%dma_start3A_727 : memref<1000000x64xf32, #tpu.memory_space<hbm>>) target(%dma_start3A_721 : memref<96x64xf32, #tpu.memory_space<vmem>>) offsets(%dma_start3A_724 : memref<96xi32, #tpu.memory_space<vmem>>) semaphore(%arg18 : memref<!tpu.dma_semaphore, #tpu.memory_space<semaphore_mem>>)
      } else {
      }
    }
    %scan3A_126 = arith.constant 21 : i32
    %dma_wait3A = arith.constant 0 : i32
    %dma_wait3A_127 = arith.constant 0 : i32
    %dma_wait3A_128 = tpu.memref_slice %arg3[%dma_wait3A, %dma_wait3A_127] : memref<1000000x64xf32, #tpu.memory_space<hbm>> -> memref<200x64xf32, #tpu.memory_space<hbm>>
    %dma_wait3A_129 = arith.constant 0 : i32
    %dma_wait3A_130 = arith.constant 0 : i32
    %dma_wait3A_131 = tpu.memref_slice %arg3[%dma_wait3A_129, %dma_wait3A_130] : memref<1000000x64xf32, #tpu.memory_space<hbm>> -> memref<200x64xf32, #tpu.memory_space<hbm>>
    tpu.wait_dma2 semaphore(%arg13 : memref<!tpu.dma_semaphore, #tpu.memory_space<semaphore_mem>>) src(%dma_wait3A_131 : memref<200x64xf32, #tpu.memory_space<hbm>>) dst(%arg6 : memref<200x64xf32, #tpu.memory_space<vmem>>)
    %broadcast_in_dim3A = arith.constant 0.000000e+00 : f32
    %broadcast_in_dim3A_132 = vector.broadcast %broadcast_in_dim3A : f32 to vector<16xf32>
    %broadcast_in_dim3A_133 = arith.constant 0.000000e+00 : f32
    %broadcast_in_dim3A_134 = vector.broadcast %broadcast_in_dim3A_133 : f32 to vector<16xf32>
    %broadcast_in_dim3A_135 = arith.constant 0.000000e+00 : f32
    %broadcast_in_dim3A_136 = vector.broadcast %broadcast_in_dim3A_135 : f32 to vector<16xf32>
    %broadcast_in_dim3A_137 = arith.constant 0.000000e+00 : f32
    %broadcast_in_dim3A_138 = vector.broadcast %broadcast_in_dim3A_137 : f32 to vector<16xf32>
    %broadcast_in_dim3A_139 = arith.constant 0.000000e+00 : f32
    %broadcast_in_dim3A_140 = vector.broadcast %broadcast_in_dim3A_139 : f32 to vector<16xf32>
    %broadcast_in_dim3A_141 = arith.constant 0.000000e+00 : f32
    %broadcast_in_dim3A_142 = vector.broadcast %broadcast_in_dim3A_141 : f32 to vector<16xf32>
    %broadcast_in_dim3A_143 = arith.constant 0.000000e+00 : f32
    %broadcast_in_dim3A_144 = vector.broadcast %broadcast_in_dim3A_143 : f32 to vector<16xf32>
    %broadcast_in_dim3A_145 = arith.constant 0.000000e+00 : f32
    %broadcast_in_dim3A_146 = vector.broadcast %broadcast_in_dim3A_145 : f32 to vector<16xf32>
    %scan3A_147 = arith.constant 0 : i32
    %scan3A_148 = arith.constant 25 : i32
    %scan3A_149 = arith.addi %scan3A_147, %scan3A_148 : i32
    %scan3A_150 = arith.constant 1 : i32
    %scan3A_151:8 = scf.for %scan3A_260 = %scan3A_147 to %scan3A_149 step %scan3A_150 iter_args(%scan3A_261 = %broadcast_in_dim3A_132, %scan3A_262 = %broadcast_in_dim3A_134, %scan3A_263 = %broadcast_in_dim3A_136, %scan3A_264 = %broadcast_in_dim3A_138, %scan3A_265 = %broadcast_in_dim3A_140, %scan3A_266 = %broadcast_in_dim3A_142, %scan3A_267 = %broadcast_in_dim3A_144, %scan3A_268 = %broadcast_in_dim3A_146) -> (vector<16xf32>, vector<16xf32>, vector<16xf32>, vector<16xf32>, vector<16xf32>, vector<16xf32>, vector<16xf32>, vector<16xf32>)  : i32 {
      %mul3A_269 = arith.constant 8 : i32
      %mul3A_270 = arith.muli %scan3A_260, %mul3A_269 : i32
      %add3A_271 = arith.constant 0 : i32
      %add3A_272 = arith.addi %mul3A_270, %add3A_271 : i32
      %get3A = arith.index_cast %add3A_272 : i32 to index
      %get3A_273 = arith.constant 0 : index
      %get3A_274 = tpu.vector_load %arg6[%get3A, %get3A_273] {strides = array<i32>} : memref<200x64xf32, #tpu.memory_space<vmem>>, vector<1x16xf32>,
      %get3A_275 = vector.shape_cast %get3A_274 : vector<1x16xf32> to vector<16xf32>
      %add3A_276 = arith.addf %scan3A_261, %get3A_275 : vector<16xf32>
      %get3A_277 = arith.index_cast %add3A_272 : i32 to index
      %get3A_278 = arith.constant 16 : index
      %get3A_279 = tpu.vector_load %arg6[%get3A_277, %get3A_278] {strides = array<i32>} : memref<200x64xf32, #tpu.memory_space<vmem>>, vector<1x16xf32>,
      %get3A_280 = vector.shape_cast %get3A_279 : vector<1x16xf32> to vector<16xf32>
      %add3A_281 = arith.addf %scan3A_262, %get3A_280 : vector<16xf32>
      %get3A_282 = arith.index_cast %add3A_272 : i32 to index
      %get3A_283 = arith.constant 32 : index
      %get3A_284 = tpu.vector_load %arg6[%get3A_282, %get3A_283] {strides = array<i32>} : memref<200x64xf32, #tpu.memory_space<vmem>>, vector<1x16xf32>,
      %get3A_285 = vector.shape_cast %get3A_284 : vector<1x16xf32> to vector<16xf32>
      %add3A_286 = arith.addf %scan3A_263, %get3A_285 : vector<16xf32>
      %get3A_287 = arith.index_cast %add3A_272 : i32 to index
      %get3A_288 = arith.constant 48 : index
      %get3A_289 = tpu.vector_load %arg6[%get3A_287, %get3A_288] {strides = array<i32>} : memref<200x64xf32, #tpu.memory_space<vmem>>, vector<1x16xf32>,
      %get3A_290 = vector.shape_cast %get3A_289 : vector<1x16xf32> to vector<16xf32>
      %add3A_291 = arith.addf %scan3A_264, %get3A_290 : vector<16xf32>
      %mul3A_292 = arith.constant 8 : i32
      %mul3A_293 = arith.muli %scan3A_260, %mul3A_292 : i32
      %add3A_294 = arith.constant 1 : i32
      %add3A_295 = arith.addi %mul3A_293, %add3A_294 : i32
      %get3A_296 = arith.index_cast %add3A_295 : i32 to index
      %get3A_297 = arith.constant 0 : index
      %get3A_298 = tpu.vector_load %arg6[%get3A_296, %get3A_297] {strides = array<i32>} : memref<200x64xf32, #tpu.memory_space<vmem>>, vector<1x16xf32>,
      %get3A_299 = vector.shape_cast %get3A_298 : vector<1x16xf32> to vector<16xf32>
      %add3A_300 = arith.addf %scan3A_265, %get3A_299 : vector<16xf32>
      %get3A_301 = arith.index_cast %add3A_295 : i32 to index
      %get3A_302 = arith.constant 16 : index
      %get3A_303 = tpu.vector_load %arg6[%get3A_301, %get3A_302] {strides = array<i32>} : memref<200x64xf32, #tpu.memory_space<vmem>>, vector<1x16xf32>,
      %get3A_304 = vector.shape_cast %get3A_303 : vector<1x16xf32> to vector<16xf32>
      %add3A_305 = arith.addf %scan3A_266, %get3A_304 : vector<16xf32>
      %get3A_306 = arith.index_cast %add3A_295 : i32 to index
      %get3A_307 = arith.constant 32 : index
      %get3A_308 = tpu.vector_load %arg6[%get3A_306, %get3A_307] {strides = array<i32>} : memref<200x64xf32, #tpu.memory_space<vmem>>, vector<1x16xf32>,
      %get3A_309 = vector.shape_cast %get3A_308 : vector<1x16xf32> to vector<16xf32>
      %add3A_310 = arith.addf %scan3A_267, %get3A_309 : vector<16xf32>
      %get3A_311 = arith.index_cast %add3A_295 : i32 to index
      %get3A_312 = arith.constant 48 : index
      %get3A_313 = tpu.vector_load %arg6[%get3A_311, %get3A_312] {strides = array<i32>} : memref<200x64xf32, #tpu.memory_space<vmem>>, vector<1x16xf32>,
      %get3A_314 = vector.shape_cast %get3A_313 : vector<1x16xf32> to vector<16xf32>
      %add3A_315 = arith.addf %scan3A_268, %get3A_314 : vector<16xf32>
      %mul3A_316 = arith.constant 8 : i32
      %mul3A_317 = arith.muli %scan3A_260, %mul3A_316 : i32
      %add3A_318 = arith.constant 2 : i32
      %add3A_319 = arith.addi %mul3A_317, %add3A_318 : i32
      %get3A_320 = arith.index_cast %add3A_319 : i32 to index
      %get3A_321 = arith.constant 0 : index
      %get3A_322 = tpu.vector_load %arg6[%get3A_320, %get3A_321] {strides = array<i32>} : memref<200x64xf32, #tpu.memory_space<vmem>>, vector<1x16xf32>,
      %get3A_323 = vector.shape_cast %get3A_322 : vector<1x16xf32> to vector<16xf32>
      %add3A_324 = arith.addf %add3A_276, %get3A_323 : vector<16xf32>
      %get3A_325 = arith.index_cast %add3A_319 : i32 to index
      %get3A_326 = arith.constant 16 : index
      %get3A_327 = tpu.vector_load %arg6[%get3A_325, %get3A_326] {strides = array<i32>} : memref<200x64xf32, #tpu.memory_space<vmem>>, vector<1x16xf32>,
      %get3A_328 = vector.shape_cast %get3A_327 : vector<1x16xf32> to vector<16xf32>
      %add3A_329 = arith.addf %add3A_281, %get3A_328 : vector<16xf32>
      %get3A_330 = arith.index_cast %add3A_319 : i32 to index
      %get3A_331 = arith.constant 32 : index
      %get3A_332 = tpu.vector_load %arg6[%get3A_330, %get3A_331] {strides = array<i32>} : memref<200x64xf32, #tpu.memory_space<vmem>>, vector<1x16xf32>,
      %get3A_333 = vector.shape_cast %get3A_332 : vector<1x16xf32> to vector<16xf32>
      %add3A_334 = arith.addf %add3A_286, %get3A_333 : vector<16xf32>
      %get3A_335 = arith.index_cast %add3A_319 : i32 to index
      %get3A_336 = arith.constant 48 : index
      %get3A_337 = tpu.vector_load %arg6[%get3A_335, %get3A_336] {strides = array<i32>} : memref<200x64xf32, #tpu.memory_space<vmem>>, vector<1x16xf32>,
      %get3A_338 = vector.shape_cast %get3A_337 : vector<1x16xf32> to vector<16xf32>
      %add3A_339 = arith.addf %add3A_291, %get3A_338 : vector<16xf32>
      %mul3A_340 = arith.constant 8 : i32
      %mul3A_341 = arith.muli %scan3A_260, %mul3A_340 : i32
      %add3A_342 = arith.constant 3 : i32
      %add3A_343 = arith.addi %mul3A_341, %add3A_342 : i32
      %get3A_344 = arith.index_cast %add3A_343 : i32 to index
      %get3A_345 = arith.constant 0 : index
      %get3A_346 = tpu.vector_load %arg6[%get3A_344, %get3A_345] {strides = array<i32>} : memref<200x64xf32, #tpu.memory_space<vmem>>, vector<1x16xf32>,
      %get3A_347 = vector.shape_cast %get3A_346 : vector<1x16xf32> to vector<16xf32>
      %add3A_348 = arith.addf %add3A_300, %get3A_347 : vector<16xf32>
      %get3A_349 = arith.index_cast %add3A_343 : i32 to index
      %get3A_350 = arith.constant 16 : index
      %get3A_351 = tpu.vector_load %arg6[%get3A_349, %get3A_350] {strides = array<i32>} : memref<200x64xf32, #tpu.memory_space<vmem>>, vector<1x16xf32>,
      %get3A_352 = vector.shape_cast %get3A_351 : vector<1x16xf32> to vector<16xf32>
      %add3A_353 = arith.addf %add3A_305, %get3A_352 : vector<16xf32>
      %get3A_354 = arith.index_cast %add3A_343 : i32 to index
      %get3A_355 = arith.constant 32 : index
      %get3A_356 = tpu.vector_load %arg6[%get3A_354, %get3A_355] {strides = array<i32>} : memref<200x64xf32, #tpu.memory_space<vmem>>, vector<1x16xf32>,
      %get3A_357 = vector.shape_cast %get3A_356 : vector<1x16xf32> to vector<16xf32>
      %add3A_358 = arith.addf %add3A_310, %get3A_357 : vector<16xf32>
      %get3A_359 = arith.index_cast %add3A_343 : i32 to index
      %get3A_360 = arith.constant 48 : index
      %get3A_361 = tpu.vector_load %arg6[%get3A_359, %get3A_360] {strides = array<i32>} : memref<200x64xf32, #tpu.memory_space<vmem>>, vector<1x16xf32>,
      %get3A_362 = vector.shape_cast %get3A_361 : vector<1x16xf32> to vector<16xf32>
      %add3A_363 = arith.addf %add3A_315, %get3A_362 : vector<16xf32>
      %mul3A_364 = arith.constant 8 : i32
      %mul3A_365 = arith.muli %scan3A_260, %mul3A_364 : i32
      %add3A_366 = arith.constant 4 : i32
      %add3A_367 = arith.addi %mul3A_365, %add3A_366 : i32
      %get3A_368 = arith.index_cast %add3A_367 : i32 to index
      %get3A_369 = arith.constant 0 : index
      %get3A_370 = tpu.vector_load %arg6[%get3A_368, %get3A_369] {strides = array<i32>} : memref<200x64xf32, #tpu.memory_space<vmem>>, vector<1x16xf32>,
      %get3A_371 = vector.shape_cast %get3A_370 : vector<1x16xf32> to vector<16xf32>
      %add3A_372 = arith.addf %add3A_324, %get3A_371 : vector<16xf32>
      %get3A_373 = arith.index_cast %add3A_367 : i32 to index
      %get3A_374 = arith.constant 16 : index
      %get3A_375 = tpu.vector_load %arg6[%get3A_373, %get3A_374] {strides = array<i32>} : memref<200x64xf32, #tpu.memory_space<vmem>>, vector<1x16xf32>,
      %get3A_376 = vector.shape_cast %get3A_375 : vector<1x16xf32> to vector<16xf32>
      %add3A_377 = arith.addf %add3A_329, %get3A_376 : vector<16xf32>
      %get3A_378 = arith.index_cast %add3A_367 : i32 to index
      %get3A_379 = arith.constant 32 : index
      %get3A_380 = tpu.vector_load %arg6[%get3A_378, %get3A_379] {strides = array<i32>} : memref<200x64xf32, #tpu.memory_space<vmem>>, vector<1x16xf32>,
      %get3A_381 = vector.shape_cast %get3A_380 : vector<1x16xf32> to vector<16xf32>
      %add3A_382 = arith.addf %add3A_334, %get3A_381 : vector<16xf32>
      %get3A_383 = arith.index_cast %add3A_367 : i32 to index
      %get3A_384 = arith.constant 48 : index
      %get3A_385 = tpu.vector_load %arg6[%get3A_383, %get3A_384] {strides = array<i32>} : memref<200x64xf32, #tpu.memory_space<vmem>>, vector<1x16xf32>,
      %get3A_386 = vector.shape_cast %get3A_385 : vector<1x16xf32> to vector<16xf32>
      %add3A_387 = arith.addf %add3A_339, %get3A_386 : vector<16xf32>
      %mul3A_388 = arith.constant 8 : i32
      %mul3A_389 = arith.muli %scan3A_260, %mul3A_388 : i32
      %add3A_390 = arith.constant 5 : i32
      %add3A_391 = arith.addi %mul3A_389, %add3A_390 : i32
      %get3A_392 = arith.index_cast %add3A_391 : i32 to index
      %get3A_393 = arith.constant 0 : index
      %get3A_394 = tpu.vector_load %arg6[%get3A_392, %get3A_393] {strides = array<i32>} : memref<200x64xf32, #tpu.memory_space<vmem>>, vector<1x16xf32>,
      %get3A_395 = vector.shape_cast %get3A_394 : vector<1x16xf32> to vector<16xf32>
      %add3A_396 = arith.addf %add3A_348, %get3A_395 : vector<16xf32>
      %get3A_397 = arith.index_cast %add3A_391 : i32 to index
      %get3A_398 = arith.constant 16 : index
      %get3A_399 = tpu.vector_load %arg6[%get3A_397, %get3A_398] {strides = array<i32>} : memref<200x64xf32, #tpu.memory_space<vmem>>, vector<1x16xf32>,
      %get3A_400 = vector.shape_cast %get3A_399 : vector<1x16xf32> to vector<16xf32>
      %add3A_401 = arith.addf %add3A_353, %get3A_400 : vector<16xf32>
      %get3A_402 = arith.index_cast %add3A_391 : i32 to index
      %get3A_403 = arith.constant 32 : index
      %get3A_404 = tpu.vector_load %arg6[%get3A_402, %get3A_403] {strides = array<i32>} : memref<200x64xf32, #tpu.memory_space<vmem>>, vector<1x16xf32>,
      %get3A_405 = vector.shape_cast %get3A_404 : vector<1x16xf32> to vector<16xf32>
      %add3A_406 = arith.addf %add3A_358, %get3A_405 : vector<16xf32>
      %get3A_407 = arith.index_cast %add3A_391 : i32 to index
      %get3A_408 = arith.constant 48 : index
      %get3A_409 = tpu.vector_load %arg6[%get3A_407, %get3A_408] {strides = array<i32>} : memref<200x64xf32, #tpu.memory_space<vmem>>, vector<1x16xf32>,
      %get3A_410 = vector.shape_cast %get3A_409 : vector<1x16xf32> to vector<16xf32>
      %add3A_411 = arith.addf %add3A_363, %get3A_410 : vector<16xf32>
      %mul3A_412 = arith.constant 8 : i32
      %mul3A_413 = arith.muli %scan3A_260, %mul3A_412 : i32
      %add3A_414 = arith.constant 6 : i32
      %add3A_415 = arith.addi %mul3A_413, %add3A_414 : i32
      %get3A_416 = arith.index_cast %add3A_415 : i32 to index
      %get3A_417 = arith.constant 0 : index
      %get3A_418 = tpu.vector_load %arg6[%get3A_416, %get3A_417] {strides = array<i32>} : memref<200x64xf32, #tpu.memory_space<vmem>>, vector<1x16xf32>,
      %get3A_419 = vector.shape_cast %get3A_418 : vector<1x16xf32> to vector<16xf32>
      %add3A_420 = arith.addf %add3A_372, %get3A_419 : vector<16xf32>
      %get3A_421 = arith.index_cast %add3A_415 : i32 to index
      %get3A_422 = arith.constant 16 : index
      %get3A_423 = tpu.vector_load %arg6[%get3A_421, %get3A_422] {strides = array<i32>} : memref<200x64xf32, #tpu.memory_space<vmem>>, vector<1x16xf32>,
      %get3A_424 = vector.shape_cast %get3A_423 : vector<1x16xf32> to vector<16xf32>
      %add3A_425 = arith.addf %add3A_377, %get3A_424 : vector<16xf32>
      %get3A_426 = arith.index_cast %add3A_415 : i32 to index
      %get3A_427 = arith.constant 32 : index
      %get3A_428 = tpu.vector_load %arg6[%get3A_426, %get3A_427] {strides = array<i32>} : memref<200x64xf32, #tpu.memory_space<vmem>>, vector<1x16xf32>,
      %get3A_429 = vector.shape_cast %get3A_428 : vector<1x16xf32> to vector<16xf32>
      %add3A_430 = arith.addf %add3A_382, %get3A_429 : vector<16xf32>
      %get3A_431 = arith.index_cast %add3A_415 : i32 to index
      %get3A_432 = arith.constant 48 : index
      %get3A_433 = tpu.vector_load %arg6[%get3A_431, %get3A_432] {strides = array<i32>} : memref<200x64xf32, #tpu.memory_space<vmem>>, vector<1x16xf32>,
      %get3A_434 = vector.shape_cast %get3A_433 : vector<1x16xf32> to vector<16xf32>
      %add3A_435 = arith.addf %add3A_387, %get3A_434 : vector<16xf32>
      %mul3A_436 = arith.constant 8 : i32
      %mul3A_437 = arith.muli %scan3A_260, %mul3A_436 : i32
      %add3A_438 = arith.constant 7 : i32
      %add3A_439 = arith.addi %mul3A_437, %add3A_438 : i32
      %get3A_440 = arith.index_cast %add3A_439 : i32 to index
      %get3A_441 = arith.constant 0 : index
      %get3A_442 = tpu.vector_load %arg6[%get3A_440, %get3A_441] {strides = array<i32>} : memref<200x64xf32, #tpu.memory_space<vmem>>, vector<1x16xf32>,
      %get3A_443 = vector.shape_cast %get3A_442 : vector<1x16xf32> to vector<16xf32>
      %add3A_444 = arith.addf %add3A_396, %get3A_443 : vector<16xf32>
      %get3A_445 = arith.index_cast %add3A_439 : i32 to index
      %get3A_446 = arith.constant 16 : index
      %get3A_447 = tpu.vector_load %arg6[%get3A_445, %get3A_446] {strides = array<i32>} : memref<200x64xf32, #tpu.memory_space<vmem>>, vector<1x16xf32>,
      %get3A_448 = vector.shape_cast %get3A_447 : vector<1x16xf32> to vector<16xf32>
      %add3A_449 = arith.addf %add3A_401, %get3A_448 : vector<16xf32>
      %get3A_450 = arith.index_cast %add3A_439 : i32 to index
      %get3A_451 = arith.constant 32 : index
      %get3A_452 = tpu.vector_load %arg6[%get3A_450, %get3A_451] {strides = array<i32>} : memref<200x64xf32, #tpu.memory_space<vmem>>, vector<1x16xf32>,
      %get3A_453 = vector.shape_cast %get3A_452 : vector<1x16xf32> to vector<16xf32>
      %add3A_454 = arith.addf %add3A_406, %get3A_453 : vector<16xf32>
      %get3A_455 = arith.index_cast %add3A_439 : i32 to index
      %get3A_456 = arith.constant 48 : index
      %get3A_457 = tpu.vector_load %arg6[%get3A_455, %get3A_456] {strides = array<i32>} : memref<200x64xf32, #tpu.memory_space<vmem>>, vector<1x16xf32>,
      %get3A_458 = vector.shape_cast %get3A_457 : vector<1x16xf32> to vector<16xf32>
      %add3A_459 = arith.addf %add3A_411, %get3A_458 : vector<16xf32>
      scf.yield %add3A_420, %add3A_425, %add3A_430, %add3A_435, %add3A_444, %add3A_449, %add3A_454, %add3A_459 : vector<16xf32>, vector<16xf32>, vector<16xf32>, vector<16xf32>, vector<16xf32>, vector<16xf32>, vector<16xf32>, vector<16xf32>
    }
    %scan3A_152 = arith.constant 25 : i32
    %add3A_153 = arith.addf %scan3A_151#0, %scan3A_151#4 : vector<16xf32>
    %mul3A_154 = arith.constant 5.000000e-03 : f32
    %mul3A_155 = vector.broadcast %mul3A_154 : f32 to vector<16xf32>
    %mul3A_156 = arith.mulf %add3A_153, %mul3A_155 : vector<16xf32>
    %swap3A = arith.constant 126 : i32
    %swap3A_157 = arith.index_cast %swap3A : i32 to index
    %swap3A_158 = arith.constant 0 : index
    %swap3A_159 = tpu.vector_load %arg12[%swap3A_157, %swap3A_158] {strides = array<i32>} : memref<128x64xf32, #tpu.memory_space<vmem>>, vector<1x16xf32>,
    %swap3A_160 = vector.shape_cast %swap3A_159 : vector<1x16xf32> to vector<16xf32>
    %swap3A_161 = vector.shape_cast %mul3A_156 : vector<16xf32> to vector<1x16xf32>
    tpu.vector_store %arg12[%swap3A_157, %swap3A_158], %swap3A_161 {strides = array<i32>} : memref<128x64xf32, #tpu.memory_space<vmem>>, vector<1x16xf32>,
    %add3A_162 = arith.addf %scan3A_151#1, %scan3A_151#5 : vector<16xf32>
    %mul3A_163 = arith.constant 5.000000e-03 : f32
    %mul3A_164 = vector.broadcast %mul3A_163 : f32 to vector<16xf32>
    %mul3A_165 = arith.mulf %add3A_162, %mul3A_164 : vector<16xf32>
    %swap3A_166 = arith.constant 126 : i32
    %swap3A_167 = arith.index_cast %swap3A_166 : i32 to index
    %swap3A_168 = arith.constant 16 : index
    %swap3A_169 = tpu.vector_load %arg12[%swap3A_167, %swap3A_168] {strides = array<i32>} : memref<128x64xf32, #tpu.memory_space<vmem>>, vector<1x16xf32>,
    %swap3A_170 = vector.shape_cast %swap3A_169 : vector<1x16xf32> to vector<16xf32>
    %swap3A_171 = vector.shape_cast %mul3A_165 : vector<16xf32> to vector<1x16xf32>
    tpu.vector_store %arg12[%swap3A_167, %swap3A_168], %swap3A_171 {strides = array<i32>} : memref<128x64xf32, #tpu.memory_space<vmem>>, vector<1x16xf32>,
    %add3A_172 = arith.addf %scan3A_151#2, %scan3A_151#6 : vector<16xf32>
    %mul3A_173 = arith.constant 5.000000e-03 : f32
    %mul3A_174 = vector.broadcast %mul3A_173 : f32 to vector<16xf32>
    %mul3A_175 = arith.mulf %add3A_172, %mul3A_174 : vector<16xf32>
    %swap3A_176 = arith.constant 126 : i32
    %swap3A_177 = arith.index_cast %swap3A_176 : i32 to index
    %swap3A_178 = arith.constant 32 : index
    %swap3A_179 = tpu.vector_load %arg12[%swap3A_177, %swap3A_178] {strides = array<i32>} : memref<128x64xf32, #tpu.memory_space<vmem>>, vector<1x16xf32>,
    %swap3A_180 = vector.shape_cast %swap3A_179 : vector<1x16xf32> to vector<16xf32>
    %swap3A_181 = vector.shape_cast %mul3A_175 : vector<16xf32> to vector<1x16xf32>
    tpu.vector_store %arg12[%swap3A_177, %swap3A_178], %swap3A_181 {strides = array<i32>} : memref<128x64xf32, #tpu.memory_space<vmem>>, vector<1x16xf32>,
    %add3A_182 = arith.addf %scan3A_151#3, %scan3A_151#7 : vector<16xf32>
    %mul3A_183 = arith.constant 5.000000e-03 : f32
    %mul3A_184 = vector.broadcast %mul3A_183 : f32 to vector<16xf32>
    %mul3A_185 = arith.mulf %add3A_182, %mul3A_184 : vector<16xf32>
    %swap3A_186 = arith.constant 126 : i32
    %swap3A_187 = arith.index_cast %swap3A_186 : i32 to index
    %swap3A_188 = arith.constant 48 : index
    %swap3A_189 = tpu.vector_load %arg12[%swap3A_187, %swap3A_188] {strides = array<i32>} : memref<128x64xf32, #tpu.memory_space<vmem>>, vector<1x16xf32>,
    %swap3A_190 = vector.shape_cast %swap3A_189 : vector<1x16xf32> to vector<16xf32>
    %swap3A_191 = vector.shape_cast %mul3A_185 : vector<16xf32> to vector<1x16xf32>
    tpu.vector_store %arg12[%swap3A_187, %swap3A_188], %swap3A_191 {strides = array<i32>} : memref<128x64xf32, #tpu.memory_space<vmem>>, vector<1x16xf32>,
    %dma_wait3A_192 = arith.constant 0 : i32
    %dma_wait3A_193 = arith.constant 0 : i32
    %dma_wait3A_194 = tpu.memref_slice %arg3[%dma_wait3A_192, %dma_wait3A_193] : memref<1000000x64xf32, #tpu.memory_space<hbm>> -> memref<200x64xf32, #tpu.memory_space<hbm>>
    %dma_wait3A_195 = arith.constant 0 : i32
    %dma_wait3A_196 = arith.constant 0 : i32
    %dma_wait3A_197 = tpu.memref_slice %arg3[%dma_wait3A_195, %dma_wait3A_196] : memref<1000000x64xf32, #tpu.memory_space<hbm>> -> memref<200x64xf32, #tpu.memory_space<hbm>>
    tpu.wait_dma2 semaphore(%arg14 : memref<!tpu.dma_semaphore, #tpu.memory_space<semaphore_mem>>) src(%dma_wait3A_197 : memref<200x64xf32, #tpu.memory_space<hbm>>) dst(%arg7 : memref<200x64xf32, #tpu.memory_space<vmem>>)
    %broadcast_in_dim3A_198 = arith.constant 0.000000e+00 : f32
    %broadcast_in_dim3A_199 = vector.broadcast %broadcast_in_dim3A_198 : f32 to vector<16xf32>
    %broadcast_in_dim3A_200 = arith.constant 0.000000e+00 : f32
    %broadcast_in_dim3A_201 = vector.broadcast %broadcast_in_dim3A_200 : f32 to vector<16xf32>
    %broadcast_in_dim3A_202 = arith.constant 0.000000e+00 : f32
    %broadcast_in_dim3A_203 = vector.broadcast %broadcast_in_dim3A_202 : f32 to vector<16xf32>
    %broadcast_in_dim3A_204 = arith.constant 0.000000e+00 : f32
    %broadcast_in_dim3A_205 = vector.broadcast %broadcast_in_dim3A_204 : f32 to vector<16xf32>
    %broadcast_in_dim3A_206 = arith.constant 0.000000e+00 : f32
    %broadcast_in_dim3A_207 = vector.broadcast %broadcast_in_dim3A_206 : f32 to vector<16xf32>
    %broadcast_in_dim3A_208 = arith.constant 0.000000e+00 : f32
    %broadcast_in_dim3A_209 = vector.broadcast %broadcast_in_dim3A_208 : f32 to vector<16xf32>
    %broadcast_in_dim3A_210 = arith.constant 0.000000e+00 : f32
    %broadcast_in_dim3A_211 = vector.broadcast %broadcast_in_dim3A_210 : f32 to vector<16xf32>
    %broadcast_in_dim3A_212 = arith.constant 0.000000e+00 : f32
    %broadcast_in_dim3A_213 = vector.broadcast %broadcast_in_dim3A_212 : f32 to vector<16xf32>
    %scan3A_214 = arith.constant 0 : i32
    %scan3A_215 = arith.constant 25 : i32
    %scan3A_216 = arith.addi %scan3A_214, %scan3A_215 : i32
    %scan3A_217 = arith.constant 1 : i32
    %scan3A_218:8 = scf.for %scan3A_260 = %scan3A_214 to %scan3A_216 step %scan3A_217 iter_args(%scan3A_261 = %broadcast_in_dim3A_199, %scan3A_262 = %broadcast_in_dim3A_201, %scan3A_263 = %broadcast_in_dim3A_203, %scan3A_264 = %broadcast_in_dim3A_205, %scan3A_265 = %broadcast_in_dim3A_207, %scan3A_266 = %broadcast_in_dim3A_209, %scan3A_267 = %broadcast_in_dim3A_211, %scan3A_268 = %broadcast_in_dim3A_213) -> (vector<16xf32>, vector<16xf32>, vector<16xf32>, vector<16xf32>, vector<16xf32>, vector<16xf32>, vector<16xf32>, vector<16xf32>)  : i32 {
      %mul3A_269 = arith.constant 8 : i32
      %mul3A_270 = arith.muli %scan3A_260, %mul3A_269 : i32
      %add3A_271 = arith.constant 0 : i32
      %add3A_272 = arith.addi %mul3A_270, %add3A_271 : i32
      %get3A = arith.index_cast %add3A_272 : i32 to index
      %get3A_273 = arith.constant 0 : index
      %get3A_274 = tpu.vector_load %arg7[%get3A, %get3A_273] {strides = array<i32>} : memref<200x64xf32, #tpu.memory_space<vmem>>, vector<1x16xf32>,
      %get3A_275 = vector.shape_cast %get3A_274 : vector<1x16xf32> to vector<16xf32>
      %add3A_276 = arith.addf %scan3A_261, %get3A_275 : vector<16xf32>
      %get3A_277 = arith.index_cast %add3A_272 : i32 to index
      %get3A_278 = arith.constant 16 : index
      %get3A_279 = tpu.vector_load %arg7[%get3A_277, %get3A_278] {strides = array<i32>} : memref<200x64xf32, #tpu.memory_space<vmem>>, vector<1x16xf32>,
      %get3A_280 = vector.shape_cast %get3A_279 : vector<1x16xf32> to vector<16xf32>
      %add3A_281 = arith.addf %scan3A_262, %get3A_280 : vector<16xf32>
      %get3A_282 = arith.index_cast %add3A_272 : i32 to index
      %get3A_283 = arith.constant 32 : index
      %get3A_284 = tpu.vector_load %arg7[%get3A_282, %get3A_283] {strides = array<i32>} : memref<200x64xf32, #tpu.memory_space<vmem>>, vector<1x16xf32>,
      %get3A_285 = vector.shape_cast %get3A_284 : vector<1x16xf32> to vector<16xf32>
      %add3A_286 = arith.addf %scan3A_263, %get3A_285 : vector<16xf32>
      %get3A_287 = arith.index_cast %add3A_272 : i32 to index
      %get3A_288 = arith.constant 48 : index
      %get3A_289 = tpu.vector_load %arg7[%get3A_287, %get3A_288] {strides = array<i32>} : memref<200x64xf32, #tpu.memory_space<vmem>>, vector<1x16xf32>,
      %get3A_290 = vector.shape_cast %get3A_289 : vector<1x16xf32> to vector<16xf32>
      %add3A_291 = arith.addf %scan3A_264, %get3A_290 : vector<16xf32>
      %mul3A_292 = arith.constant 8 : i32
      %mul3A_293 = arith.muli %scan3A_260, %mul3A_292 : i32
      %add3A_294 = arith.constant 1 : i32
      %add3A_295 = arith.addi %mul3A_293, %add3A_294 : i32
      %get3A_296 = arith.index_cast %add3A_295 : i32 to index
      %get3A_297 = arith.constant 0 : index
      %get3A_298 = tpu.vector_load %arg7[%get3A_296, %get3A_297] {strides = array<i32>} : memref<200x64xf32, #tpu.memory_space<vmem>>, vector<1x16xf32>,
      %get3A_299 = vector.shape_cast %get3A_298 : vector<1x16xf32> to vector<16xf32>
      %add3A_300 = arith.addf %scan3A_265, %get3A_299 : vector<16xf32>
      %get3A_301 = arith.index_cast %add3A_295 : i32 to index
      %get3A_302 = arith.constant 16 : index
      %get3A_303 = tpu.vector_load %arg7[%get3A_301, %get3A_302] {strides = array<i32>} : memref<200x64xf32, #tpu.memory_space<vmem>>, vector<1x16xf32>,
      %get3A_304 = vector.shape_cast %get3A_303 : vector<1x16xf32> to vector<16xf32>
      %add3A_305 = arith.addf %scan3A_266, %get3A_304 : vector<16xf32>
      %get3A_306 = arith.index_cast %add3A_295 : i32 to index
      %get3A_307 = arith.constant 32 : index
      %get3A_308 = tpu.vector_load %arg7[%get3A_306, %get3A_307] {strides = array<i32>} : memref<200x64xf32, #tpu.memory_space<vmem>>, vector<1x16xf32>,
      %get3A_309 = vector.shape_cast %get3A_308 : vector<1x16xf32> to vector<16xf32>
      %add3A_310 = arith.addf %scan3A_267, %get3A_309 : vector<16xf32>
      %get3A_311 = arith.index_cast %add3A_295 : i32 to index
      %get3A_312 = arith.constant 48 : index
      %get3A_313 = tpu.vector_load %arg7[%get3A_311, %get3A_312] {strides = array<i32>} : memref<200x64xf32, #tpu.memory_space<vmem>>, vector<1x16xf32>,
      %get3A_314 = vector.shape_cast %get3A_313 : vector<1x16xf32> to vector<16xf32>
      %add3A_315 = arith.addf %scan3A_268, %get3A_314 : vector<16xf32>
      %mul3A_316 = arith.constant 8 : i32
      %mul3A_317 = arith.muli %scan3A_260, %mul3A_316 : i32
      %add3A_318 = arith.constant 2 : i32
      %add3A_319 = arith.addi %mul3A_317, %add3A_318 : i32
      %get3A_320 = arith.index_cast %add3A_319 : i32 to index
      %get3A_321 = arith.constant 0 : index
      %get3A_322 = tpu.vector_load %arg7[%get3A_320, %get3A_321] {strides = array<i32>} : memref<200x64xf32, #tpu.memory_space<vmem>>, vector<1x16xf32>,
      %get3A_323 = vector.shape_cast %get3A_322 : vector<1x16xf32> to vector<16xf32>
      %add3A_324 = arith.addf %add3A_276, %get3A_323 : vector<16xf32>
      %get3A_325 = arith.index_cast %add3A_319 : i32 to index
      %get3A_326 = arith.constant 16 : index
      %get3A_327 = tpu.vector_load %arg7[%get3A_325, %get3A_326] {strides = array<i32>} : memref<200x64xf32, #tpu.memory_space<vmem>>, vector<1x16xf32>,
      %get3A_328 = vector.shape_cast %get3A_327 : vector<1x16xf32> to vector<16xf32>
      %add3A_329 = arith.addf %add3A_281, %get3A_328 : vector<16xf32>
      %get3A_330 = arith.index_cast %add3A_319 : i32 to index
      %get3A_331 = arith.constant 32 : index
      %get3A_332 = tpu.vector_load %arg7[%get3A_330, %get3A_331] {strides = array<i32>} : memref<200x64xf32, #tpu.memory_space<vmem>>, vector<1x16xf32>,
      %get3A_333 = vector.shape_cast %get3A_332 : vector<1x16xf32> to vector<16xf32>
      %add3A_334 = arith.addf %add3A_286, %get3A_333 : vector<16xf32>
      %get3A_335 = arith.index_cast %add3A_319 : i32 to index
      %get3A_336 = arith.constant 48 : index
      %get3A_337 = tpu.vector_load %arg7[%get3A_335, %get3A_336] {strides = array<i32>} : memref<200x64xf32, #tpu.memory_space<vmem>>, vector<1x16xf32>,
      %get3A_338 = vector.shape_cast %get3A_337 : vector<1x16xf32> to vector<16xf32>
      %add3A_339 = arith.addf %add3A_291, %get3A_338 : vector<16xf32>
      %mul3A_340 = arith.constant 8 : i32
      %mul3A_341 = arith.muli %scan3A_260, %mul3A_340 : i32
      %add3A_342 = arith.constant 3 : i32
      %add3A_343 = arith.addi %mul3A_341, %add3A_342 : i32
      %get3A_344 = arith.index_cast %add3A_343 : i32 to index
      %get3A_345 = arith.constant 0 : index
      %get3A_346 = tpu.vector_load %arg7[%get3A_344, %get3A_345] {strides = array<i32>} : memref<200x64xf32, #tpu.memory_space<vmem>>, vector<1x16xf32>,
      %get3A_347 = vector.shape_cast %get3A_346 : vector<1x16xf32> to vector<16xf32>
      %add3A_348 = arith.addf %add3A_300, %get3A_347 : vector<16xf32>
      %get3A_349 = arith.index_cast %add3A_343 : i32 to index
      %get3A_350 = arith.constant 16 : index
      %get3A_351 = tpu.vector_load %arg7[%get3A_349, %get3A_350] {strides = array<i32>} : memref<200x64xf32, #tpu.memory_space<vmem>>, vector<1x16xf32>,
      %get3A_352 = vector.shape_cast %get3A_351 : vector<1x16xf32> to vector<16xf32>
      %add3A_353 = arith.addf %add3A_305, %get3A_352 : vector<16xf32>
      %get3A_354 = arith.index_cast %add3A_343 : i32 to index
      %get3A_355 = arith.constant 32 : index
      %get3A_356 = tpu.vector_load %arg7[%get3A_354, %get3A_355] {strides = array<i32>} : memref<200x64xf32, #tpu.memory_space<vmem>>, vector<1x16xf32>,
      %get3A_357 = vector.shape_cast %get3A_356 : vector<1x16xf32> to vector<16xf32>
      %add3A_358 = arith.addf %add3A_310, %get3A_357 : vector<16xf32>
      %get3A_359 = arith.index_cast %add3A_343 : i32 to index
      %get3A_360 = arith.constant 48 : index
      %get3A_361 = tpu.vector_load %arg7[%get3A_359, %get3A_360] {strides = array<i32>} : memref<200x64xf32, #tpu.memory_space<vmem>>, vector<1x16xf32>,
      %get3A_362 = vector.shape_cast %get3A_361 : vector<1x16xf32> to vector<16xf32>
      %add3A_363 = arith.addf %add3A_315, %get3A_362 : vector<16xf32>
      %mul3A_364 = arith.constant 8 : i32
      %mul3A_365 = arith.muli %scan3A_260, %mul3A_364 : i32
      %add3A_366 = arith.constant 4 : i32
      %add3A_367 = arith.addi %mul3A_365, %add3A_366 : i32
      %get3A_368 = arith.index_cast %add3A_367 : i32 to index
      %get3A_369 = arith.constant 0 : index
      %get3A_370 = tpu.vector_load %arg7[%get3A_368, %get3A_369] {strides = array<i32>} : memref<200x64xf32, #tpu.memory_space<vmem>>, vector<1x16xf32>,
      %get3A_371 = vector.shape_cast %get3A_370 : vector<1x16xf32> to vector<16xf32>
      %add3A_372 = arith.addf %add3A_324, %get3A_371 : vector<16xf32>
      %get3A_373 = arith.index_cast %add3A_367 : i32 to index
      %get3A_374 = arith.constant 16 : index
      %get3A_375 = tpu.vector_load %arg7[%get3A_373, %get3A_374] {strides = array<i32>} : memref<200x64xf32, #tpu.memory_space<vmem>>, vector<1x16xf32>,
      %get3A_376 = vector.shape_cast %get3A_375 : vector<1x16xf32> to vector<16xf32>
      %add3A_377 = arith.addf %add3A_329, %get3A_376 : vector<16xf32>
      %get3A_378 = arith.index_cast %add3A_367 : i32 to index
      %get3A_379 = arith.constant 32 : index
      %get3A_380 = tpu.vector_load %arg7[%get3A_378, %get3A_379] {strides = array<i32>} : memref<200x64xf32, #tpu.memory_space<vmem>>, vector<1x16xf32>,
      %get3A_381 = vector.shape_cast %get3A_380 : vector<1x16xf32> to vector<16xf32>
      %add3A_382 = arith.addf %add3A_334, %get3A_381 : vector<16xf32>
      %get3A_383 = arith.index_cast %add3A_367 : i32 to index
      %get3A_384 = arith.constant 48 : index
      %get3A_385 = tpu.vector_load %arg7[%get3A_383, %get3A_384] {strides = array<i32>} : memref<200x64xf32, #tpu.memory_space<vmem>>, vector<1x16xf32>,
      %get3A_386 = vector.shape_cast %get3A_385 : vector<1x16xf32> to vector<16xf32>
      %add3A_387 = arith.addf %add3A_339, %get3A_386 : vector<16xf32>
      %mul3A_388 = arith.constant 8 : i32
      %mul3A_389 = arith.muli %scan3A_260, %mul3A_388 : i32
      %add3A_390 = arith.constant 5 : i32
      %add3A_391 = arith.addi %mul3A_389, %add3A_390 : i32
      %get3A_392 = arith.index_cast %add3A_391 : i32 to index
      %get3A_393 = arith.constant 0 : index
      %get3A_394 = tpu.vector_load %arg7[%get3A_392, %get3A_393] {strides = array<i32>} : memref<200x64xf32, #tpu.memory_space<vmem>>, vector<1x16xf32>,
      %get3A_395 = vector.shape_cast %get3A_394 : vector<1x16xf32> to vector<16xf32>
      %add3A_396 = arith.addf %add3A_348, %get3A_395 : vector<16xf32>
      %get3A_397 = arith.index_cast %add3A_391 : i32 to index
      %get3A_398 = arith.constant 16 : index
      %get3A_399 = tpu.vector_load %arg7[%get3A_397, %get3A_398] {strides = array<i32>} : memref<200x64xf32, #tpu.memory_space<vmem>>, vector<1x16xf32>,
      %get3A_400 = vector.shape_cast %get3A_399 : vector<1x16xf32> to vector<16xf32>
      %add3A_401 = arith.addf %add3A_353, %get3A_400 : vector<16xf32>
      %get3A_402 = arith.index_cast %add3A_391 : i32 to index
      %get3A_403 = arith.constant 32 : index
      %get3A_404 = tpu.vector_load %arg7[%get3A_402, %get3A_403] {strides = array<i32>} : memref<200x64xf32, #tpu.memory_space<vmem>>, vector<1x16xf32>,
      %get3A_405 = vector.shape_cast %get3A_404 : vector<1x16xf32> to vector<16xf32>
      %add3A_406 = arith.addf %add3A_358, %get3A_405 : vector<16xf32>
      %get3A_407 = arith.index_cast %add3A_391 : i32 to index
      %get3A_408 = arith.constant 48 : index
      %get3A_409 = tpu.vector_load %arg7[%get3A_407, %get3A_408] {strides = array<i32>} : memref<200x64xf32, #tpu.memory_space<vmem>>, vector<1x16xf32>,
      %get3A_410 = vector.shape_cast %get3A_409 : vector<1x16xf32> to vector<16xf32>
      %add3A_411 = arith.addf %add3A_363, %get3A_410 : vector<16xf32>
      %mul3A_412 = arith.constant 8 : i32
      %mul3A_413 = arith.muli %scan3A_260, %mul3A_412 : i32
      %add3A_414 = arith.constant 6 : i32
      %add3A_415 = arith.addi %mul3A_413, %add3A_414 : i32
      %get3A_416 = arith.index_cast %add3A_415 : i32 to index
      %get3A_417 = arith.constant 0 : index
      %get3A_418 = tpu.vector_load %arg7[%get3A_416, %get3A_417] {strides = array<i32>} : memref<200x64xf32, #tpu.memory_space<vmem>>, vector<1x16xf32>,
      %get3A_419 = vector.shape_cast %get3A_418 : vector<1x16xf32> to vector<16xf32>
      %add3A_420 = arith.addf %add3A_372, %get3A_419 : vector<16xf32>
      %get3A_421 = arith.index_cast %add3A_415 : i32 to index
      %get3A_422 = arith.constant 16 : index
      %get3A_423 = tpu.vector_load %arg7[%get3A_421, %get3A_422] {strides = array<i32>} : memref<200x64xf32, #tpu.memory_space<vmem>>, vector<1x16xf32>,
      %get3A_424 = vector.shape_cast %get3A_423 : vector<1x16xf32> to vector<16xf32>
      %add3A_425 = arith.addf %add3A_377, %get3A_424 : vector<16xf32>
      %get3A_426 = arith.index_cast %add3A_415 : i32 to index
      %get3A_427 = arith.constant 32 : index
      %get3A_428 = tpu.vector_load %arg7[%get3A_426, %get3A_427] {strides = array<i32>} : memref<200x64xf32, #tpu.memory_space<vmem>>, vector<1x16xf32>,
      %get3A_429 = vector.shape_cast %get3A_428 : vector<1x16xf32> to vector<16xf32>
      %add3A_430 = arith.addf %add3A_382, %get3A_429 : vector<16xf32>
      %get3A_431 = arith.index_cast %add3A_415 : i32 to index
      %get3A_432 = arith.constant 48 : index
      %get3A_433 = tpu.vector_load %arg7[%get3A_431, %get3A_432] {strides = array<i32>} : memref<200x64xf32, #tpu.memory_space<vmem>>, vector<1x16xf32>,
      %get3A_434 = vector.shape_cast %get3A_433 : vector<1x16xf32> to vector<16xf32>
      %add3A_435 = arith.addf %add3A_387, %get3A_434 : vector<16xf32>
      %mul3A_436 = arith.constant 8 : i32
      %mul3A_437 = arith.muli %scan3A_260, %mul3A_436 : i32
      %add3A_438 = arith.constant 7 : i32
      %add3A_439 = arith.addi %mul3A_437, %add3A_438 : i32
      %get3A_440 = arith.index_cast %add3A_439 : i32 to index
      %get3A_441 = arith.constant 0 : index
      %get3A_442 = tpu.vector_load %arg7[%get3A_440, %get3A_441] {strides = array<i32>} : memref<200x64xf32, #tpu.memory_space<vmem>>, vector<1x16xf32>,
      %get3A_443 = vector.shape_cast %get3A_442 : vector<1x16xf32> to vector<16xf32>
      %add3A_444 = arith.addf %add3A_396, %get3A_443 : vector<16xf32>
      %get3A_445 = arith.index_cast %add3A_439 : i32 to index
      %get3A_446 = arith.constant 16 : index
      %get3A_447 = tpu.vector_load %arg7[%get3A_445, %get3A_446] {strides = array<i32>} : memref<200x64xf32, #tpu.memory_space<vmem>>, vector<1x16xf32>,
      %get3A_448 = vector.shape_cast %get3A_447 : vector<1x16xf32> to vector<16xf32>
      %add3A_449 = arith.addf %add3A_401, %get3A_448 : vector<16xf32>
      %get3A_450 = arith.index_cast %add3A_439 : i32 to index
      %get3A_451 = arith.constant 32 : index
      %get3A_452 = tpu.vector_load %arg7[%get3A_450, %get3A_451] {strides = array<i32>} : memref<200x64xf32, #tpu.memory_space<vmem>>, vector<1x16xf32>,
      %get3A_453 = vector.shape_cast %get3A_452 : vector<1x16xf32> to vector<16xf32>
      %add3A_454 = arith.addf %add3A_406, %get3A_453 : vector<16xf32>
      %get3A_455 = arith.index_cast %add3A_439 : i32 to index
      %get3A_456 = arith.constant 48 : index
      %get3A_457 = tpu.vector_load %arg7[%get3A_455, %get3A_456] {strides = array<i32>} : memref<200x64xf32, #tpu.memory_space<vmem>>, vector<1x16xf32>,
      %get3A_458 = vector.shape_cast %get3A_457 : vector<1x16xf32> to vector<16xf32>
      %add3A_459 = arith.addf %add3A_411, %get3A_458 : vector<16xf32>
      scf.yield %add3A_420, %add3A_425, %add3A_430, %add3A_435, %add3A_444, %add3A_449, %add3A_454, %add3A_459 : vector<16xf32>, vector<16xf32>, vector<16xf32>, vector<16xf32>, vector<16xf32>, vector<16xf32>, vector<16xf32>, vector<16xf32>
    }
    %scan3A_219 = arith.constant 25 : i32
    %add3A_220 = arith.addf %scan3A_218#0, %scan3A_218#4 : vector<16xf32>
    %mul3A_221 = arith.constant 5.000000e-03 : f32
    %mul3A_222 = vector.broadcast %mul3A_221 : f32 to vector<16xf32>
    %mul3A_223 = arith.mulf %add3A_220, %mul3A_222 : vector<16xf32>
    %swap3A_224 = arith.constant 127 : i32
    %swap3A_225 = arith.index_cast %swap3A_224 : i32 to index
    %swap3A_226 = arith.constant 0 : index
    %swap3A_227 = tpu.vector_load %arg12[%swap3A_225, %swap3A_226] {strides = array<i32>} : memref<128x64xf32, #tpu.memory_space<vmem>>, vector<1x16xf32>,
    %swap3A_228 = vector.shape_cast %swap3A_227 : vector<1x16xf32> to vector<16xf32>
    %swap3A_229 = vector.shape_cast %mul3A_223 : vector<16xf32> to vector<1x16xf32>
    tpu.vector_store %arg12[%swap3A_225, %swap3A_226], %swap3A_229 {strides = array<i32>} : memref<128x64xf32, #tpu.memory_space<vmem>>, vector<1x16xf32>,
    %add3A_230 = arith.addf %scan3A_218#1, %scan3A_218#5 : vector<16xf32>
    %mul3A_231 = arith.constant 5.000000e-03 : f32
    %mul3A_232 = vector.broadcast %mul3A_231 : f32 to vector<16xf32>
    %mul3A_233 = arith.mulf %add3A_230, %mul3A_232 : vector<16xf32>
    %swap3A_234 = arith.constant 127 : i32
    %swap3A_235 = arith.index_cast %swap3A_234 : i32 to index
    %swap3A_236 = arith.constant 16 : index
    %swap3A_237 = tpu.vector_load %arg12[%swap3A_235, %swap3A_236] {strides = array<i32>} : memref<128x64xf32, #tpu.memory_space<vmem>>, vector<1x16xf32>,
    %swap3A_238 = vector.shape_cast %swap3A_237 : vector<1x16xf32> to vector<16xf32>
    %swap3A_239 = vector.shape_cast %mul3A_233 : vector<16xf32> to vector<1x16xf32>
    tpu.vector_store %arg12[%swap3A_235, %swap3A_236], %swap3A_239 {strides = array<i32>} : memref<128x64xf32, #tpu.memory_space<vmem>>, vector<1x16xf32>,
    %add3A_240 = arith.addf %scan3A_218#2, %scan3A_218#6 : vector<16xf32>
    %mul3A_241 = arith.constant 5.000000e-03 : f32
    %mul3A_242 = vector.broadcast %mul3A_241 : f32 to vector<16xf32>
    %mul3A_243 = arith.mulf %add3A_240, %mul3A_242 : vector<16xf32>
    %swap3A_244 = arith.constant 127 : i32
    %swap3A_245 = arith.index_cast %swap3A_244 : i32 to index
    %swap3A_246 = arith.constant 32 : index
    %swap3A_247 = tpu.vector_load %arg12[%swap3A_245, %swap3A_246] {strides = array<i32>} : memref<128x64xf32, #tpu.memory_space<vmem>>, vector<1x16xf32>,
    %swap3A_248 = vector.shape_cast %swap3A_247 : vector<1x16xf32> to vector<16xf32>
    %swap3A_249 = vector.shape_cast %mul3A_243 : vector<16xf32> to vector<1x16xf32>
    tpu.vector_store %arg12[%swap3A_245, %swap3A_246], %swap3A_249 {strides = array<i32>} : memref<128x64xf32, #tpu.memory_space<vmem>>, vector<1x16xf32>,
    %add3A_250 = arith.addf %scan3A_218#3, %scan3A_218#7 : vector<16xf32>
    %mul3A_251 = arith.constant 5.000000e-03 : f32
    %mul3A_252 = vector.broadcast %mul3A_251 : f32 to vector<16xf32>
    %mul3A_253 = arith.mulf %add3A_250, %mul3A_252 : vector<16xf32>
    %swap3A_254 = arith.constant 127 : i32
    %swap3A_255 = arith.index_cast %swap3A_254 : i32 to index
    %swap3A_256 = arith.constant 48 : index
    %swap3A_257 = tpu.vector_load %arg12[%swap3A_255, %swap3A_256] {strides = array<i32>} : memref<128x64xf32, #tpu.memory_space<vmem>>, vector<1x16xf32>,
    %swap3A_258 = vector.shape_cast %swap3A_257 : vector<1x16xf32> to vector<16xf32>
    %swap3A_259 = vector.shape_cast %mul3A_253 : vector<16xf32> to vector<1x16xf32>
    tpu.vector_store %arg12[%swap3A_255, %swap3A_256], %swap3A_259 {strides = array<i32>} : memref<128x64xf32, #tpu.memory_space<vmem>>, vector<1x16xf32>,
    "tpu.region"() ({
      %run_scoped3A = tpu.sem_alloc : memref<!tpu.dma_semaphore, #tpu.memory_space<semaphore_mem>>
      %dma_start3A_260 = arith.constant 0 : i32
      %dma_start3A_261 = tpu.memref_slice %arg4[%mul3A_2, %dma_start3A_260] : memref<4096x64xf32, #tpu.memory_space<hbm>> -> memref<128x64xf32, #tpu.memory_space<hbm>>
      %dma_start3A_262 = arith.constant 0 : i32
      %dma_start3A_263 = tpu.memref_slice %arg4[%mul3A_2, %dma_start3A_262] : memref<4096x64xf32, #tpu.memory_space<hbm>> -> memref<128x64xf32, #tpu.memory_space<hbm>>
      tpu.enqueue_dma source(%arg12 : memref<128x64xf32, #tpu.memory_space<vmem>>) target(%dma_start3A_263 : memref<128x64xf32, #tpu.memory_space<hbm>>) target_semaphore(%run_scoped3A : memref<!tpu.dma_semaphore, #tpu.memory_space<semaphore_mem>>)
      %dma_wait3A_264 = arith.constant 0 : i32
      %dma_wait3A_265 = tpu.memref_slice %arg4[%mul3A_2, %dma_wait3A_264] : memref<4096x64xf32, #tpu.memory_space<hbm>> -> memref<128x64xf32, #tpu.memory_space<hbm>>
      %dma_wait3A_266 = arith.constant 0 : i32
      %dma_wait3A_267 = tpu.memref_slice %arg4[%mul3A_2, %dma_wait3A_266] : memref<4096x64xf32, #tpu.memory_space<hbm>> -> memref<128x64xf32, #tpu.memory_space<hbm>>
      tpu.wait_dma2 semaphore(%run_scoped3A : memref<!tpu.dma_semaphore, #tpu.memory_space<semaphore_mem>>) src(%arg12 : memref<128x64xf32, #tpu.memory_space<vmem>>) dst(%dma_wait3A_267 : memref<128x64xf32, #tpu.memory_space<hbm>>)
      tpu.yield
    }) : () -> ()
    return
  }
}

</mosaic_0001>

<sc_bundles>
// kernel: _pool.3.cloned.1.call-start
scs
__scs_entry_jumppad:
0x0: {  	(pc) =	sbr.rel $0x88, $3  }
0x1: {  	(tag) =	ssettag $0x0;
	lr =	simm.s32 $0x1  }
0x2: {  	[smem:$0x3F9F] =	sst lr;
	_ =	strace $0xD0000000  }
0x3: {  	_ = 	snop  }
0x4: {  	_ = 	snop  }
0x5: {  	_ = 	snop  }
0x6: {  	_ = 	snop  }
0x7: {  	_ = 	snop  }
__scs_overlays_trampoline_lowered:
0x8: {  	[smem:$0x3FAE] =	sst s0  }
0x9: {  	[smem:$0x3FAF] =	sst s1  }
0xa: {  	[smem:$0x3FB0] =	sst s2  }
0xb: {  	[smem:$0x3FB1] =	sst s3  }
0xc: {  	[smem:$0x3FB2] =	sst s4  }
0xd: {  	[smem:$0x3FB3] =	sst s5  }
0xe: {  	[smem:$0x3FB4] =	sst s6  }
0xf: {  	[smem:$0x3FB5] =	sst s7  }
0x10: {  	[smem:$0x3FB6] =	sst s8  }
0x11: {  	[smem:$0x3FB7] =	sst s9;
	s0 =	simm.s32 @!p0 $0x0  }
0x12: {  	s1 =	sld [smem:$0x3F9D];
	s0 =	simm.s32 @p0 $0x1  }
0x13: {  	[smem:$0x3FB8] =	sst s0;
	s0 =	simm.s32 @!p1 $0x0  }
0x14: {  	s2 =	sld [smem:$0x3F9C];
	s0 =	simm.s32 @p1 $0x1  }
0x15: {  	[smem:$0x3FB9] =	sst s0;
	s0 =	simm.s32 @!p2 $0x0  }
0x16: {  	s3 =	sld [smem:$0x3FDB];
	s0 =	simm.s32 @p2 $0x1  }
0x17: {  	s4 =	simm.s32 $0x1BF5;
	[smem:$0x3FBB] =	sst s0  }
0x18: {  	s0 =	sld [smem:$0x3F9E];
	_ =	swait.ge [sflag:s4], $0x0  }
0x19: {  	s7 =	sld [smem:$0x3F9F]  }
0x1a: {  	s8 =	sadd.s32 $0xFFFFE003, lr  }
0x1b: {  	s9 =	sadd.s32 $0xFFFFFEF7, lr;
	s5 =	simm.s32 $0xFFFFFFFF;
	p2 =	slt.u32 s8, $0xFFFFF086  }
0x1c: {  	p1 =	slt.u32 s9, $0xF7A;
	s5 =	simm.s32 @!p2 $0x0  }
0x1d: {  	s5 =	simm.s32 @p1 $0x1;
	p0 =	seq.s32 s7, s2  }
0x1e: {  	s7 =	smul.u32 @!p0 $0xF7A, s2;
	p2 =	seq.s32 @!p0 s5, $0x0  }
0x1f: {  	s9 =	smul.u32 $0xF7A, s1;
	s8 =	simm.s32 @!p0 $0x1BF5;
	p2 =	por !p2, p0  }
0x20: {  	[sflag:s8] =	ssyncset.s32 @!p0 $0xFFFFF086;
	s6 =	sadd.s32 @!p0 s3, s7;
	s7 =	simm.s32 @!p0 $0x108  }
0x21: {  	s3 =	sadd.s32 s3, s9;
	s6 =	sadd.s32 @!p0 $0x88, s6;
	s7 =	simm.s32 @p2 $0x1082  }
0x22: {  	[simem:s7], [sflag:s8] =	dma.local @!p0 [hbm:s6], $0xF7A  }
0x23: {  	s9 =	sor.u32 $0xD0000000, s2;
	s6 =	simm.s32 $0x108;
	_ =	swait.ge @!p0 [sflag:s8], $0x0  }
0x24: {  	s3 =	sadd.s32 $0x88, s3;
	s6 =	simm.s32 @!p1 $0x1082;
	[sflag:s4] =	ssyncset.s32 $0xFFFFF086  }
0x25: {  	[simem:s6], [sflag:s4] =	dma.local [hbm:s3], $0xF7A  }
0x26: {  	[smem:$0x3F9F] =	sst s1;
	(tag) =	ssettag s2;
	_ =	strace s9  }
0x27: {  	s1 =	sld [smem:$0x3FAF]  }
0x28: {  	s2 =	sld [smem:$0x3FB0]  }
0x29: {  	s4 =	sld [smem:$0x3FB2]  }
0x2a: {  	p0 =	seq.s32 s5, $0x0;
	s5 =	sld [smem:$0x3FB3]  }
0x2b: {  	s6 =	sld [smem:$0x3FB4]  }
0x2c: {  	s7 =	sld [smem:$0x3FB5]  }
0x2d: {  	s3 =	simm.s32 $0x108;
	s8 =	sld [smem:$0x3FB6]  }
0x2e: {  	s3 =	simm.s32 @!p0 $0x1082;
	s9 =	sld [smem:$0x3FB7]  }
0x2f: {  	lr =	sadd.s32 s0, s3;
	s0 =	sld [smem:$0x3FAE]  }
0x30: {  	s3 =	sld [smem:$0x3FB1]  }
0x31: {  	[smem:$0x3FBA] =	sst s10  }
0x32: {  	s10 =	sld [smem:$0x3FB8];
	_ =	sdelay $0x3  }
0x33: {  	p0 =	seq.s32 s10, $0x1;
	s10 =	sld [smem:$0x3FBA];
	_ =	sdelay $0x3  }
0x34: {  	[smem:$0x3FBA] =	sst s10  }
0x35: {  	s10 =	sld [smem:$0x3FB9];
	_ =	sdelay $0x3  }
0x36: {  	p1 =	seq.s32 s10, $0x1;
	s10 =	sld [smem:$0x3FBA];
	_ =	sdelay $0x3  }
0x37: {  	[smem:$0x3FBA] =	sst s10  }
0x38: {  	s10 =	sld [smem:$0x3FBB]  }
0x39: {  	_ = 	snop;
	(pc) =	sbr.ind lr, $3  }
0x3a: {  	_ = 	snop  }
0x3b: {  	_ = 	snop  }
0x3c: {  	p2 =	seq.s32 s10, $0x1;
	s10 =	sld [smem:$0x3FBA]  }
0x3d: {  	_ =	shalt  }
0x3e: {  	_ =	shalt  }
0x3f: {  	_ =	shalt  }
0x40: {  	_ =	shalt  }
0x41: {  	_ =	shalt  }
0x42: {  	_ =	shalt  }
0x43: {  	_ =	shalt  }
0x44: {  	_ =	shalt  }
0x45: {  	_ =	shalt  }
0x46: {  	_ =	shalt  }
0x47: {  	_ =	shalt  }
0x48: {  	_ =	shalt  }
0x49: {  	_ =	shalt  }
0x4a: {  	_ =	shalt  }
0x4b: {  	_ =	shalt  }
0x4c: {  	_ =	shalt  }
0x4d: {  	_ =	shalt  }
0x4e: {  	_ =	shalt  }
0x4f: {  	_ =	shalt  }
0x50: {  	_ =	shalt  }
0x51: {  	_ =	shalt  }
0x52: {  	_ =	shalt  }
0x53: {  	_ =	shalt  }
0x54: {  	_ =	shalt  }
0x55: {  	_ =	shalt  }
0x56: {  	_ =	shalt  }
0x57: {  	_ =	shalt  }
0x58: {  	_ =	shalt  }
0x59: {  	_ =	shalt  }
0x5a: {  	_ =	shalt  }
0x5b: {  	_ =	shalt  }
0x5c: {  	_ =	shalt  }
0x5d: {  	_ =	shalt  }
0x5e: {  	_ =	shalt  }
0x5f: {  	_ =	shalt  }
0x60: {  	_ =	shalt  }
0x61: {  	_ =	shalt  }
0x62: {  	_ =	shalt  }
0x63: {  	_ =	shalt  }
0x64: {  	_ =	shalt  }
0x65: {  	_ =	shalt  }
0x66: {  	_ =	shalt  }
0x67: {  	_ =	shalt  }
0x68: {  	_ =	shalt  }
0x69: {  	_ =	shalt  }
0x6a: {  	_ =	shalt  }
0x6b: {  	_ =	shalt  }
0x6c: {  	_ =	shalt  }
0x6d: {  	_ =	shalt  }
0x6e: {  	_ =	shalt  }
0x6f: {  	_ =	shalt  }
0x70: {  	_ =	shalt  }
0x71: {  	_ =	shalt  }
0x72: {  	_ =	shalt  }
0x73: {  	_ =	shalt  }
0x74: {  	_ =	shalt  }
0x75: {  	_ =	shalt  }
0x76: {  	_ =	shalt  }
0x77: {  	_ =	shalt  }
0x78: {  	_ =	shalt  }
0x79: {  	_ =	shalt  }
0x7a: {  	_ =	shalt  }
0x7b: {  	_ =	shalt  }
0x7c: {  	_ =	shalt  }
0x7d: {  	_ =	shalt  }
0x7e: {  	_ =	shalt  }
0x7f: {  	_ =	shalt  }
0x80: {  	_ =	shalt  }
0x81: {  	_ =	shalt  }
0x82: {  	_ =	shalt  }
0x83: {  	_ =	shalt  }
0x84: {  	_ =	shalt  }
0x85: {  	_ =	shalt  }
0x86: {  	_ =	shalt  }
0x87: {  	_ =	shalt  }
.Lfunc_end0:
.L_simem_size_0:
called_computation_lowered:
.L_overlay_start_0:
0x88: {  	s2 =	sld [smem:$0x3FD9]  }
0x89: {  	s3 =	sld [smem:$0x3FFE];
	_ =	sdelay $0x1  }
0x8a: {  	s1 =	srdreg.scid  }
0x8b: {  	s0 =	sand.u32 $0x1, s1  }
0x8c: {  	s17 =	sshll.u32 s0, $0xA;
	s2 =	sadd.s32 s3, s2  }
0x8d: {  	s2 =	sadd.s32 s2, s17  }
0x8e: {  	[smem:$0x3FC6] =	sst s2  }
0x8f: {  	_ = 	snop  }
0x90: {  	s2 =	sld [smem:$0x3FD0];
	(tm) =	ssettm $0x1  }
0x91: {  	s18 =	sld [smem:$0x3FFB];
	_ =	sdelay $0x3  }
0x92: {  	_ =	strace s18  }
0x93: {  	s3 =	sld [smem:$0x3FFC];
	_ =	sdelay $0x3  }
0x94: {  	_ =	strace s3  }
0x95: {  	s3 =	sld [smem:$0x3FFD];
	_ =	sdelay $0x3  }
0x96: {  	_ =	strace s3  }
0x97: {  	_ =	strace $0x8FFFFFFF  }
0x98: {  	s19 =	sld [smem:$0x3FDB];
	_ =	sdelay $0x1  }
0x99: {  	s4 =	simm.s32 $_scs_section_size  }
0x9a: {  	s5 =	simm.s32 $_size__tile_overlayer_lowered;
	s6 =	simm.s32 $_tile_overlayer_lowered  }
0x9b: {  	s22 =	simm.s32 $0x1BFF;
	s21 =	sshll.u32 s6, $0x1;
	s3 =	sadd.s32 s4, s19  }
0x9c: {  	s7 =	simm.s32 $0x0;
	s20 =	sshll.u32 s5, $0x1;
	s5 =	sadd.s32 s21, s3  }
0x9d: {  	[timem:s7], [sflag:s22] =	dma.local [hbm:s5], s20  }
0x9e: {  	_ =	swait.ge [sflag:s22], s20  }
0x9f: {  	s4 =	ssub.s32 $0x0, s20;
	[sflag:s22] =	ssyncset.done $0x0  }
0xa0: {  	[sflag:s22] =	ssyncadd.s32 s4;
	_ =	sdelay $0x1  }
0xa1: {  	s23 =	simm.s32 $0x1B8B  }
0xa2: {  	_ =	swait.ge [sflag:s23], $0x1  }
0xa3: {  	[sflag:s23] =	ssyncset.done $0x0  }
0xa4: {  	s25 =	simm.s32 $0x1B8E;
	s24 =	sld [smem:$0x3FFE];
	[sflag:s23] =	ssyncadd.s32 $0xFFFFFFFF  }
0xa5: {  	s26 =	simm.s32 $execute0_lowered;
	[smem:$0x3FD2] =	sst s25  }
0xa6: {  	s5 =	sshll.u32 s26, $0x1;
	_ =	strace $0x80000046;
	[dreg:$0x1] =	wrdreg $0xFFFFFFFF  }
0xa7: {  	s28 =	simm.s32 $_size_execute0_lowered;
	s3 =	sadd.s32 s3, s5;
	[dreg:$0x0] =	wrdreg $0x0  }
0xa8: {  	s5 =	sshll.u32 s28, $0x1;
	[dreg:$0x2] =	wrdreg s3  }
0xa9: {  	[dreg:$0x3] =	wrdreg s5  }
0xaa: {  	[dreg:$0x4] =	wrdreg $0xC0  }
0xab: {  	_ =	task [dreg:s7], $0x5FFFF  }
0xac: {  	[dreg:$0x1] =	wrdreg $0xFFFFFFFF  }
0xad: {  	[dreg:$0x0] =	wrdreg $0x60  }
0xae: {  	[dreg:$0x2] =	wrdreg s24  }
0xaf: {  	[dreg:$0x3] =	wrdreg s2  }
0xb0: {  	[dreg:$0x4] =	wrdreg $0x9  }
0xb1: {  	_ =	task.clear_ibuf [dreg:s7], $0x5FFFF;
	_ =	strace $0x90000046  }
0xb2: {  	s29 =	simm.s32 $0x9;
	_ =	strace $0x80000048  }
0xb3: {  	_ =	swait.ge [sflag:s29], $0x1  }
0xb4: {  	[sflag:s29] =	ssyncadd.s32 $0xFFFFFFFF  }
0xb5: {  	_ =	strace $0x90000048  }
0xb6: {  	_ =	sfence  }
0xb7: {  	s30 =	sld [smem:$0x0];
	_ =	sdelay $0x2  }
0xb8: {  	s31 =	sshll.u32 s1, $0xD;
	s1 =	sshrl.u32 s1, $0x2  }
0xb9: {  	s3 =	sand.u32 $0x4000, s31;
	s1 =	sadd.s32 s1, s30  }
0xba: {  	s0 =	sor.u32 s3, s0;
	s1 =	sshll.u32 s1, $0x11  }
0xbb: {  	s0 =	sor.u32 s1, s0  }
0xbc: {  	s0 =	sadd.s32 $0x8F2B, s0  }
0xbd: {  	[sflag:s0] =	ssyncadd.remote.s32 $0x1  }
0xbe: {  	_ =	sfence.sel $0xFFFF  }
0xbf: {  	[dreg:$0x0] =	wrdreg $0xFFFFFFFF;
	(pc) =	sbr.abs _section_cstart, $3  }
0xc0: {  	[dreg:$0x1] =	wrdreg $0xFFFFFFFF  }
0xc1: {  	_ =	task.clear_ibuf [dreg:s7], $0x2FFFF;
	_ =	strace $0x9FFFFFFF  }
0xc2: {  	(tm) =	ssettm $0x7FFFFFFF  }
0xc3: {  	_ =	shalt  }
tec
execute0_lowered:
.L_overlay_start_1:
0x0: {  	(tag) =	ssettag $0x1  }
0x1: {  	s0 =	srdreg.scid;
	s1 =	rddreg [dreg:$0x0]  }
0x2: {  	s2 =	stileid.u32;
	s5 =	rddreg [dreg:$0x1];
	s8 =	simm.s32 $0x68  }
0x3: {  	s9 =	simm.s32 $0x6400;
	s10 =	simm.s32 $0x60;
	s11 =	simm.s32 $0x7E00  }
0x4: {  	s13 =	simm.s32 $0x9600;
	s15 =	simm.s32 $0xB000;
	s28 =	simm.s32 $0x14600  }
0x5: {  	s29 =	simm.s32 $0x3E8;
	s30 =	simm.s32 $0x15E00;
	s31 =	simm.s32 $0x450  }
0x6: {  	s12 =	simm.s32 $0x2;
	s14 =	simm.s32 $0x3;
	s16 =	simm.s32 $0x4  }
0x7: {  	s17 =	simm.s32 $0x5;
	s18 =	simm.s32 $0x6;
	s0 =	sand.u32 $0x1, s0  }
0x8: {  	s19 =	simm.s32 $0x19000;
	s2 =	sshll.u32 s2, $0x8;
	s3 =	sshll.u32 s0, $0x7  }
0x9: {  	s20 =	simm.s32 $0x0;
	s0 =	ssub.s32 $0x2, s0;
	s4 =	sor.u32 s3, s2  }
0xa: {  	s2 =	simm.s32 $0x0;
	s7 =	sshrl.u32 s0, $0x1;
	s3 =	smul.u32 $0x19, s4  }
0xb: {  	[smem:$0x7FF] =	sst s2;
	s0 =	ssub.s32 s0, s7;
	s26 =	sshll.u32 s4, $0x3  }
0xc: {  	s7 =	simm.s32 $0x7;
	_ =	strace $0x80000047;
	s5 =	sadd.s32 s5, s26  }
0xd: {  	s6 =	sadd.s32 s3, s1;
	s3 =	sadd.s32 $0xF42A00, s1;
	s1 =	simm.s32 $0x17800  }
0xe: {  	s4 =	sadd.s32 $0x600, s6;
	s6 =	smax.u32 s0, $0x1;
	s0 =	simm.s32 $0x1  }
.LBB2_1:
0xf: {  	[tilespmem:s2], [sflag:$0x7] =	stream.linear.gather [hbm4b:s4+s2], $0x6400, $0x38;
	[tilespmem:$0x1B000] =	vst v63  }
0x10: {  	_ =	swait.ge [sflag:s7], $0x6400  }
0x11: {  	[sflag:s7] =	ssyncset.done $0x0  }
0x12: {  	[sflag:s7] =	ssyncadd.s32 $0xFFFF9C00  }
0x13: {  	[tilespmem:s9], [sflag:$0x1] =	stream.indirect.gather [hbm4b:s3+s8], $0x40, s2, s8, $0xb8;
	[tilespmem:$0x1B000] =	vst v63  }
0x14: {  	_ = 	snop  }
0x15: {  	[tilespmem:s11], [sflag:$0x1] =	stream.indirect.gather [hbm4b:s3+s10], $0x40, s8, s10, $0xb8;
	[tilespmem:$0x1B000] =	vst v63  }
0x16: {  	s21 =	simm.s32 $0xC8  }
0x17: {  	[tilespmem:s13], [sflag:$0x2] =	stream.indirect.gather [hbm4b:s3+s8], $0x40, s21, s8, $0xb8;
	[tilespmem:$0x1B000] =	vst v63  }
0x18: {  	s25 =	simm.s32 $0x130  }
0x19: {  	[tilespmem:s15], [sflag:$0x2] =	stream.indirect.gather [hbm4b:s3+s10], $0x40, s25, s10, $0xb8;
	[tilespmem:$0x1B000] =	vst v63  }
0x1a: {  	s26 =	simm.s32 $0x190;
	s22 =	simm.s32 $0xC800  }
0x1b: {  	[tilespmem:s22], [sflag:$0x3] =	stream.indirect.gather [hbm4b:s3+s8], $0x40, s26, s8, $0xb8;
	[tilespmem:$0x1B000] =	vst v63  }
0x1c: {  	s23 =	simm.s32 $0x1F8;
	s24 =	simm.s32 $0xE200  }
0x1d: {  	[tilespmem:s24], [sflag:$0x3] =	stream.indirect.gather [hbm4b:s3+s10], $0x40, s23, s10, $0xb8;
	[tilespmem:$0x1B000] =	vst v63  }
0x1e: {  	s25 =	simm.s32 $0x258;
	s26 =	simm.s32 $0xFA00  }
0x1f: {  	[tilespmem:s26], [sflag:$0x4] =	stream.indirect.gather [hbm4b:s3+s8], $0x40, s25, s8, $0xb8;
	[tilespmem:$0x1B000] =	vst v63  }
0x20: {  	s22 =	simm.s32 $0x2C0;
	s23 =	simm.s32 $0x11400  }
0x21: {  	[tilespmem:s23], [sflag:$0x4] =	stream.indirect.gather [hbm4b:s3+s10], $0x40, s22, s10, $0xb8;
	[tilespmem:$0x1B000] =	vst v63  }
0x22: {  	s24 =	simm.s32 $0x320;
	s25 =	simm.s32 $0x12C00  }
0x23: {  	[tilespmem:s25], [sflag:$0x5] =	stream.indirect.gather [hbm4b:s3+s8], $0x40, s24, s8, $0xb8;
	[tilespmem:$0x1B000] =	vst v63  }
0x24: {  	s26 =	simm.s32 $0x388  }
0x25: {  	[tilespmem:s28], [sflag:$0x5] =	stream.indirect.gather [hbm4b:s3+s10], $0x40, s26, s10, $0xb8;
	[tilespmem:$0x1B000] =	vst v63  }
0x26: {  	_ = 	snop  }
0x27: {  	[tilespmem:s30], [sflag:$0x6] =	stream.indirect.gather [hbm4b:s3+s8], $0x40, s29, s8, $0xb8;
	[tilespmem:$0x1B000] =	vst v63  }
0x28: {  	s21 =	simm.s32 $0x0  }
0x29: {  	[tilespmem:s1], [sflag:$0x6] =	stream.indirect.gather [hbm4b:s3+s10], $0x40, s31, s10, $0xb8;
	[tilespmem:$0x1B000] =	vst v63  }
.LBB2_2:
0x2a: {  	_ =	swait.ge [sflag:s0], $0x3200  }
0x2b: {  	[sflag:s0] =	ssyncset.done $0x0  }
0x2c: {  	s22 =	simm.s32 $0x0;
	[sflag:s0] =	ssyncadd.s32 $0xFFFFCE00  }
0x2d: {  	v3 =	vld [tilespmem:s22+$0x6580]  }
0x2e: {  	v4 =	vld [tilespmem:s22+$0x6590]  }
0x2f: {  	v5 =	vld [tilespmem:s22+$0x65A0]  }
0x30: {  	v6 =	vld [tilespmem:s22+$0x65B0]  }
0x31: {  	v0 =	vld [tilespmem:s22+$0x65C0]  }
0x32: {  	v1 =	vld [tilespmem:s22+$0x65D0]  }
0x33: {  	v13 =	vld [tilespmem:s22+$0x6500]  }
0x34: {  	v15 =	vld [tilespmem:s22+$0x6510]  }
0x35: {  	v12 =	vld [tilespmem:s22+$0x6520]  }
0x36: {  	v14 =	vld [tilespmem:s22+$0x6530]  }
0x37: {  	v2 =	vld [tilespmem:s22+$0x6540]  }
0x38: {  	v9 =	vld [tilespmem:s22+$0x6480]  }
0x39: {  	v10 =	vld [tilespmem:s22+$0x6490]  }
0x3a: {  	v11 =	vld [tilespmem:s22+$0x6400]  }
0x3b: {  	v17 =	vld [tilespmem:s22+$0x6410]  }
0x3c: {  	v18 =	vld [tilespmem:s22+$0x6420]  }
0x3d: {  	v19 =	vld [tilespmem:s22+$0x6430]  }
0x3e: {  	v20 =	vld [tilespmem:s22+$0x64A0]  }
0x3f: {  	v24 =	vld [tilespmem:s22+$0x64B0]  }
0x40: {  	v8 =	vimm.f32 $0.0e+00;
	v7 =	vld [tilespmem:s22+$0x6550]  }
0x41: {  	v16 =	vld [tilespmem:s22+$0x64C0];
	v11 =	vadd.f32 v11, v8;
	v22 =	vadd.f32 v17, v8  }
0x42: {  	v17 =	vld [tilespmem:s22+$0x64D0];
	v23 =	vadd.f32 v18, v8;
	v25 =	vadd.f32 v19, v8  }
0x43: {  	v18 =	vld [tilespmem:s22+$0x6440];
	v21 =	vadd.f32 v9, v11;
	v22 =	vadd.f32 v10, v22  }
0x44: {  	v19 =	vld [tilespmem:s22+$0x6450];
	v23 =	vadd.f32 v20, v23;
	v24 =	vadd.f32 v24, v25  }
0x45: {  	s23 =	simm.s32 $0x800;
	v20 =	vld [tilespmem:s22+$0x6460];
	v11 =	vimm.f32 $0.0e+00;
	v10 =	vimm.f32 $0.0e+00;
	v9 =	vimm.f32 $0.0e+00  }
.LBB2_3:
0x46: {  	p0 =	sne.s32 s23, $0xC000;
	v25 =	vld [tilespmem:s22+$0x6470];
	v13 =	vadd.f32 v13, v21;
	v15 =	vadd.f32 v15, v22  }
0x47: {  	v21 =	vld [tilespmem:s22+$0x64E0];
	v12 =	vadd.f32 v12, v23;
	v14 =	vadd.f32 v14, v24  }
0x48: {  	v22 =	vld [tilespmem:s22+$0x64F0];
	v23 =	vadd.f32 v3, v13;
	v24 =	vadd.f32 v4, v15  }
0x49: {  	v13 =	vld [tilespmem:s22+$0x6560];
	v26 =	vadd.f32 v5, v12;
	v27 =	vadd.f32 v6, v14  }
0x4a: {  	v3 =	vadd.f32 v18, v8;
	v4 =	vadd.f32 v19, v11;
	v6 =	vld [tilespmem:s22+$0x6570]  }
0x4b: {  	v5 =	vadd.f32 v20, v10;
	v8 =	vadd.f32 v25, v9;
	v9 =	vld [tilespmem:s22+$0x65E0]  }
0x4c: {  	v10 =	vadd.f32 v16, v3;
	v11 =	vadd.f32 v17, v4;
	v12 =	vld [tilespmem:s22+$0x65F0];
	s22 =	sshra.s32 s23, $0x2  }
0x4d: {  	v14 =	vadd.f32 v21, v5;
	v3 =	vld [tilespmem:s22+$0x6580];
	v8 =	vadd.f32 v22, v8  }
0x4e: {  	v2 =	vadd.f32 v2, v10;
	v7 =	vadd.f32 v7, v11;
	v4 =	vld [tilespmem:s22+$0x6590]  }
0x4f: {  	v10 =	vadd.f32 v13, v14;
	v5 =	vld [tilespmem:s22+$0x65A0];
	v13 =	vadd.f32 v6, v8  }
0x50: {  	v8 =	vadd.f32 v0, v2;
	v11 =	vadd.f32 v1, v7;
	v6 =	vld [tilespmem:s22+$0x65B0]  }
0x51: {  	v10 =	vadd.f32 v9, v10;
	v0 =	vld [tilespmem:s22+$0x65C0];
	v9 =	vadd.f32 v12, v13  }
0x52: {  	v1 =	vld [tilespmem:s22+$0x65D0]  }
0x53: {  	v13 =	vld [tilespmem:s22+$0x6500]  }
0x54: {  	v15 =	vld [tilespmem:s22+$0x6510]  }
0x55: {  	v12 =	vld [tilespmem:s22+$0x6520]  }
0x56: {  	v14 =	vld [tilespmem:s22+$0x6530]  }
0x57: {  	v2 =	vld [tilespmem:s22+$0x6540]  }
0x58: {  	v7 =	vld [tilespmem:s22+$0x6550]  }
0x59: {  	v20 =	vld [tilespmem:s22+$0x6480]  }
0x5a: {  	v22 =	vld [tilespmem:s22+$0x6490]  }
0x5b: {  	v17 =	vld [tilespmem:s22+$0x6400]  }
0x5c: {  	v18 =	vld [tilespmem:s22+$0x6410]  }
0x5d: {  	v19 =	vld [tilespmem:s22+$0x6420]  }
0x5e: {  	v21 =	vld [tilespmem:s22+$0x6430]  }
0x5f: {  	v25 =	vld [tilespmem:s22+$0x64A0]  }
0x60: {  	v28 =	vld [tilespmem:s22+$0x64B0]  }
.Ltmp0:
0x61: {  	v16 =	vld [tilespmem:s22+$0x64C0];
	(pc) =	sbr.rel @p0 .LBB2_3-.Ltmp0, $4  }
0x62: {  	v23 =	vadd.f32 v17, v23;
	v24 =	vadd.f32 v18, v24;
	v17 =	vld [tilespmem:s22+$0x64D0]  }
0x63: {  	v26 =	vadd.f32 v19, v26;
	v27 =	vadd.f32 v21, v27;
	v18 =	vld [tilespmem:s22+$0x6440]  }
0x64: {  	v21 =	vadd.f32 v20, v23;
	v22 =	vadd.f32 v22, v24;
	v19 =	vld [tilespmem:s22+$0x6450]  }
0x65: {  	s23 =	sadd.s32 $0x800, s23;
	v23 =	vadd.f32 v25, v26;
	v20 =	vld [tilespmem:s22+$0x6460];
	v24 =	vadd.f32 v28, v27  }
0x66: {  	v13 =	vadd.f32 v13, v21;
	v15 =	vadd.f32 v15, v22  }
0x67: {  	v21 =	vld [tilespmem:s22+$0x6470];
	v12 =	vadd.f32 v12, v23;
	v14 =	vadd.f32 v14, v24  }
0x68: {  	v22 =	vld [tilespmem:s22+$0x64E0];
	v3 =	vadd.f32 v3, v13;
	v4 =	vadd.f32 v4, v15  }
0x69: {  	v13 =	vld [tilespmem:s22+$0x64F0];
	v8 =	vadd.f32 v18, v8;
	v5 =	vadd.f32 v5, v12  }
0x6a: {  	v12 =	vld [tilespmem:s22+$0x6560];
	v6 =	vadd.f32 v6, v14;
	v11 =	vadd.f32 v19, v11  }
0x6b: {  	v14 =	vld [tilespmem:s22+$0x6570];
	v10 =	vadd.f32 v20, v10;
	v8 =	vadd.f32 v16, v8  }
0x6c: {  	v15 =	vld [tilespmem:s22+$0x65E0];
	v9 =	vadd.f32 v21, v9;
	v11 =	vadd.f32 v17, v11  }
0x6d: {  	v16 =	vld [tilespmem:s22+$0x65F0];
	v10 =	vadd.f32 v22, v10;
	v2 =	vadd.f32 v2, v8  }
0x6e: {  	v8 =	vadd.f32 v13, v9;
	v7 =	vadd.f32 v7, v11  }
0x6f: {  	v9 =	vadd.f32 v12, v10;
	v0 =	vadd.f32 v0, v2  }
0x70: {  	v2 =	vadd.f32 v14, v8;
	v1 =	vadd.f32 v1, v7  }
0x71: {  	v7 =	vadd.f32 v15, v9;
	v0 =	vadd.f32 v0, v3  }
0x72: {  	s25 =	smul.u32 $0x600, s21;
	v2 =	vadd.f32 v16, v2;
	v1 =	vadd.f32 v1, v4  }
0x73: {  	v0 =	vmul.f32 $4.999999890e-03, v0;
	v3 =	vadd.f32 v7, v5  }
0x74: {  	s22 =	sshra.s32 s25, $0x2;
	v1 =	vmul.f32 $4.999999890e-03, v1;
	v2 =	vadd.f32 v2, v6  }
0x75: {  	s23 =	smul.u32 $0x12C0, s21;
	[tilespmem:s22+$0x19000] =	vst v0;
	v0 =	vmul.f32 $4.999999890e-03, v3  }
0x76: {  	[tilespmem:s22+$0x19010] =	vst v1;
	v1 =	vmul.f32 $4.999999890e-03, v2  }
0x77: {  	s23 =	sshra.s32 s23, $0x2;
	[tilespmem:s22+$0x19020] =	vst v0  }
0x78: {  	s24 =	sadd.s32 $0x4B0, s23;
	[tilespmem:s22+$0x19030] =	vst v1  }
0x79: {  	[tilespmem:s9], [sflag:$0x1] =	stream.indirect.gather [hbm4b:s3+s8], $0x40, s24, s8, $0xb8;
	[tilespmem:$0x1B000] =	vst v63  }
0x7a: {  	s26 =	sadd.s32 $0x518, s23  }
0x7b: {  	[tilespmem:s11], [sflag:$0x1] =	stream.indirect.gather [hbm4b:s3+s10], $0x40, s26, s10, $0xb8;
	[tilespmem:$0x1B000] =	vst v63  }
0x7c: {  	_ =	swait.ge [sflag:s12], $0x3200  }
0x7d: {  	[sflag:s12] =	ssyncset.done $0x0  }
0x7e: {  	s24 =	simm.s32 $0x0;
	[sflag:s12] =	ssyncadd.s32 $0xFFFFCE00  }
0x7f: {  	v3 =	vld [tilespmem:s24+$0x9780]  }
0x80: {  	v4 =	vld [tilespmem:s24+$0x9790]  }
0x81: {  	v5 =	vld [tilespmem:s24+$0x97A0]  }
0x82: {  	v6 =	vld [tilespmem:s24+$0x97B0]  }
0x83: {  	v0 =	vld [tilespmem:s24+$0x97C0]  }
0x84: {  	v1 =	vld [tilespmem:s24+$0x97D0]  }
0x85: {  	v13 =	vld [tilespmem:s24+$0x9700]  }
0x86: {  	v15 =	vld [tilespmem:s24+$0x9710]  }
0x87: {  	v12 =	vld [tilespmem:s24+$0x9720]  }
0x88: {  	v14 =	vld [tilespmem:s24+$0x9730]  }
0x89: {  	v2 =	vld [tilespmem:s24+$0x9740]  }
0x8a: {  	v9 =	vld [tilespmem:s24+$0x9680]  }
0x8b: {  	v10 =	vld [tilespmem:s24+$0x9690]  }
0x8c: {  	v11 =	vld [tilespmem:s24+$0x9600]  }
0x8d: {  	v17 =	vld [tilespmem:s24+$0x9610]  }
0x8e: {  	v18 =	vld [tilespmem:s24+$0x9620]  }
0x8f: {  	v19 =	vld [tilespmem:s24+$0x9630]  }
0x90: {  	v20 =	vld [tilespmem:s24+$0x96A0]  }
0x91: {  	v24 =	vld [tilespmem:s24+$0x96B0]  }
0x92: {  	v8 =	vimm.f32 $0.0e+00;
	v7 =	vld [tilespmem:s24+$0x9750]  }
0x93: {  	v16 =	vld [tilespmem:s24+$0x96C0];
	v11 =	vadd.f32 v11, v8;
	v22 =	vadd.f32 v17, v8  }
0x94: {  	v17 =	vld [tilespmem:s24+$0x96D0];
	v23 =	vadd.f32 v18, v8;
	v25 =	vadd.f32 v19, v8  }
0x95: {  	v18 =	vld [tilespmem:s24+$0x9640];
	v21 =	vadd.f32 v9, v11;
	v22 =	vadd.f32 v10, v22  }
0x96: {  	v19 =	vld [tilespmem:s24+$0x9650];
	v23 =	vadd.f32 v20, v23;
	v24 =	vadd.f32 v24, v25  }
0x97: {  	s25 =	simm.s32 $0x800;
	v20 =	vld [tilespmem:s24+$0x9660];
	v11 =	vimm.f32 $0.0e+00;
	v10 =	vimm.f32 $0.0e+00;
	v9 =	vimm.f32 $0.0e+00  }
.LBB2_5:
0x98: {  	p0 =	sne.s32 s25, $0xC000;
	v25 =	vld [tilespmem:s24+$0x9670];
	v13 =	vadd.f32 v13, v21;
	v15 =	vadd.f32 v15, v22  }
0x99: {  	v21 =	vld [tilespmem:s24+$0x96E0];
	v12 =	vadd.f32 v12, v23;
	v14 =	vadd.f32 v14, v24  }
0x9a: {  	v22 =	vld [tilespmem:s24+$0x96F0];
	v23 =	vadd.f32 v3, v13;
	v24 =	vadd.f32 v4, v15  }
0x9b: {  	v13 =	vld [tilespmem:s24+$0x9760];
	v26 =	vadd.f32 v5, v12;
	v27 =	vadd.f32 v6, v14  }
0x9c: {  	v3 =	vadd.f32 v18, v8;
	v4 =	vadd.f32 v19, v11;
	v6 =	vld [tilespmem:s24+$0x9770]  }
0x9d: {  	v5 =	vadd.f32 v20, v10;
	v8 =	vadd.f32 v25, v9;
	v9 =	vld [tilespmem:s24+$0x97E0]  }
0x9e: {  	v10 =	vadd.f32 v16, v3;
	v11 =	vadd.f32 v17, v4;
	v12 =	vld [tilespmem:s24+$0x97F0];
	s24 =	sshra.s32 s25, $0x2  }
0x9f: {  	v14 =	vadd.f32 v21, v5;
	v3 =	vld [tilespmem:s24+$0x9780];
	v8 =	vadd.f32 v22, v8  }
0xa0: {  	v2 =	vadd.f32 v2, v10;
	v7 =	vadd.f32 v7, v11;
	v4 =	vld [tilespmem:s24+$0x9790]  }
0xa1: {  	v10 =	vadd.f32 v13, v14;
	v5 =	vld [tilespmem:s24+$0x97A0];
	v13 =	vadd.f32 v6, v8  }
0xa2: {  	v8 =	vadd.f32 v0, v2;
	v11 =	vadd.f32 v1, v7;
	v6 =	vld [tilespmem:s24+$0x97B0]  }
0xa3: {  	v10 =	vadd.f32 v9, v10;
	v0 =	vld [tilespmem:s24+$0x97C0];
	v9 =	vadd.f32 v12, v13  }
0xa4: {  	v1 =	vld [tilespmem:s24+$0x97D0]  }
0xa5: {  	v13 =	vld [tilespmem:s24+$0x9700]  }
0xa6: {  	v15 =	vld [tilespmem:s24+$0x9710]  }
0xa7: {  	v12 =	vld [tilespmem:s24+$0x9720]  }
0xa8: {  	v14 =	vld [tilespmem:s24+$0x9730]  }
0xa9: {  	v2 =	vld [tilespmem:s24+$0x9740]  }
0xaa: {  	v7 =	vld [tilespmem:s24+$0x9750]  }
0xab: {  	v20 =	vld [tilespmem:s24+$0x9680]  }
0xac: {  	v22 =	vld [tilespmem:s24+$0x9690]  }
0xad: {  	v17 =	vld [tilespmem:s24+$0x9600]  }
0xae: {  	v18 =	vld [tilespmem:s24+$0x9610]  }
0xaf: {  	v19 =	vld [tilespmem:s24+$0x9620]  }
0xb0: {  	v21 =	vld [tilespmem:s24+$0x9630]  }
0xb1: {  	v25 =	vld [tilespmem:s24+$0x96A0]  }
0xb2: {  	v28 =	vld [tilespmem:s24+$0x96B0]  }
.Ltmp1:
0xb3: {  	v16 =	vld [tilespmem:s24+$0x96C0];
	(pc) =	sbr.rel @p0 .LBB2_5-.Ltmp1, $4  }
0xb4: {  	v23 =	vadd.f32 v17, v23;
	v24 =	vadd.f32 v18, v24;
	v17 =	vld [tilespmem:s24+$0x96D0]  }
0xb5: {  	v26 =	vadd.f32 v19, v26;
	v27 =	vadd.f32 v21, v27;
	v18 =	vld [tilespmem:s24+$0x9640]  }
0xb6: {  	v21 =	vadd.f32 v20, v23;
	v22 =	vadd.f32 v22, v24;
	v19 =	vld [tilespmem:s24+$0x9650]  }
0xb7: {  	s25 =	sadd.s32 $0x800, s25;
	v23 =	vadd.f32 v25, v26;
	v20 =	vld [tilespmem:s24+$0x9660];
	v24 =	vadd.f32 v28, v27  }
0xb8: {  	v13 =	vadd.f32 v13, v21;
	v15 =	vadd.f32 v15, v22  }
0xb9: {  	v21 =	vld [tilespmem:s24+$0x9670];
	v12 =	vadd.f32 v12, v23;
	v14 =	vadd.f32 v14, v24  }
0xba: {  	v22 =	vld [tilespmem:s24+$0x96E0];
	v3 =	vadd.f32 v3, v13;
	v4 =	vadd.f32 v4, v15  }
0xbb: {  	v13 =	vld [tilespmem:s24+$0x96F0];
	v8 =	vadd.f32 v18, v8;
	v5 =	vadd.f32 v5, v12  }
0xbc: {  	v12 =	vld [tilespmem:s24+$0x9760];
	v6 =	vadd.f32 v6, v14;
	v11 =	vadd.f32 v19, v11  }
0xbd: {  	v14 =	vld [tilespmem:s24+$0x9770];
	v10 =	vadd.f32 v20, v10;
	v8 =	vadd.f32 v16, v8  }
0xbe: {  	v15 =	vld [tilespmem:s24+$0x97E0];
	v9 =	vadd.f32 v21, v9;
	v11 =	vadd.f32 v17, v11  }
0xbf: {  	v16 =	vld [tilespmem:s24+$0x97F0];
	v10 =	vadd.f32 v22, v10;
	v2 =	vadd.f32 v2, v8  }
0xc0: {  	v8 =	vadd.f32 v13, v9;
	v7 =	vadd.f32 v7, v11  }
0xc1: {  	v9 =	vadd.f32 v12, v10;
	v0 =	vadd.f32 v0, v2  }
0xc2: {  	v2 =	vadd.f32 v14, v8;
	v1 =	vadd.f32 v1, v7  }
0xc3: {  	v7 =	vadd.f32 v15, v9;
	v0 =	vadd.f32 v0, v3  }
0xc4: {  	v2 =	vadd.f32 v16, v2;
	v1 =	vadd.f32 v1, v4  }
0xc5: {  	v0 =	vmul.f32 $4.999999890e-03, v0;
	v3 =	vadd.f32 v7, v5  }
0xc6: {  	v1 =	vmul.f32 $4.999999890e-03, v1;
	v2 =	vadd.f32 v2, v6  }
0xc7: {  	[tilespmem:s22+$0x19040] =	vst v0;
	v0 =	vmul.f32 $4.999999890e-03, v3  }
0xc8: {  	[tilespmem:s22+$0x19050] =	vst v1;
	v1 =	vmul.f32 $4.999999890e-03, v2  }
0xc9: {  	[tilespmem:s22+$0x19060] =	vst v0  }
0xca: {  	s25 =	sadd.s32 $0x578, s23;
	[tilespmem:s22+$0x19070] =	vst v1  }
0xcb: {  	[tilespmem:s13], [sflag:$0x2] =	stream.indirect.gather [hbm4b:s3+s8], $0x40, s25, s8, $0xb8;
	[tilespmem:$0x1B000] =	vst v63  }
0xcc: {  	s26 =	sadd.s32 $0x5E0, s23  }
0xcd: {  	[tilespmem:s15], [sflag:$0x2] =	stream.indirect.gather [hbm4b:s3+s10], $0x40, s26, s10, $0xb8;
	[tilespmem:$0x1B000] =	vst v63  }
0xce: {  	_ =	swait.ge [sflag:s14], $0x3200  }
0xcf: {  	[sflag:s14] =	ssyncset.done $0x0  }
0xd0: {  	s24 =	simm.s32 $0x0;
	[sflag:s14] =	ssyncadd.s32 $0xFFFFCE00  }
0xd1: {  	v3 =	vld [tilespmem:s24+$0xC980]  }
0xd2: {  	v4 =	vld [tilespmem:s24+$0xC990]  }
0xd3: {  	v5 =	vld [tilespmem:s24+$0xC9A0]  }
0xd4: {  	v6 =	vld [tilespmem:s24+$0xC9B0]  }
0xd5: {  	v0 =	vld [tilespmem:s24+$0xC9C0]  }
0xd6: {  	v1 =	vld [tilespmem:s24+$0xC9D0]  }
0xd7: {  	v13 =	vld [tilespmem:s24+$0xC900]  }
0xd8: {  	v15 =	vld [tilespmem:s24+$0xC910]  }
0xd9: {  	v12 =	vld [tilespmem:s24+$0xC920]  }
0xda: {  	v14 =	vld [tilespmem:s24+$0xC930]  }
0xdb: {  	v2 =	vld [tilespmem:s24+$0xC940]  }
0xdc: {  	v9 =	vld [tilespmem:s24+$0xC880]  }
0xdd: {  	v10 =	vld [tilespmem:s24+$0xC890]  }
0xde: {  	v11 =	vld [tilespmem:s24+$0xC800]  }
0xdf: {  	v17 =	vld [tilespmem:s24+$0xC810]  }
0xe0: {  	v18 =	vld [tilespmem:s24+$0xC820]  }
0xe1: {  	v19 =	vld [tilespmem:s24+$0xC830]  }
0xe2: {  	v20 =	vld [tilespmem:s24+$0xC8A0]  }
0xe3: {  	v24 =	vld [tilespmem:s24+$0xC8B0]  }
0xe4: {  	v8 =	vimm.f32 $0.0e+00;
	v7 =	vld [tilespmem:s24+$0xC950]  }
0xe5: {  	v16 =	vld [tilespmem:s24+$0xC8C0];
	v11 =	vadd.f32 v11, v8;
	v22 =	vadd.f32 v17, v8  }
0xe6: {  	v17 =	vld [tilespmem:s24+$0xC8D0];
	v23 =	vadd.f32 v18, v8;
	v25 =	vadd.f32 v19, v8  }
0xe7: {  	v18 =	vld [tilespmem:s24+$0xC840];
	v21 =	vadd.f32 v9, v11;
	v22 =	vadd.f32 v10, v22  }
0xe8: {  	v19 =	vld [tilespmem:s24+$0xC850];
	v23 =	vadd.f32 v20, v23;
	v24 =	vadd.f32 v24, v25  }
0xe9: {  	s25 =	simm.s32 $0x800;
	v20 =	vld [tilespmem:s24+$0xC860];
	v11 =	vimm.f32 $0.0e+00;
	v10 =	vimm.f32 $0.0e+00;
	v9 =	vimm.f32 $0.0e+00  }
.LBB2_7:
0xea: {  	p0 =	sne.s32 s25, $0xC000;
	v25 =	vld [tilespmem:s24+$0xC870];
	v13 =	vadd.f32 v13, v21;
	v15 =	vadd.f32 v15, v22  }
0xeb: {  	v21 =	vld [tilespmem:s24+$0xC8E0];
	v12 =	vadd.f32 v12, v23;
	v14 =	vadd.f32 v14, v24  }
0xec: {  	v22 =	vld [tilespmem:s24+$0xC8F0];
	v23 =	vadd.f32 v3, v13;
	v24 =	vadd.f32 v4, v15  }
0xed: {  	v13 =	vld [tilespmem:s24+$0xC960];
	v26 =	vadd.f32 v5, v12;
	v27 =	vadd.f32 v6, v14  }
0xee: {  	v3 =	vadd.f32 v18, v8;
	v4 =	vadd.f32 v19, v11;
	v6 =	vld [tilespmem:s24+$0xC970]  }
0xef: {  	v5 =	vadd.f32 v20, v10;
	v8 =	vadd.f32 v25, v9;
	v9 =	vld [tilespmem:s24+$0xC9E0]  }
0xf0: {  	v10 =	vadd.f32 v16, v3;
	v11 =	vadd.f32 v17, v4;
	v12 =	vld [tilespmem:s24+$0xC9F0];
	s24 =	sshra.s32 s25, $0x2  }
0xf1: {  	v14 =	vadd.f32 v21, v5;
	v3 =	vld [tilespmem:s24+$0xC980];
	v8 =	vadd.f32 v22, v8  }
0xf2: {  	v2 =	vadd.f32 v2, v10;
	v7 =	vadd.f32 v7, v11;
	v4 =	vld [tilespmem:s24+$0xC990]  }
0xf3: {  	v10 =	vadd.f32 v13, v14;
	v5 =	vld [tilespmem:s24+$0xC9A0];
	v13 =	vadd.f32 v6, v8  }
0xf4: {  	v8 =	vadd.f32 v0, v2;
	v11 =	vadd.f32 v1, v7;
	v6 =	vld [tilespmem:s24+$0xC9B0]  }
0xf5: {  	v10 =	vadd.f32 v9, v10;
	v0 =	vld [tilespmem:s24+$0xC9C0];
	v9 =	vadd.f32 v12, v13  }
0xf6: {  	v1 =	vld [tilespmem:s24+$0xC9D0]  }
0xf7: {  	v13 =	vld [tilespmem:s24+$0xC900]  }
0xf8: {  	v15 =	vld [tilespmem:s24+$0xC910]  }
0xf9: {  	v12 =	vld [tilespmem:s24+$0xC920]  }
0xfa: {  	v14 =	vld [tilespmem:s24+$0xC930]  }
0xfb: {  	v2 =	vld [tilespmem:s24+$0xC940]  }
0xfc: {  	v7 =	vld [tilespmem:s24+$0xC950]  }
0xfd: {  	v20 =	vld [tilespmem:s24+$0xC880]  }
0xfe: {  	v22 =	vld [tilespmem:s24+$0xC890]  }
0xff: {  	v17 =	vld [tilespmem:s24+$0xC800]  }
0x100: {  	v18 =	vld [tilespmem:s24+$0xC810]  }
0x101: {  	v19 =	vld [tilespmem:s24+$0xC820]  }
0x102: {  	v21 =	vld [tilespmem:s24+$0xC830]  }
0x103: {  	v25 =	vld [tilespmem:s24+$0xC8A0]  }
0x104: {  	v28 =	vld [tilespmem:s24+$0xC8B0]  }
.Ltmp2:
0x105: {  	v16 =	vld [tilespmem:s24+$0xC8C0];
	(pc) =	sbr.rel @p0 .LBB2_7-.Ltmp2, $4  }
0x106: {  	v23 =	vadd.f32 v17, v23;
	v24 =	vadd.f32 v18, v24;
	v17 =	vld [tilespmem:s24+$0xC8D0]  }
0x107: {  	v26 =	vadd.f32 v19, v26;
	v27 =	vadd.f32 v21, v27;
	v18 =	vld [tilespmem:s24+$0xC840]  }
0x108: {  	v21 =	vadd.f32 v20, v23;
	v22 =	vadd.f32 v22, v24;
	v19 =	vld [tilespmem:s24+$0xC850]  }
0x109: {  	s25 =	sadd.s32 $0x800, s25;
	v23 =	vadd.f32 v25, v26;
	v20 =	vld [tilespmem:s24+$0xC860];
	v24 =	vadd.f32 v28, v27  }
0x10a: {  	v13 =	vadd.f32 v13, v21;
	v15 =	vadd.f32 v15, v22  }
0x10b: {  	v21 =	vld [tilespmem:s24+$0xC870];
	v12 =	vadd.f32 v12, v23;
	v14 =	vadd.f32 v14, v24  }
0x10c: {  	v22 =	vld [tilespmem:s24+$0xC8E0];
	v3 =	vadd.f32 v3, v13;
	v4 =	vadd.f32 v4, v15  }
0x10d: {  	v13 =	vld [tilespmem:s24+$0xC8F0];
	v8 =	vadd.f32 v18, v8;
	v5 =	vadd.f32 v5, v12  }
0x10e: {  	v12 =	vld [tilespmem:s24+$0xC960];
	v6 =	vadd.f32 v6, v14;
	v11 =	vadd.f32 v19, v11  }
0x10f: {  	v14 =	vld [tilespmem:s24+$0xC970];
	v10 =	vadd.f32 v20, v10;
	v8 =	vadd.f32 v16, v8  }
0x110: {  	v15 =	vld [tilespmem:s24+$0xC9E0];
	v9 =	vadd.f32 v21, v9;
	v11 =	vadd.f32 v17, v11  }
0x111: {  	v16 =	vld [tilespmem:s24+$0xC9F0];
	v10 =	vadd.f32 v22, v10;
	v2 =	vadd.f32 v2, v8  }
0x112: {  	v8 =	vadd.f32 v13, v9;
	v7 =	vadd.f32 v7, v11  }
0x113: {  	v9 =	vadd.f32 v12, v10;
	v0 =	vadd.f32 v0, v2  }
0x114: {  	v2 =	vadd.f32 v14, v8;
	v1 =	vadd.f32 v1, v7  }
0x115: {  	v7 =	vadd.f32 v15, v9;
	v0 =	vadd.f32 v0, v3  }
0x116: {  	v2 =	vadd.f32 v16, v2;
	v1 =	vadd.f32 v1, v4  }
0x117: {  	v0 =	vmul.f32 $4.999999890e-03, v0;
	v3 =	vadd.f32 v7, v5  }
0x118: {  	v1 =	vmul.f32 $4.999999890e-03, v1;
	v2 =	vadd.f32 v2, v6  }
0x119: {  	[tilespmem:s22+$0x19080] =	vst v0;
	v0 =	vmul.f32 $4.999999890e-03, v3  }
0x11a: {  	[tilespmem:s22+$0x19090] =	vst v1;
	v1 =	vmul.f32 $4.999999890e-03, v2  }
0x11b: {  	p0 =	seq.s32 s21, $0x14;
	[tilespmem:s22+$0x190A0] =	vst v0  }
0x11c: {  	s25 =	simm.s32 @!p0 $0x68;
	s26 =	simm.s32 @!p0 $0xC800;
	s24 =	sadd.s32 @!p0 $0x640, s23;
	[tilespmem:s22+$0x190B0] =	vst v1  }
0x11d: {  	[tilespmem:s26], [sflag:$0x3] =	stream.indirect.gather @!p0 [hbm4b:s3+s25], $0x40, s24, s25, $0xb8;
	[tilespmem:$0x1B000] =	vst v63  }
0x11e: {  	s24 =	sadd.s32 @!p0 $0x6A8, s23;
	s25 =	simm.s32 @!p0 $0x60;
	s26 =	simm.s32 @!p0 $0xE200  }
0x11f: {  	[tilespmem:s26], [sflag:$0x3] =	stream.indirect.gather @!p0 [hbm4b:s3+s25], $0x40, s24, s25, $0xb8;
	[tilespmem:$0x1B000] =	vst v63  }
0x120: {  	_ =	swait.ge [sflag:s16], $0x3200  }
0x121: {  	[sflag:s16] =	ssyncset.done $0x0  }
0x122: {  	s24 =	simm.s32 $0x0;
	[sflag:s16] =	ssyncadd.s32 $0xFFFFCE00  }
0x123: {  	v3 =	vld [tilespmem:s24+$0xFB80]  }
0x124: {  	v4 =	vld [tilespmem:s24+$0xFB90]  }
0x125: {  	v5 =	vld [tilespmem:s24+$0xFBA0]  }
0x126: {  	v6 =	vld [tilespmem:s24+$0xFBB0]  }
0x127: {  	v0 =	vld [tilespmem:s24+$0xFBC0]  }
0x128: {  	v1 =	vld [tilespmem:s24+$0xFBD0]  }
0x129: {  	v13 =	vld [tilespmem:s24+$0xFB00]  }
0x12a: {  	v15 =	vld [tilespmem:s24+$0xFB10]  }
0x12b: {  	v12 =	vld [tilespmem:s24+$0xFB20]  }
0x12c: {  	v14 =	vld [tilespmem:s24+$0xFB30]  }
0x12d: {  	v2 =	vld [tilespmem:s24+$0xFB40]  }
0x12e: {  	v9 =	vld [tilespmem:s24+$0xFA80]  }
0x12f: {  	v10 =	vld [tilespmem:s24+$0xFA90]  }
0x130: {  	v11 =	vld [tilespmem:s24+$0xFA00]  }
0x131: {  	v17 =	vld [tilespmem:s24+$0xFA10]  }
0x132: {  	v18 =	vld [tilespmem:s24+$0xFA20]  }
0x133: {  	v19 =	vld [tilespmem:s24+$0xFA30]  }
0x134: {  	v20 =	vld [tilespmem:s24+$0xFAA0]  }
0x135: {  	v24 =	vld [tilespmem:s24+$0xFAB0]  }
0x136: {  	v8 =	vimm.f32 $0.0e+00;
	v7 =	vld [tilespmem:s24+$0xFB50]  }
0x137: {  	v16 =	vld [tilespmem:s24+$0xFAC0];
	v11 =	vadd.f32 v11, v8;
	v22 =	vadd.f32 v17, v8  }
0x138: {  	v17 =	vld [tilespmem:s24+$0xFAD0];
	v23 =	vadd.f32 v18, v8;
	v25 =	vadd.f32 v19, v8  }
0x139: {  	v18 =	vld [tilespmem:s24+$0xFA40];
	v21 =	vadd.f32 v9, v11;
	v22 =	vadd.f32 v10, v22  }
0x13a: {  	v19 =	vld [tilespmem:s24+$0xFA50];
	v23 =	vadd.f32 v20, v23;
	v24 =	vadd.f32 v24, v25  }
0x13b: {  	s25 =	simm.s32 $0x800;
	v20 =	vld [tilespmem:s24+$0xFA60];
	v11 =	vimm.f32 $0.0e+00;
	v10 =	vimm.f32 $0.0e+00;
	v9 =	vimm.f32 $0.0e+00  }
.LBB2_9:
0x13c: {  	p1 =	sne.s32 s25, $0xC000;
	v25 =	vld [tilespmem:s24+$0xFA70];
	v13 =	vadd.f32 v13, v21;
	v15 =	vadd.f32 v15, v22  }
0x13d: {  	v21 =	vld [tilespmem:s24+$0xFAE0];
	v12 =	vadd.f32 v12, v23;
	v14 =	vadd.f32 v14, v24  }
0x13e: {  	v22 =	vld [tilespmem:s24+$0xFAF0];
	v23 =	vadd.f32 v3, v13;
	v24 =	vadd.f32 v4, v15  }
0x13f: {  	v13 =	vld [tilespmem:s24+$0xFB60];
	v26 =	vadd.f32 v5, v12;
	v27 =	vadd.f32 v6, v14  }
0x140: {  	v3 =	vadd.f32 v18, v8;
	v4 =	vadd.f32 v19, v11;
	v6 =	vld [tilespmem:s24+$0xFB70]  }
0x141: {  	v5 =	vadd.f32 v20, v10;
	v8 =	vadd.f32 v25, v9;
	v9 =	vld [tilespmem:s24+$0xFBE0]  }
0x142: {  	v10 =	vadd.f32 v16, v3;
	v11 =	vadd.f32 v17, v4;
	v12 =	vld [tilespmem:s24+$0xFBF0];
	s24 =	sshra.s32 s25, $0x2  }
0x143: {  	v14 =	vadd.f32 v21, v5;
	v3 =	vld [tilespmem:s24+$0xFB80];
	v8 =	vadd.f32 v22, v8  }
0x144: {  	v2 =	vadd.f32 v2, v10;
	v7 =	vadd.f32 v7, v11;
	v4 =	vld [tilespmem:s24+$0xFB90]  }
0x145: {  	v10 =	vadd.f32 v13, v14;
	v5 =	vld [tilespmem:s24+$0xFBA0];
	v13 =	vadd.f32 v6, v8  }
0x146: {  	v8 =	vadd.f32 v0, v2;
	v11 =	vadd.f32 v1, v7;
	v6 =	vld [tilespmem:s24+$0xFBB0]  }
0x147: {  	v10 =	vadd.f32 v9, v10;
	v0 =	vld [tilespmem:s24+$0xFBC0];
	v9 =	vadd.f32 v12, v13  }
0x148: {  	v1 =	vld [tilespmem:s24+$0xFBD0]  }
0x149: {  	v13 =	vld [tilespmem:s24+$0xFB00]  }
0x14a: {  	v15 =	vld [tilespmem:s24+$0xFB10]  }
0x14b: {  	v12 =	vld [tilespmem:s24+$0xFB20]  }
0x14c: {  	v14 =	vld [tilespmem:s24+$0xFB30]  }
0x14d: {  	v2 =	vld [tilespmem:s24+$0xFB40]  }
0x14e: {  	v7 =	vld [tilespmem:s24+$0xFB50]  }
0x14f: {  	v20 =	vld [tilespmem:s24+$0xFA80]  }
0x150: {  	v22 =	vld [tilespmem:s24+$0xFA90]  }
0x151: {  	v17 =	vld [tilespmem:s24+$0xFA00]  }
0x152: {  	v18 =	vld [tilespmem:s24+$0xFA10]  }
0x153: {  	v19 =	vld [tilespmem:s24+$0xFA20]  }
0x154: {  	v21 =	vld [tilespmem:s24+$0xFA30]  }
0x155: {  	v25 =	vld [tilespmem:s24+$0xFAA0]  }
0x156: {  	v28 =	vld [tilespmem:s24+$0xFAB0]  }
.Ltmp3:
0x157: {  	v16 =	vld [tilespmem:s24+$0xFAC0];
	(pc) =	sbr.rel @p1 .LBB2_9-.Ltmp3, $4  }
0x158: {  	v23 =	vadd.f32 v17, v23;
	v24 =	vadd.f32 v18, v24;
	v17 =	vld [tilespmem:s24+$0xFAD0]  }
0x159: {  	v26 =	vadd.f32 v19, v26;
	v27 =	vadd.f32 v21, v27;
	v18 =	vld [tilespmem:s24+$0xFA40]  }
0x15a: {  	v21 =	vadd.f32 v20, v23;
	v22 =	vadd.f32 v22, v24;
	v19 =	vld [tilespmem:s24+$0xFA50]  }
0x15b: {  	s25 =	sadd.s32 $0x800, s25;
	v23 =	vadd.f32 v25, v26;
	v20 =	vld [tilespmem:s24+$0xFA60];
	v24 =	vadd.f32 v28, v27  }
0x15c: {  	v13 =	vadd.f32 v13, v21;
	v15 =	vadd.f32 v15, v22  }
0x15d: {  	v21 =	vld [tilespmem:s24+$0xFA70];
	v12 =	vadd.f32 v12, v23;
	v14 =	vadd.f32 v14, v24  }
0x15e: {  	v22 =	vld [tilespmem:s24+$0xFAE0];
	v3 =	vadd.f32 v3, v13;
	v4 =	vadd.f32 v4, v15  }
0x15f: {  	v13 =	vld [tilespmem:s24+$0xFAF0];
	v8 =	vadd.f32 v18, v8;
	v5 =	vadd.f32 v5, v12  }
0x160: {  	v12 =	vld [tilespmem:s24+$0xFB60];
	v6 =	vadd.f32 v6, v14;
	v11 =	vadd.f32 v19, v11  }
0x161: {  	v14 =	vld [tilespmem:s24+$0xFB70];
	v10 =	vadd.f32 v20, v10;
	v8 =	vadd.f32 v16, v8  }
0x162: {  	v15 =	vld [tilespmem:s24+$0xFBE0];
	v9 =	vadd.f32 v21, v9;
	v11 =	vadd.f32 v17, v11  }
0x163: {  	v16 =	vld [tilespmem:s24+$0xFBF0];
	v10 =	vadd.f32 v22, v10;
	v2 =	vadd.f32 v2, v8  }
0x164: {  	v8 =	vadd.f32 v13, v9;
	v7 =	vadd.f32 v7, v11  }
0x165: {  	v9 =	vadd.f32 v12, v10;
	v0 =	vadd.f32 v0, v2  }
0x166: {  	v2 =	vadd.f32 v14, v8;
	v1 =	vadd.f32 v1, v7  }
0x167: {  	v7 =	vadd.f32 v15, v9;
	v0 =	vadd.f32 v0, v3  }
0x168: {  	v2 =	vadd.f32 v16, v2;
	v1 =	vadd.f32 v1, v4  }
0x169: {  	v0 =	vmul.f32 $4.999999890e-03, v0;
	v3 =	vadd.f32 v7, v5  }
0x16a: {  	v1 =	vmul.f32 $4.999999890e-03, v1;
	v2 =	vadd.f32 v2, v6  }
0x16b: {  	[tilespmem:s22+$0x190C0] =	vst v0;
	v0 =	vmul.f32 $4.999999890e-03, v3  }
0x16c: {  	[tilespmem:s22+$0x190D0] =	vst v1;
	v1 =	vmul.f32 $4.999999890e-03, v2  }
0x16d: {  	[tilespmem:s22+$0x190E0] =	vst v0  }
0x16e: {  	s25 =	simm.s32 @!p0 $0x68;
	s26 =	simm.s32 @!p0 $0xFA00;
	s24 =	sadd.s32 @!p0 $0x708, s23;
	[tilespmem:s22+$0x190F0] =	vst v1  }
0x16f: {  	[tilespmem:s26], [sflag:$0x4] =	stream.indirect.gather @!p0 [hbm4b:s3+s25], $0x40, s24, s25, $0xb8;
	[tilespmem:$0x1B000] =	vst v63  }
0x170: {  	s24 =	sadd.s32 @!p0 $0x770, s23;
	s25 =	simm.s32 @!p0 $0x60;
	s26 =	simm.s32 @!p0 $0x11400  }
0x171: {  	[tilespmem:s26], [sflag:$0x4] =	stream.indirect.gather @!p0 [hbm4b:s3+s25], $0x40, s24, s25, $0xb8;
	[tilespmem:$0x1B000] =	vst v63  }
0x172: {  	_ =	swait.ge [sflag:s17], $0x3200  }
0x173: {  	[sflag:s17] =	ssyncset.done $0x0  }
0x174: {  	s24 =	simm.s32 $0x0;
	[sflag:s17] =	ssyncadd.s32 $0xFFFFCE00  }
0x175: {  	v3 =	vld [tilespmem:s24+$0x12D80]  }
0x176: {  	v4 =	vld [tilespmem:s24+$0x12D90]  }
0x177: {  	v5 =	vld [tilespmem:s24+$0x12DA0]  }
0x178: {  	v6 =	vld [tilespmem:s24+$0x12DB0]  }
0x179: {  	v0 =	vld [tilespmem:s24+$0x12DC0]  }
0x17a: {  	v1 =	vld [tilespmem:s24+$0x12DD0]  }
0x17b: {  	v13 =	vld [tilespmem:s24+$0x12D00]  }
0x17c: {  	v15 =	vld [tilespmem:s24+$0x12D10]  }
0x17d: {  	v12 =	vld [tilespmem:s24+$0x12D20]  }
0x17e: {  	v14 =	vld [tilespmem:s24+$0x12D30]  }
0x17f: {  	v2 =	vld [tilespmem:s24+$0x12D40]  }
0x180: {  	v9 =	vld [tilespmem:s24+$0x12C80]  }
0x181: {  	v10 =	vld [tilespmem:s24+$0x12C90]  }
0x182: {  	v11 =	vld [tilespmem:s24+$0x12C00]  }
0x183: {  	v17 =	vld [tilespmem:s24+$0x12C10]  }
0x184: {  	v18 =	vld [tilespmem:s24+$0x12C20]  }
0x185: {  	v19 =	vld [tilespmem:s24+$0x12C30]  }
0x186: {  	v20 =	vld [tilespmem:s24+$0x12CA0]  }
0x187: {  	v24 =	vld [tilespmem:s24+$0x12CB0]  }
0x188: {  	v8 =	vimm.f32 $0.0e+00;
	v7 =	vld [tilespmem:s24+$0x12D50]  }
0x189: {  	v16 =	vld [tilespmem:s24+$0x12CC0];
	v11 =	vadd.f32 v11, v8;
	v22 =	vadd.f32 v17, v8  }
0x18a: {  	v17 =	vld [tilespmem:s24+$0x12CD0];
	v23 =	vadd.f32 v18, v8;
	v25 =	vadd.f32 v19, v8  }
0x18b: {  	v18 =	vld [tilespmem:s24+$0x12C40];
	v21 =	vadd.f32 v9, v11;
	v22 =	vadd.f32 v10, v22  }
0x18c: {  	v19 =	vld [tilespmem:s24+$0x12C50];
	v23 =	vadd.f32 v20, v23;
	v24 =	vadd.f32 v24, v25  }
0x18d: {  	s25 =	simm.s32 $0x800;
	v20 =	vld [tilespmem:s24+$0x12C60];
	v11 =	vimm.f32 $0.0e+00;
	v10 =	vimm.f32 $0.0e+00;
	v9 =	vimm.f32 $0.0e+00  }
.LBB2_11:
0x18e: {  	p1 =	sne.s32 s25, $0xC000;
	v25 =	vld [tilespmem:s24+$0x12C70];
	v13 =	vadd.f32 v13, v21;
	v15 =	vadd.f32 v15, v22  }
0x18f: {  	v21 =	vld [tilespmem:s24+$0x12CE0];
	v12 =	vadd.f32 v12, v23;
	v14 =	vadd.f32 v14, v24  }
0x190: {  	v22 =	vld [tilespmem:s24+$0x12CF0];
	v23 =	vadd.f32 v3, v13;
	v24 =	vadd.f32 v4, v15  }
0x191: {  	v13 =	vld [tilespmem:s24+$0x12D60];
	v26 =	vadd.f32 v5, v12;
	v27 =	vadd.f32 v6, v14  }
0x192: {  	v3 =	vadd.f32 v18, v8;
	v4 =	vadd.f32 v19, v11;
	v6 =	vld [tilespmem:s24+$0x12D70]  }
0x193: {  	v5 =	vadd.f32 v20, v10;
	v8 =	vadd.f32 v25, v9;
	v9 =	vld [tilespmem:s24+$0x12DE0]  }
0x194: {  	v10 =	vadd.f32 v16, v3;
	v11 =	vadd.f32 v17, v4;
	v12 =	vld [tilespmem:s24+$0x12DF0];
	s24 =	sshra.s32 s25, $0x2  }
0x195: {  	v14 =	vadd.f32 v21, v5;
	v3 =	vld [tilespmem:s24+$0x12D80];
	v8 =	vadd.f32 v22, v8  }
0x196: {  	v2 =	vadd.f32 v2, v10;
	v7 =	vadd.f32 v7, v11;
	v4 =	vld [tilespmem:s24+$0x12D90]  }
0x197: {  	v10 =	vadd.f32 v13, v14;
	v5 =	vld [tilespmem:s24+$0x12DA0];
	v13 =	vadd.f32 v6, v8  }
0x198: {  	v8 =	vadd.f32 v0, v2;
	v11 =	vadd.f32 v1, v7;
	v6 =	vld [tilespmem:s24+$0x12DB0]  }
0x199: {  	v10 =	vadd.f32 v9, v10;
	v0 =	vld [tilespmem:s24+$0x12DC0];
	v9 =	vadd.f32 v12, v13  }
0x19a: {  	v1 =	vld [tilespmem:s24+$0x12DD0]  }
0x19b: {  	v13 =	vld [tilespmem:s24+$0x12D00]  }
0x19c: {  	v15 =	vld [tilespmem:s24+$0x12D10]  }
0x19d: {  	v12 =	vld [tilespmem:s24+$0x12D20]  }
0x19e: {  	v14 =	vld [tilespmem:s24+$0x12D30]  }
0x19f: {  	v2 =	vld [tilespmem:s24+$0x12D40]  }
0x1a0: {  	v7 =	vld [tilespmem:s24+$0x12D50]  }
0x1a1: {  	v20 =	vld [tilespmem:s24+$0x12C80]  }
0x1a2: {  	v22 =	vld [tilespmem:s24+$0x12C90]  }
0x1a3: {  	v17 =	vld [tilespmem:s24+$0x12C00]  }
0x1a4: {  	v18 =	vld [tilespmem:s24+$0x12C10]  }
0x1a5: {  	v19 =	vld [tilespmem:s24+$0x12C20]  }
0x1a6: {  	v21 =	vld [tilespmem:s24+$0x12C30]  }
0x1a7: {  	v25 =	vld [tilespmem:s24+$0x12CA0]  }
0x1a8: {  	v28 =	vld [tilespmem:s24+$0x12CB0]  }
.Ltmp4:
0x1a9: {  	v16 =	vld [tilespmem:s24+$0x12CC0];
	(pc) =	sbr.rel @p1 .LBB2_11-.Ltmp4, $4  }
0x1aa: {  	v23 =	vadd.f32 v17, v23;
	v24 =	vadd.f32 v18, v24;
	v17 =	vld [tilespmem:s24+$0x12CD0]  }
0x1ab: {  	v26 =	vadd.f32 v19, v26;
	v27 =	vadd.f32 v21, v27;
	v18 =	vld [tilespmem:s24+$0x12C40]  }
0x1ac: {  	v21 =	vadd.f32 v20, v23;
	v22 =	vadd.f32 v22, v24;
	v19 =	vld [tilespmem:s24+$0x12C50]  }
0x1ad: {  	s25 =	sadd.s32 $0x800, s25;
	v23 =	vadd.f32 v25, v26;
	v20 =	vld [tilespmem:s24+$0x12C60];
	v24 =	vadd.f32 v28, v27  }
0x1ae: {  	v13 =	vadd.f32 v13, v21;
	v15 =	vadd.f32 v15, v22  }
0x1af: {  	v21 =	vld [tilespmem:s24+$0x12C70];
	v12 =	vadd.f32 v12, v23;
	v14 =	vadd.f32 v14, v24  }
0x1b0: {  	v22 =	vld [tilespmem:s24+$0x12CE0];
	v3 =	vadd.f32 v3, v13;
	v4 =	vadd.f32 v4, v15  }
0x1b1: {  	v13 =	vld [tilespmem:s24+$0x12CF0];
	v8 =	vadd.f32 v18, v8;
	v5 =	vadd.f32 v5, v12  }
0x1b2: {  	v12 =	vld [tilespmem:s24+$0x12D60];
	v6 =	vadd.f32 v6, v14;
	v11 =	vadd.f32 v19, v11  }
0x1b3: {  	v14 =	vld [tilespmem:s24+$0x12D70];
	v10 =	vadd.f32 v20, v10;
	v8 =	vadd.f32 v16, v8  }
0x1b4: {  	v15 =	vld [tilespmem:s24+$0x12DE0];
	v9 =	vadd.f32 v21, v9;
	v11 =	vadd.f32 v17, v11  }
0x1b5: {  	v16 =	vld [tilespmem:s24+$0x12DF0];
	v10 =	vadd.f32 v22, v10;
	v2 =	vadd.f32 v2, v8  }
0x1b6: {  	v8 =	vadd.f32 v13, v9;
	v7 =	vadd.f32 v7, v11  }
0x1b7: {  	v9 =	vadd.f32 v12, v10;
	v0 =	vadd.f32 v0, v2  }
0x1b8: {  	v2 =	vadd.f32 v14, v8;
	v1 =	vadd.f32 v1, v7  }
0x1b9: {  	v7 =	vadd.f32 v15, v9;
	v0 =	vadd.f32 v0, v3  }
0x1ba: {  	v2 =	vadd.f32 v16, v2;
	v1 =	vadd.f32 v1, v4  }
0x1bb: {  	v0 =	vmul.f32 $4.999999890e-03, v0;
	v3 =	vadd.f32 v7, v5  }
0x1bc: {  	v1 =	vmul.f32 $4.999999890e-03, v1;
	v2 =	vadd.f32 v2, v6  }
0x1bd: {  	[tilespmem:s22+$0x19100] =	vst v0;
	v0 =	vmul.f32 $4.999999890e-03, v3  }
0x1be: {  	[tilespmem:s22+$0x19110] =	vst v1;
	v1 =	vmul.f32 $4.999999890e-03, v2  }
0x1bf: {  	[tilespmem:s22+$0x19120] =	vst v0  }
0x1c0: {  	s25 =	simm.s32 @!p0 $0x68;
	s26 =	simm.s32 @!p0 $0x12C00;
	s24 =	sadd.s32 @!p0 $0x7D0, s23;
	[tilespmem:s22+$0x19130] =	vst v1  }
0x1c1: {  	[tilespmem:s26], [sflag:$0x5] =	stream.indirect.gather @!p0 [hbm4b:s3+s25], $0x40, s24, s25, $0xb8;
	[tilespmem:$0x1B000] =	vst v63  }
0x1c2: {  	s24 =	sadd.s32 @!p0 $0x838, s23;
	s25 =	simm.s32 @!p0 $0x60;
	s26 =	simm.s32 @!p0 $0x14600  }
0x1c3: {  	[tilespmem:s26], [sflag:$0x5] =	stream.indirect.gather @!p0 [hbm4b:s3+s25], $0x40, s24, s25, $0xb8;
	[tilespmem:$0x1B000] =	vst v63  }
0x1c4: {  	_ =	swait.ge [sflag:s18], $0x3200  }
0x1c5: {  	[sflag:s18] =	ssyncset.done $0x0  }
0x1c6: {  	s24 =	simm.s32 $0x0;
	[sflag:s18] =	ssyncadd.s32 $0xFFFFCE00  }
0x1c7: {  	v3 =	vld [tilespmem:s24+$0x15F80]  }
0x1c8: {  	v4 =	vld [tilespmem:s24+$0x15F90]  }
0x1c9: {  	v5 =	vld [tilespmem:s24+$0x15FA0]  }
0x1ca: {  	v6 =	vld [tilespmem:s24+$0x15FB0]  }
0x1cb: {  	v0 =	vld [tilespmem:s24+$0x15FC0]  }
0x1cc: {  	v1 =	vld [tilespmem:s24+$0x15FD0]  }
0x1cd: {  	v13 =	vld [tilespmem:s24+$0x15F00]  }
0x1ce: {  	v15 =	vld [tilespmem:s24+$0x15F10]  }
0x1cf: {  	v12 =	vld [tilespmem:s24+$0x15F20]  }
0x1d0: {  	v14 =	vld [tilespmem:s24+$0x15F30]  }
0x1d1: {  	v2 =	vld [tilespmem:s24+$0x15F40]  }
0x1d2: {  	v9 =	vld [tilespmem:s24+$0x15E80]  }
0x1d3: {  	v10 =	vld [tilespmem:s24+$0x15E90]  }
0x1d4: {  	v11 =	vld [tilespmem:s24+$0x15E00]  }
0x1d5: {  	v17 =	vld [tilespmem:s24+$0x15E10]  }
0x1d6: {  	v18 =	vld [tilespmem:s24+$0x15E20]  }
0x1d7: {  	v19 =	vld [tilespmem:s24+$0x15E30]  }
0x1d8: {  	v20 =	vld [tilespmem:s24+$0x15EA0]  }
0x1d9: {  	v24 =	vld [tilespmem:s24+$0x15EB0]  }
0x1da: {  	v8 =	vimm.f32 $0.0e+00;
	v7 =	vld [tilespmem:s24+$0x15F50]  }
0x1db: {  	v16 =	vld [tilespmem:s24+$0x15EC0];
	v11 =	vadd.f32 v11, v8;
	v22 =	vadd.f32 v17, v8  }
0x1dc: {  	v17 =	vld [tilespmem:s24+$0x15ED0];
	v23 =	vadd.f32 v18, v8;
	v25 =	vadd.f32 v19, v8  }
0x1dd: {  	v18 =	vld [tilespmem:s24+$0x15E40];
	v21 =	vadd.f32 v9, v11;
	v22 =	vadd.f32 v10, v22  }
0x1de: {  	v19 =	vld [tilespmem:s24+$0x15E50];
	v23 =	vadd.f32 v20, v23;
	v24 =	vadd.f32 v24, v25  }
0x1df: {  	s25 =	simm.s32 $0x800;
	v20 =	vld [tilespmem:s24+$0x15E60];
	v11 =	vimm.f32 $0.0e+00;
	v10 =	vimm.f32 $0.0e+00;
	v9 =	vimm.f32 $0.0e+00  }
.LBB2_13:
0x1e0: {  	p1 =	sne.s32 s25, $0xC000;
	v25 =	vld [tilespmem:s24+$0x15E70];
	v13 =	vadd.f32 v13, v21;
	v15 =	vadd.f32 v15, v22  }
0x1e1: {  	v21 =	vld [tilespmem:s24+$0x15EE0];
	v12 =	vadd.f32 v12, v23;
	v14 =	vadd.f32 v14, v24  }
0x1e2: {  	v22 =	vld [tilespmem:s24+$0x15EF0];
	v23 =	vadd.f32 v3, v13;
	v24 =	vadd.f32 v4, v15  }
0x1e3: {  	v13 =	vld [tilespmem:s24+$0x15F60];
	v26 =	vadd.f32 v5, v12;
	v27 =	vadd.f32 v6, v14  }
0x1e4: {  	v3 =	vadd.f32 v18, v8;
	v4 =	vadd.f32 v19, v11;
	v6 =	vld [tilespmem:s24+$0x15F70]  }
0x1e5: {  	v5 =	vadd.f32 v20, v10;
	v8 =	vadd.f32 v25, v9;
	v9 =	vld [tilespmem:s24+$0x15FE0]  }
0x1e6: {  	v10 =	vadd.f32 v16, v3;
	v11 =	vadd.f32 v17, v4;
	v12 =	vld [tilespmem:s24+$0x15FF0];
	s24 =	sshra.s32 s25, $0x2  }
0x1e7: {  	v14 =	vadd.f32 v21, v5;
	v3 =	vld [tilespmem:s24+$0x15F80];
	v8 =	vadd.f32 v22, v8  }
0x1e8: {  	v2 =	vadd.f32 v2, v10;
	v7 =	vadd.f32 v7, v11;
	v4 =	vld [tilespmem:s24+$0x15F90]  }
0x1e9: {  	v10 =	vadd.f32 v13, v14;
	v5 =	vld [tilespmem:s24+$0x15FA0];
	v13 =	vadd.f32 v6, v8  }
0x1ea: {  	v8 =	vadd.f32 v0, v2;
	v11 =	vadd.f32 v1, v7;
	v6 =	vld [tilespmem:s24+$0x15FB0]  }
0x1eb: {  	v10 =	vadd.f32 v9, v10;
	v0 =	vld [tilespmem:s24+$0x15FC0];
	v9 =	vadd.f32 v12, v13  }
0x1ec: {  	v1 =	vld [tilespmem:s24+$0x15FD0]  }
0x1ed: {  	v13 =	vld [tilespmem:s24+$0x15F00]  }
0x1ee: {  	v15 =	vld [tilespmem:s24+$0x15F10]  }
0x1ef: {  	v12 =	vld [tilespmem:s24+$0x15F20]  }
0x1f0: {  	v14 =	vld [tilespmem:s24+$0x15F30]  }
0x1f1: {  	v2 =	vld [tilespmem:s24+$0x15F40]  }
0x1f2: {  	v7 =	vld [tilespmem:s24+$0x15F50]  }
0x1f3: {  	v20 =	vld [tilespmem:s24+$0x15E80]  }
0x1f4: {  	v22 =	vld [tilespmem:s24+$0x15E90]  }
0x1f5: {  	v17 =	vld [tilespmem:s24+$0x15E00]  }
0x1f6: {  	v18 =	vld [tilespmem:s24+$0x15E10]  }
0x1f7: {  	v19 =	vld [tilespmem:s24+$0x15E20]  }
0x1f8: {  	v21 =	vld [tilespmem:s24+$0x15E30]  }
0x1f9: {  	v25 =	vld [tilespmem:s24+$0x15EA0]  }
0x1fa: {  	v28 =	vld [tilespmem:s24+$0x15EB0]  }
.Ltmp5:
0x1fb: {  	v16 =	vld [tilespmem:s24+$0x15EC0];
	(pc) =	sbr.rel @p1 .LBB2_13-.Ltmp5, $4  }
0x1fc: {  	v23 =	vadd.f32 v17, v23;
	v24 =	vadd.f32 v18, v24;
	v17 =	vld [tilespmem:s24+$0x15ED0]  }
0x1fd: {  	v26 =	vadd.f32 v19, v26;
	v27 =	vadd.f32 v21, v27;
	v18 =	vld [tilespmem:s24+$0x15E40]  }
0x1fe: {  	v21 =	vadd.f32 v20, v23;
	v22 =	vadd.f32 v22, v24;
	v19 =	vld [tilespmem:s24+$0x15E50]  }
0x1ff: {  	s25 =	sadd.s32 $0x800, s25;
	v23 =	vadd.f32 v25, v26;
	v20 =	vld [tilespmem:s24+$0x15E60];
	v24 =	vadd.f32 v28, v27  }
0x200: {  	v13 =	vadd.f32 v13, v21;
	v15 =	vadd.f32 v15, v22  }
0x201: {  	v50 =	vld [tilespmem:s24+$0x15E70];
	v12 =	vadd.f32 v12, v23;
	v14 =	vadd.f32 v14, v24  }
0x202: {  	v51 =	vld [tilespmem:s24+$0x15EE0];
	v3 =	vadd.f32 v3, v13;
	v4 =	vadd.f32 v4, v15  }
0x203: {  	v52 =	vld [tilespmem:s24+$0x15EF0];
	v8 =	vadd.f32 v18, v8;
	v5 =	vadd.f32 v5, v12  }
0x204: {  	v53 =	vld [tilespmem:s24+$0x15F60];
	v6 =	vadd.f32 v6, v14;
	v11 =	vadd.f32 v19, v11  }
0x205: {  	v54 =	vld [tilespmem:s24+$0x15F70];
	v10 =	vadd.f32 v20, v10;
	v8 =	vadd.f32 v16, v8  }
0x206: {  	v55 =	vld [tilespmem:s24+$0x15FE0];
	v9 =	vadd.f32 v50, v9;
	v11 =	vadd.f32 v17, v11  }
0x207: {  	v56 =	vld [tilespmem:s24+$0x15FF0];
	v10 =	vadd.f32 v51, v10;
	v2 =	vadd.f32 v2, v8  }
0x208: {  	v57 =	vadd.f32 v52, v9;
	v7 =	vadd.f32 v7, v11  }
0x209: {  	v58 =	vadd.f32 v53, v10;
	v0 =	vadd.f32 v0, v2  }
0x20a: {  	v59 =	vadd.f32 v54, v57;
	v1 =	vadd.f32 v1, v7  }
0x20b: {  	v60 =	vadd.f32 v55, v58;
	v0 =	vadd.f32 v0, v3  }
0x20c: {  	v2 =	vadd.f32 v56, v59;
	v1 =	vadd.f32 v1, v4  }
0x20d: {  	v0 =	vmul.f32 $4.999999890e-03, v0;
	v61 =	vadd.f32 v60, v5  }
.Ltmp6:
0x20e: {  	v1 =	vmul.f32 $4.999999890e-03, v1;
	v2 =	vadd.f32 v2, v6;
	(pc) =	sbr.rel @p0 .LBB2_16-.Ltmp6, $4  }
0x20f: {  	[tilespmem:s22+$0x19140] =	vst v0;
	v62 =	vmul.f32 $4.999999890e-03, v61  }
0x210: {  	[tilespmem:s22+$0x19150] =	vst v1;
	v63 =	vmul.f32 $4.999999890e-03, v2  }
0x211: {  	[tilespmem:s22+$0x19160] =	vst v62  }
0x212: {  	[tilespmem:s22+$0x19170] =	vst v63  }
.Ltmp7:
0x213: {  	(pc) =	sbr.rel .LBB2_2-.Ltmp7, $4  }
0x214: {  	s22 =	sadd.s32 $0x898, s23  }
0x215: {  	[tilespmem:s30], [sflag:$0x6] =	stream.indirect.gather [hbm4b:s3+s8], $0x40, s22, s8, $0xb8;
	[tilespmem:$0x1B000] =	vst v63  }
0x216: {  	s26 =	sadd.s32 $0x900, s23;
	s21 =	sadd.s32 $0x1, s21  }
0x217: {  	[tilespmem:s1], [sflag:$0x6] =	stream.indirect.gather [hbm4b:s3+s10], $0x40, s26, s10, $0xb8;
	[tilespmem:$0x1B000] =	vst v63  }
.LBB2_16:
0x218: {  	_ =	swait.ge [sflag:s0], $0x3200  }
0x219: {  	[sflag:s0] =	ssyncset.done $0x0  }
0x21a: {  	s21 =	simm.s32 $0x0;
	[sflag:s0] =	ssyncadd.s32 $0xFFFFCE00  }
0x21b: {  	v3 =	vld [tilespmem:s21+$0x6580]  }
0x21c: {  	v4 =	vld [tilespmem:s21+$0x6590]  }
0x21d: {  	v5 =	vld [tilespmem:s21+$0x65A0]  }
0x21e: {  	v6 =	vld [tilespmem:s21+$0x65B0]  }
0x21f: {  	v0 =	vld [tilespmem:s21+$0x65C0]  }
0x220: {  	v1 =	vld [tilespmem:s21+$0x65D0]  }
0x221: {  	v13 =	vld [tilespmem:s21+$0x6500]  }
0x222: {  	v15 =	vld [tilespmem:s21+$0x6510]  }
0x223: {  	v12 =	vld [tilespmem:s21+$0x6520]  }
0x224: {  	v14 =	vld [tilespmem:s21+$0x6530]  }
0x225: {  	v2 =	vld [tilespmem:s21+$0x6540]  }
0x226: {  	v9 =	vld [tilespmem:s21+$0x6480]  }
0x227: {  	v10 =	vld [tilespmem:s21+$0x6490]  }
0x228: {  	v11 =	vld [tilespmem:s21+$0x6400]  }
0x229: {  	v17 =	vld [tilespmem:s21+$0x6410]  }
0x22a: {  	v18 =	vld [tilespmem:s21+$0x6420]  }
0x22b: {  	v19 =	vld [tilespmem:s21+$0x6430]  }
0x22c: {  	v20 =	vld [tilespmem:s21+$0x64A0]  }
0x22d: {  	v24 =	vld [tilespmem:s21+$0x64B0]  }
0x22e: {  	v8 =	vimm.f32 $0.0e+00;
	v7 =	vld [tilespmem:s21+$0x6550]  }
0x22f: {  	v16 =	vld [tilespmem:s21+$0x64C0];
	v11 =	vadd.f32 v11, v8;
	v22 =	vadd.f32 v17, v8  }
0x230: {  	v17 =	vld [tilespmem:s21+$0x64D0];
	v23 =	vadd.f32 v18, v8;
	v25 =	vadd.f32 v19, v8  }
0x231: {  	v18 =	vld [tilespmem:s21+$0x6440];
	v21 =	vadd.f32 v9, v11;
	v22 =	vadd.f32 v10, v22  }
0x232: {  	v19 =	vld [tilespmem:s21+$0x6450];
	v23 =	vadd.f32 v20, v23;
	v24 =	vadd.f32 v24, v25  }
0x233: {  	s22 =	simm.s32 $0x800;
	v20 =	vld [tilespmem:s21+$0x6460];
	v11 =	vimm.f32 $0.0e+00;
	v10 =	vimm.f32 $0.0e+00;
	v9 =	vimm.f32 $0.0e+00  }
.LBB2_17:
0x234: {  	p0 =	sne.s32 s22, $0xC000;
	v25 =	vld [tilespmem:s21+$0x6470];
	v13 =	vadd.f32 v13, v21;
	v15 =	vadd.f32 v15, v22  }
0x235: {  	v21 =	vld [tilespmem:s21+$0x64E0];
	v12 =	vadd.f32 v12, v23;
	v14 =	vadd.f32 v14, v24  }
0x236: {  	v22 =	vld [tilespmem:s21+$0x64F0];
	v23 =	vadd.f32 v3, v13;
	v24 =	vadd.f32 v4, v15  }
0x237: {  	v13 =	vld [tilespmem:s21+$0x6560];
	v26 =	vadd.f32 v5, v12;
	v27 =	vadd.f32 v6, v14  }
0x238: {  	v3 =	vadd.f32 v18, v8;
	v4 =	vadd.f32 v19, v11;
	v6 =	vld [tilespmem:s21+$0x6570]  }
0x239: {  	v5 =	vadd.f32 v20, v10;
	v8 =	vadd.f32 v25, v9;
	v9 =	vld [tilespmem:s21+$0x65E0]  }
0x23a: {  	v10 =	vadd.f32 v16, v3;
	v11 =	vadd.f32 v17, v4;
	v12 =	vld [tilespmem:s21+$0x65F0];
	s21 =	sshra.s32 s22, $0x2  }
0x23b: {  	v14 =	vadd.f32 v21, v5;
	v3 =	vld [tilespmem:s21+$0x6580];
	v8 =	vadd.f32 v22, v8  }
0x23c: {  	v2 =	vadd.f32 v2, v10;
	v7 =	vadd.f32 v7, v11;
	v4 =	vld [tilespmem:s21+$0x6590]  }
0x23d: {  	v10 =	vadd.f32 v13, v14;
	v5 =	vld [tilespmem:s21+$0x65A0];
	v13 =	vadd.f32 v6, v8  }
0x23e: {  	v8 =	vadd.f32 v0, v2;
	v11 =	vadd.f32 v1, v7;
	v6 =	vld [tilespmem:s21+$0x65B0]  }
0x23f: {  	v10 =	vadd.f32 v9, v10;
	v0 =	vld [tilespmem:s21+$0x65C0];
	v9 =	vadd.f32 v12, v13  }
0x240: {  	v1 =	vld [tilespmem:s21+$0x65D0]  }
0x241: {  	v13 =	vld [tilespmem:s21+$0x6500]  }
0x242: {  	v15 =	vld [tilespmem:s21+$0x6510]  }
0x243: {  	v12 =	vld [tilespmem:s21+$0x6520]  }
0x244: {  	v14 =	vld [tilespmem:s21+$0x6530]  }
0x245: {  	v2 =	vld [tilespmem:s21+$0x6540]  }
0x246: {  	v7 =	vld [tilespmem:s21+$0x6550]  }
0x247: {  	v20 =	vld [tilespmem:s21+$0x6480]  }
0x248: {  	v22 =	vld [tilespmem:s21+$0x6490]  }
0x249: {  	v17 =	vld [tilespmem:s21+$0x6400]  }
0x24a: {  	v18 =	vld [tilespmem:s21+$0x6410]  }
0x24b: {  	v19 =	vld [tilespmem:s21+$0x6420]  }
0x24c: {  	v21 =	vld [tilespmem:s21+$0x6430]  }
0x24d: {  	v25 =	vld [tilespmem:s21+$0x64A0]  }
0x24e: {  	v28 =	vld [tilespmem:s21+$0x64B0]  }
.Ltmp8:
0x24f: {  	v16 =	vld [tilespmem:s21+$0x64C0];
	(pc) =	sbr.rel @p0 .LBB2_17-.Ltmp8, $4  }
0x250: {  	v23 =	vadd.f32 v17, v23;
	v24 =	vadd.f32 v18, v24;
	v17 =	vld [tilespmem:s21+$0x64D0]  }
0x251: {  	v26 =	vadd.f32 v19, v26;
	v27 =	vadd.f32 v21, v27;
	v18 =	vld [tilespmem:s21+$0x6440]  }
0x252: {  	v21 =	vadd.f32 v20, v23;
	v22 =	vadd.f32 v22, v24;
	v19 =	vld [tilespmem:s21+$0x6450]  }
0x253: {  	s22 =	sadd.s32 $0x800, s22;
	v23 =	vadd.f32 v25, v26;
	v20 =	vld [tilespmem:s21+$0x6460];
	v24 =	vadd.f32 v28, v27  }
0x254: {  	v13 =	vadd.f32 v13, v21;
	v15 =	vadd.f32 v15, v22  }
0x255: {  	v21 =	vld [tilespmem:s21+$0x6470];
	v12 =	vadd.f32 v12, v23;
	v14 =	vadd.f32 v14, v24  }
0x256: {  	v22 =	vld [tilespmem:s21+$0x64E0];
	v3 =	vadd.f32 v3, v13;
	v4 =	vadd.f32 v4, v15  }
0x257: {  	v13 =	vld [tilespmem:s21+$0x64F0];
	v8 =	vadd.f32 v18, v8;
	v5 =	vadd.f32 v5, v12  }
0x258: {  	v12 =	vld [tilespmem:s21+$0x6560];
	v6 =	vadd.f32 v6, v14;
	v11 =	vadd.f32 v19, v11  }
0x259: {  	v14 =	vld [tilespmem:s21+$0x6570];
	v10 =	vadd.f32 v20, v10;
	v8 =	vadd.f32 v16, v8  }
0x25a: {  	v15 =	vld [tilespmem:s21+$0x65E0];
	v9 =	vadd.f32 v21, v9;
	v11 =	vadd.f32 v17, v11  }
0x25b: {  	v16 =	vld [tilespmem:s21+$0x65F0];
	v10 =	vadd.f32 v22, v10;
	v2 =	vadd.f32 v2, v8  }
0x25c: {  	v8 =	vadd.f32 v13, v9;
	v7 =	vadd.f32 v7, v11  }
0x25d: {  	v9 =	vadd.f32 v12, v10;
	v0 =	vadd.f32 v0, v2  }
0x25e: {  	v2 =	vadd.f32 v14, v8;
	v1 =	vadd.f32 v1, v7  }
0x25f: {  	v7 =	vadd.f32 v15, v9;
	v0 =	vadd.f32 v0, v3  }
0x260: {  	v2 =	vadd.f32 v16, v2;
	v1 =	vadd.f32 v1, v4  }
0x261: {  	v0 =	vmul.f32 $4.999999890e-03, v0;
	v3 =	vadd.f32 v7, v5  }
0x262: {  	v1 =	vmul.f32 $4.999999890e-03, v1;
	v2 =	vadd.f32 v2, v6  }
0x263: {  	[tilespmem:$0x1AF80] =	vst v0;
	v0 =	vmul.f32 $4.999999890e-03, v3  }
0x264: {  	[tilespmem:$0x1AF90] =	vst v1;
	v1 =	vmul.f32 $4.999999890e-03, v2  }
0x265: {  	[tilespmem:$0x1AFA0] =	vst v0  }
0x266: {  	[tilespmem:$0x1AFB0] =	vst v1  }
0x267: {  	_ =	swait.ge [sflag:s12], $0x3200  }
0x268: {  	[sflag:s12] =	ssyncset.done $0x0  }
0x269: {  	s21 =	simm.s32 $0x0;
	[sflag:s12] =	ssyncadd.s32 $0xFFFFCE00  }
0x26a: {  	v3 =	vld [tilespmem:s21+$0x9780]  }
0x26b: {  	v4 =	vld [tilespmem:s21+$0x9790]  }
0x26c: {  	v5 =	vld [tilespmem:s21+$0x97A0]  }
0x26d: {  	v6 =	vld [tilespmem:s21+$0x97B0]  }
0x26e: {  	v0 =	vld [tilespmem:s21+$0x97C0]  }
0x26f: {  	v1 =	vld [tilespmem:s21+$0x97D0]  }
0x270: {  	v13 =	vld [tilespmem:s21+$0x9700]  }
0x271: {  	v15 =	vld [tilespmem:s21+$0x9710]  }
0x272: {  	v12 =	vld [tilespmem:s21+$0x9720]  }
0x273: {  	v14 =	vld [tilespmem:s21+$0x9730]  }
0x274: {  	v2 =	vld [tilespmem:s21+$0x9740]  }
0x275: {  	v9 =	vld [tilespmem:s21+$0x9680]  }
0x276: {  	v10 =	vld [tilespmem:s21+$0x9690]  }
0x277: {  	v11 =	vld [tilespmem:s21+$0x9600]  }
0x278: {  	v17 =	vld [tilespmem:s21+$0x9610]  }
0x279: {  	v18 =	vld [tilespmem:s21+$0x9620]  }
0x27a: {  	v19 =	vld [tilespmem:s21+$0x9630]  }
0x27b: {  	v20 =	vld [tilespmem:s21+$0x96A0]  }
0x27c: {  	v24 =	vld [tilespmem:s21+$0x96B0]  }
0x27d: {  	v8 =	vimm.f32 $0.0e+00;
	v7 =	vld [tilespmem:s21+$0x9750]  }
0x27e: {  	v16 =	vld [tilespmem:s21+$0x96C0];
	v11 =	vadd.f32 v11, v8;
	v22 =	vadd.f32 v17, v8  }
0x27f: {  	v17 =	vld [tilespmem:s21+$0x96D0];
	v23 =	vadd.f32 v18, v8;
	v25 =	vadd.f32 v19, v8  }
0x280: {  	v18 =	vld [tilespmem:s21+$0x9640];
	v21 =	vadd.f32 v9, v11;
	v22 =	vadd.f32 v10, v22  }
0x281: {  	v19 =	vld [tilespmem:s21+$0x9650];
	v23 =	vadd.f32 v20, v23;
	v24 =	vadd.f32 v24, v25  }
0x282: {  	s22 =	simm.s32 $0x800;
	v20 =	vld [tilespmem:s21+$0x9660];
	v11 =	vimm.f32 $0.0e+00;
	v10 =	vimm.f32 $0.0e+00;
	v9 =	vimm.f32 $0.0e+00  }
.LBB2_19:
0x283: {  	p0 =	sne.s32 s22, $0xC000;
	v25 =	vld [tilespmem:s21+$0x9670];
	v13 =	vadd.f32 v13, v21;
	v15 =	vadd.f32 v15, v22  }
0x284: {  	v21 =	vld [tilespmem:s21+$0x96E0];
	v12 =	vadd.f32 v12, v23;
	v14 =	vadd.f32 v14, v24  }
0x285: {  	v22 =	vld [tilespmem:s21+$0x96F0];
	v23 =	vadd.f32 v3, v13;
	v24 =	vadd.f32 v4, v15  }
0x286: {  	v13 =	vld [tilespmem:s21+$0x9760];
	v26 =	vadd.f32 v5, v12;
	v27 =	vadd.f32 v6, v14  }
0x287: {  	v3 =	vadd.f32 v18, v8;
	v4 =	vadd.f32 v19, v11;
	v6 =	vld [tilespmem:s21+$0x9770]  }
0x288: {  	v5 =	vadd.f32 v20, v10;
	v8 =	vadd.f32 v25, v9;
	v9 =	vld [tilespmem:s21+$0x97E0]  }
0x289: {  	v10 =	vadd.f32 v16, v3;
	v11 =	vadd.f32 v17, v4;
	v12 =	vld [tilespmem:s21+$0x97F0];
	s21 =	sshra.s32 s22, $0x2  }
0x28a: {  	v14 =	vadd.f32 v21, v5;
	v3 =	vld [tilespmem:s21+$0x9780];
	v8 =	vadd.f32 v22, v8  }
0x28b: {  	v2 =	vadd.f32 v2, v10;
	v7 =	vadd.f32 v7, v11;
	v4 =	vld [tilespmem:s21+$0x9790]  }
0x28c: {  	v10 =	vadd.f32 v13, v14;
	v5 =	vld [tilespmem:s21+$0x97A0];
	v13 =	vadd.f32 v6, v8  }
0x28d: {  	v8 =	vadd.f32 v0, v2;
	v11 =	vadd.f32 v1, v7;
	v6 =	vld [tilespmem:s21+$0x97B0]  }
0x28e: {  	v10 =	vadd.f32 v9, v10;
	v0 =	vld [tilespmem:s21+$0x97C0];
	v9 =	vadd.f32 v12, v13  }
0x28f: {  	v1 =	vld [tilespmem:s21+$0x97D0]  }
0x290: {  	v13 =	vld [tilespmem:s21+$0x9700]  }
0x291: {  	v15 =	vld [tilespmem:s21+$0x9710]  }
0x292: {  	v12 =	vld [tilespmem:s21+$0x9720]  }
0x293: {  	v14 =	vld [tilespmem:s21+$0x9730]  }
0x294: {  	v2 =	vld [tilespmem:s21+$0x9740]  }
0x295: {  	v7 =	vld [tilespmem:s21+$0x9750]  }
0x296: {  	v20 =	vld [tilespmem:s21+$0x9680]  }
0x297: {  	v22 =	vld [tilespmem:s21+$0x9690]  }
0x298: {  	v17 =	vld [tilespmem:s21+$0x9600]  }
0x299: {  	v18 =	vld [tilespmem:s21+$0x9610]  }
0x29a: {  	v19 =	vld [tilespmem:s21+$0x9620]  }
0x29b: {  	v21 =	vld [tilespmem:s21+$0x9630]  }
0x29c: {  	v25 =	vld [tilespmem:s21+$0x96A0]  }
0x29d: {  	v28 =	vld [tilespmem:s21+$0x96B0]  }
.Ltmp9:
0x29e: {  	v16 =	vld [tilespmem:s21+$0x96C0];
	(pc) =	sbr.rel @p0 .LBB2_19-.Ltmp9, $4  }
0x29f: {  	v23 =	vadd.f32 v17, v23;
	v24 =	vadd.f32 v18, v24;
	v17 =	vld [tilespmem:s21+$0x96D0]  }
0x2a0: {  	v26 =	vadd.f32 v19, v26;
	v27 =	vadd.f32 v21, v27;
	v18 =	vld [tilespmem:s21+$0x9640]  }
0x2a1: {  	v21 =	vadd.f32 v20, v23;
	v22 =	vadd.f32 v22, v24;
	v19 =	vld [tilespmem:s21+$0x9650]  }
0x2a2: {  	s22 =	sadd.s32 $0x800, s22;
	v23 =	vadd.f32 v25, v26;
	v20 =	vld [tilespmem:s21+$0x9660];
	v24 =	vadd.f32 v28, v27  }
0x2a3: {  	v13 =	vadd.f32 v13, v21;
	v15 =	vadd.f32 v15, v22  }
0x2a4: {  	v50 =	vld [tilespmem:s21+$0x9670];
	v12 =	vadd.f32 v12, v23;
	v14 =	vadd.f32 v14, v24  }
0x2a5: {  	v51 =	vld [tilespmem:s21+$0x96E0];
	v3 =	vadd.f32 v3, v13;
	v4 =	vadd.f32 v4, v15  }
0x2a6: {  	v52 =	vld [tilespmem:s21+$0x96F0];
	v8 =	vadd.f32 v18, v8;
	v5 =	vadd.f32 v5, v12  }
0x2a7: {  	v53 =	vld [tilespmem:s21+$0x9760];
	v6 =	vadd.f32 v6, v14;
	v11 =	vadd.f32 v19, v11  }
0x2a8: {  	v54 =	vld [tilespmem:s21+$0x9770];
	v10 =	vadd.f32 v20, v10;
	v8 =	vadd.f32 v16, v8  }
0x2a9: {  	v55 =	vld [tilespmem:s21+$0x97E0];
	v9 =	vadd.f32 v50, v9;
	v11 =	vadd.f32 v17, v11  }
0x2aa: {  	v56 =	vld [tilespmem:s21+$0x97F0];
	v10 =	vadd.f32 v51, v10;
	v2 =	vadd.f32 v2, v8  }
0x2ab: {  	v57 =	vadd.f32 v52, v9;
	v7 =	vadd.f32 v7, v11  }
0x2ac: {  	v58 =	vadd.f32 v53, v10;
	v0 =	vadd.f32 v0, v2  }
0x2ad: {  	v59 =	vadd.f32 v54, v57;
	v1 =	vadd.f32 v1, v7  }
0x2ae: {  	v60 =	vadd.f32 v55, v58;
	v0 =	vadd.f32 v0, v3  }
0x2af: {  	v2 =	vadd.f32 v56, v59;
	v1 =	vadd.f32 v1, v4  }
0x2b0: {  	v0 =	vmul.f32 $4.999999890e-03, v0;
	v61 =	vadd.f32 v60, v5  }
0x2b1: {  	v1 =	vmul.f32 $4.999999890e-03, v1;
	v2 =	vadd.f32 v2, v6  }
0x2b2: {  	[tilespmem:$0x1AFC0] =	vst v0;
	v62 =	vmul.f32 $4.999999890e-03, v61  }
0x2b3: {  	s20 =	sadd.s32 $0x1, s20;
	[tilespmem:$0x1AFD0] =	vst v1;
	v63 =	vmul.f32 $4.999999890e-03, v2  }
0x2b4: {  	p0 =	sne.s32 s20, s6;
	[tilespmem:$0x1AFE0] =	vst v62  }
.Ltmp10:
0x2b5: {  	[tilespmem:$0x1AFF0] =	vst v63;
	(pc) =	sbr.rel @p0 .LBB2_1-.Ltmp10, $4  }
0x2b6: {  	[hbm4b:s5+s2] =	stream.linear.scatter [tilespmem:s19], [sflag:$0x7], $0x2000, $0x38;
	[tilespmem:$0x1B000] =	vst v63  }
0x2b7: {  	_ =	swait.ge [sflag:s7], $0x2000  }
0x2b8: {  	[sflag:s7] =	ssyncset.done $0x0  }
0x2b9: {  	[sflag:s7] =	ssyncadd.s32 $0xFFFFE000  }
0x2ba: {  	_ =	sfence.sel $0x180000  }
0x2bb: {  	[bflag:$0x0] =	sbarrier.arrive $0xFFFF  }
0x2bc: {  	_ =	strace $0x90000047  }
0x2bd: {  	s0 =	stileid.u32;
	[bflag:$0x2] =	sbarrier.arrive $0xFFFF  }
0x2be: {  	p0 =	sne.s32 s0, $0x0;
	s0 =	rddreg [dreg:$0x2]  }
0x2bf: {  	s0 =	sadd.s32 @!p0 $0x100000, s0  }
0x2c0: {  	[sflag:s0] =	ssyncadd.tile.s32 @!p0 $0x1;
	_ =	shalt  }
.Lfunc_end2:
_tile_overlayer_lowered:
.L_overlay_start_2:
0x2c1: {  	(tag) =	ssettag $0x2  }
0x2c2: {  	s0 =	rddreg [dreg:$0x0];
	s2 =	stileid.u32  }
0x2c3: {  	s1 =	rddreg [dreg:$0x1];
	p0 =	sne.s32 s2, $0x0  }
0x2c4: {  	s3 =	rddreg [dreg:$0x2];
	[bflag:$0x3] =	sbarrier.arrive $0xFFFF;
	s2 =	simm.s32 @!p0 $0x1C07  }
0x2c5: {  	[timem:s3], [sflag:s2] =	dma.local @!p0 [hbm:s0], s1  }
0x2c6: {  	s0 =	simm.s32 @!p0 $0x7  }
0x2c7: {  	_ =	swait.ge @!p0 [sflag:s0], s1  }
0x2c8: {  	s1 =	ssub.s32 @!p0 $0x0, s1;
	[sflag:s0] =	ssyncset.done @!p0 $0x0  }
0x2c9: {  	[sflag:s0] =	ssyncadd.s32 @!p0 s1  }
0x2ca: {  	[bflag:$0x3] =	sbarrier.arrive $0xFFFF  }
0x2cb: {  	_ =	shalt  }

</sc_bundles>
